<compile_context>
chip_gen: v7x
topology: tpu7x:2x2x1
jax: 0.10.2.dev20260603
libtpu: 0.0.44.dev20260713+nightly
codegen_flags: <defaults>
</compile_context>

<pallas_src>
import functools

import jax
import jax.numpy as jnp
from jax import lax
from jax.experimental import pallas as pl
from jax.experimental.pallas import tpu as pltpu
from jax.experimental.pallas import tpu_sc as plsc

_D = 1024
_F = 512
_E = 64
_T = 2048
_CAP = 80
_S = _E * _CAP
_EPAD = 2
_BUF_ROWS = (_E + _EPAD) * _CAP
_NC = 2
_NS = 16
_L = 16
_NW = _NC * _NS
_TPW = _T // _NW
_CHUNK = 32
_EPB = 2



def _router_body(x_ref, wr_ref, meta_ref, g_ref, xb_ref):
    x = x_ref[...]
    wr = wr_ref[...]
    logits = jnp.dot(x, wr, preferred_element_type=jnp.float32)
    m = jnp.max(logits, axis=-1, keepdims=True)
    p = jnp.exp(logits - m)
    probs = p / jnp.sum(p, axis=-1, keepdims=True)
    ief = lax.broadcasted_iota(jnp.int32, (_T, _E), 1).astype(jnp.float32)
    v0 = jnp.max(probs, axis=-1, keepdims=True)
    i0 = jnp.min(jnp.where(probs == v0, ief, float(_E)),
                 axis=-1, keepdims=True)
    probs2 = jnp.where(ief == i0, -1.0, probs)
    v1 = jnp.max(probs2, axis=-1, keepdims=True)
    i1 = jnp.min(jnp.where(probs2 == v1, ief, float(_E)),
                 axis=-1, keepdims=True)
    denom = v0 + v1
    g0 = v0 / denom
    g1 = v1 / denom
    oh0 = jnp.where(ief == i0, 1.0, 0.0)
    oh1 = jnp.where(ief == i1, 1.0, 0.0)
    a = oh0 + oh1
    nchunk = 8
    rows = _T // nchunk
    ir = lax.broadcasted_iota(jnp.int32, (rows, rows), 0)
    ic = lax.broadcasted_iota(jnp.int32, (rows, rows), 1)
    ltri = jnp.where(ir >= ic, 1.0, 0.0)
    carry = jnp.zeros((1, _E), jnp.float32)
    pieces = []
    for c in range(nchunk):
        ac = lax.slice(a, (c * rows, 0), ((c + 1) * rows, _E))
        pc = jnp.dot(ltri, ac, preferred_element_type=jnp.float32)
        pieces.append(pc - ac + carry)
        carry = carry + lax.slice(pc, (rows - 1, 0), (rows, _E))
    st = jnp.concatenate(pieces, axis=0)
    pos0 = jnp.sum(st * oh0, axis=-1, keepdims=True)
    pos1 = jnp.sum((st + oh0) * oh1, axis=-1, keepdims=True)
    keep0 = pos0 < _CAP
    keep1 = pos1 < _CAP
    d0 = i0 * _CAP + pos0
    d1 = i1 * _CAP + pos1
    dmeta = jnp.concatenate(
        [jnp.where(keep0, d0, float(_S)),
         jnp.where(keep1, d1, float(_S)),
         jnp.where(keep0, d0, float(_S)),
         jnp.where(keep1, d1, float(_S))], axis=1)
    meta_ref[...] = jnp.transpose(dmeta).astype(jnp.int32)
    ipf = lax.broadcasted_iota(jnp.int32, (_T, _CAP), 1).astype(jnp.float32)
    ohp0 = jnp.where(ipf == pos0, 1.0, 0.0)
    ohp1 = jnp.where(ipf == pos1, 1.0, 0.0)
    a0 = oh0 * jnp.where(keep0, g0, 0.0)
    a1 = oh1 * jnp.where(keep1, g1, 0.0)
    dn = (((0,), (0,)), ((), ()))
    gm = lax.dot_general(jnp.concatenate([a0, a1], axis=0),
                         jnp.concatenate([ohp0, ohp1], axis=0),
                         dn, precision=lax.Precision.HIGHEST)
    gfull = jnp.concatenate(
        [gm, jnp.zeros((_EPAD, _CAP), jnp.float32)], axis=0)
    g_ref[...] = gfull.reshape((_E + _EPAD) // _EPB, _EPB, _CAP)
    u0 = lax.bitcast_convert_type(
        x[:, :_D // 2].astype(jnp.bfloat16), jnp.uint16).astype(jnp.uint32)
    u1 = lax.bitcast_convert_type(
        x[:, _D // 2:].astype(jnp.bfloat16), jnp.uint16).astype(jnp.uint32)
    xb_ref[...] = lax.bitcast_convert_type(
        u0 | (u1 << jnp.uint32(16)), jnp.float32)


_router = pl.pallas_call(
    _router_body,
    out_shape=[
        jax.ShapeDtypeStruct((4, _T), jnp.int32),
        jax.ShapeDtypeStruct(((_E + _EPAD) // _EPB, _EPB, _CAP), jnp.float32),
        jax.ShapeDtypeStruct((_T, _D // 2), jnp.float32),
    ],
)



def _wid():
    return lax.axis_index("s") * _NC + lax.axis_index("c")


@functools.cache
def _sc_kernels():
    mesh = plsc.VectorSubcoreMesh(
        core_axis_name="c", subcore_axis_name="s", num_cores=_NC)

    @functools.partial(
        pl.kernel,
        out_type=jax.ShapeDtypeStruct((_BUF_ROWS, _D // 2), jnp.float32),
        mesh=mesh,
        scratch_types=[
            pltpu.VMEM((_TPW,), jnp.int32),
            pltpu.VMEM((_TPW,), jnp.int32),
            pltpu.VMEM((_TPW, _D // 2), jnp.float32),
            pltpu.SemaphoreType.DMA,
            pltpu.SemaphoreType.DMA,
            pltpu.SemaphoreType.DMA,
        ],
    )
    def dispatch(x_hbm, meta_hbm, buf_hbm,
                 idx0_v, idx1_v, rows_v, semx, sem0, sem1):
        base = _wid() * _TPW
        cpx = pltpu.async_copy(x_hbm.at[pl.ds(base, _TPW)], rows_v, semx)
        pltpu.sync_copy(meta_hbm.at[0, pl.ds(base, _TPW)], idx0_v)
        pltpu.sync_copy(meta_hbm.at[1, pl.ds(base, _TPW)], idx1_v)
        cpx.wait()
        cp0 = pltpu.async_copy(rows_v, buf_hbm.at[idx0_v], sem0)
        cp1 = pltpu.async_copy(rows_v, buf_hbm.at[idx1_v], sem1)
        cp0.wait()
        cp1.wait()

    @functools.partial(
        pl.kernel,
        out_type=jax.ShapeDtypeStruct((_T, _D), jnp.float32),
        mesh=mesh,
        scratch_types=[
            pltpu.VMEM((_TPW,), jnp.int32),
            pltpu.VMEM((_TPW,), jnp.int32),
            pltpu.VMEM((_CHUNK, _D), jnp.float32),
            pltpu.VMEM((_CHUNK, _D), jnp.float32),
            pltpu.VMEM((_CHUNK, _D), jnp.float32),
            pltpu.SemaphoreType.DMA,
            pltpu.SemaphoreType.DMA,
            pltpu.SemaphoreType.DMA,
        ],
    )
    def combine(eout_hbm, meta_hbm, out_hbm,
                idx0_v, idx1_v, r0_v, r1_v, o_v,
                sem0, sem1, semo):
        base = _wid() * _TPW
        pltpu.sync_copy(meta_hbm.at[2, pl.ds(base, _TPW)], idx0_v)
        pltpu.sync_copy(meta_hbm.at[3, pl.ds(base, _TPW)], idx1_v)

        def do_chunk(ci, rs_v, wsem):
            cp0 = pltpu.async_copy(
                eout_hbm.at[idx0_v.at[pl.ds(ci * _CHUNK, _CHUNK)]], rs_v, sem0)
            cp1 = pltpu.async_copy(
                eout_hbm.at[idx1_v.at[pl.ds(ci * _CHUNK, _CHUNK)]], r1_v, sem1)
            cp0.wait()
            cp1.wait()

            def tok_body(t, _):
                for v in range(_D // _L):
                    sl = pl.ds(v * _L, _L)
                    rs_v[t, sl] = rs_v[t, sl] + r1_v[t, sl]
                return 0

            lax.fori_loop(0, _CHUNK, tok_body, 0)
            return pltpu.async_copy(
                rs_v, out_hbm.at[pl.ds(base + ci * _CHUNK, _CHUNK)], wsem)

        w0 = do_chunk(0, r0_v, semo)
        w1 = do_chunk(1, o_v, semo)
        w0.wait()
        w1.wait()

    return dispatch, combine





def _ffn_body(buf_ref, w1_ref, w2_ref, g_ref, out_ref):
    for i in range(_EPB):
        u = lax.bitcast_convert_type(
            buf_ref[pl.ds(i * _CAP, _CAP), :], jnp.uint32)
        lo = lax.bitcast_convert_type(
            (u & jnp.uint32(0xFFFF)).astype(jnp.uint16), jnp.bfloat16)
        hi = lax.bitcast_convert_type(
            (u >> jnp.uint32(16)).astype(jnp.uint16), jnp.bfloat16)
        b = jnp.concatenate(
            [lo.astype(jnp.float32), hi.astype(jnp.float32)], axis=1)
        b = jnp.where(jnp.abs(b) < 1e30, b, 0.0)
        h = jnp.dot(b, w1_ref[i], preferred_element_type=jnp.float32)
        h = h * lax.logistic(h)
        o = jnp.dot(h, w2_ref[i], preferred_element_type=jnp.float32)
        out_ref[pl.ds(i * _CAP, _CAP), :] = o * g_ref[0, i][:, None]


_ffn = pl.pallas_call(
    _ffn_body,
    grid=((_E + _EPAD) // _EPB,),
    in_specs=[
        pl.BlockSpec((_EPB * _CAP, _D // 2), lambda e: (e, 0)),
        pl.BlockSpec((_EPB, _D, _F),
                     lambda e: (jnp.minimum(e, _E // _EPB - 1), 0, 0)),
        pl.BlockSpec((_EPB, _F, _D),
                     lambda e: (jnp.minimum(e, _E // _EPB - 1), 0, 0)),
        pl.BlockSpec((1, _EPB, _CAP), lambda e: (e, 0, 0)),
    ],
    out_specs=pl.BlockSpec((_EPB * _CAP, _D), lambda e: (e, 0)),
    out_shape=jax.ShapeDtypeStruct((_BUF_ROWS, _D), jnp.float32),
)



def kernel(x, w_router, w1, w2):
    dispatch, combine = _sc_kernels()
    meta, g, xb = _router(x, w_router)
    buf = dispatch(xb, meta)
    eout = _ffn(buf, w1, w2, g)
    return combine(eout, meta)

# --- scband reference (transcript-rebuilt; emitter-appended) ---
"""Pipeline reference for scband-model-63556926046481 (READ-ONLY COPY).

The authoritative reference and input builder live on the scoring server;
editing this copy changes nothing except your own understanding.
"""

import jax, jax.numpy as jnp
import numpy as np

D_MODEL = 1024
D_FF = 512
E = 64
TOP_K = 2
T = 2048
CAP = 80  # ceil(T*TOP_K/E * 1.25)


def setup_inputs(seed: int = 0) -> dict:
    key = jax.random.key(seed)
    k1, k2, k3, k4 = jax.random.split(key, 4)
    x = jax.random.normal(k1, (T, D_MODEL), dtype=jnp.float32)
    w_router = jax.random.normal(k2, (D_MODEL, E), dtype=jnp.float32) * 0.02
    w1 = jax.random.normal(k3, (E, D_MODEL, D_FF), dtype=jnp.float32) * 0.02
    w2 = jax.random.normal(k4, (E, D_FF, D_MODEL), dtype=jnp.float32) * 0.02
    return {"x": x, "w_router": w_router, "w1": w1, "w2": w2}


def _moe(x, w_router, w1, w2):
    T_, d = x.shape
    # router: logits -> softmax -> top-k experts per token
    logits = x @ w_router                              # [T, E]
    probs = jax.nn.softmax(logits, axis=-1)
    topv, topi = jax.lax.top_k(probs, TOP_K)           # [T, k]
    gates = topv / jnp.sum(topv, axis=-1, keepdims=True)
    # capacity-bounded dispatch: position of each (token, k) slot within its expert
    oh = jax.nn.one_hot(topi, E, dtype=jnp.float32).reshape(T_ * TOP_K, E)
    pos = (jnp.cumsum(oh, axis=0) - 1.0) * oh          # position within expert
    pos_in_e = jnp.sum(pos, axis=-1).astype(jnp.int32) # [T*k]
    expert_flat = topi.reshape(-1)                     # [T*k]
    token_flat = jnp.repeat(jnp.arange(T_), TOP_K)     # [T*k]
    keep = pos_in_e < CAP
    dest = jnp.where(keep, expert_flat * CAP + pos_in_e, E * CAP)
    # scatter tokens into per-expert capacity buffers (overwrite); slot E*CAP is a trash slot for dropped tokens
    buf = jnp.zeros((E * CAP + 1, d), dtype=x.dtype).at[dest].set(x[token_flat])
    ein = buf[:E * CAP].reshape(E, CAP, d)
    # expert FFN (SiLU gated style collapsed to SiLU MLP)
    h = jnp.einsum('ecd,edf->ecf', ein, w1)
    h = jax.nn.silu(h)
    eout = jnp.einsum('ecf,efd->ecd', h, w2).reshape(E * CAP, d)
    # gather expert outputs back and combine with gate weights (scatter-add over token ids)
    gathered = jnp.where(keep[:, None], eout[jnp.clip(dest, 0, E * CAP - 1)], 0.0)
    gate_flat = gates.reshape(-1)
    out = jnp.zeros((T_, d), dtype=x.dtype).at[token_flat].add(gathered * gate_flat[:, None])
    return out


def reference(x, w_router, w1, w2):
    return _moe(x, w_router, w1, w2)

if __name__ == "__main__":
    import jax
    _d = setup_inputs()
    print(jax.jit(kernel)(*tuple(_d.values())))

</pallas_src>

<mosaic_0001>
#map = affine_map<(d0, d1) -> (0, 0)>
module attributes {stable_mosaic.version = 14 : i64} {
  func.func @combine(%arg0: i32, %arg1: i32, %arg2: memref<5280x1024xf32, #tpu.memory_space<hbm>>, %arg3: memref<4x2048xi32, #tpu.memory_space<hbm>>, %arg4: memref<2048x1024xf32, #tpu.memory_space<hbm>>, %arg5: memref<64xi32, #tpu.memory_space<vmem>>, %arg6: memref<64xi32, #tpu.memory_space<vmem>>, %arg7: memref<32x1024xf32, #tpu.memory_space<vmem>>, %arg8: memref<32x1024xf32, #tpu.memory_space<vmem>>, %arg9: memref<32x1024xf32, #tpu.memory_space<vmem>>, %arg10: memref<!tpu.dma_semaphore, #tpu.memory_space<semaphore_mem>>, %arg11: memref<!tpu.dma_semaphore, #tpu.memory_space<semaphore_mem>>, %arg12: memref<!tpu.dma_semaphore, #tpu.memory_space<semaphore_mem>>) attributes {dimension_semantics = [#tpu.dimension_semantics<core_parallel>, #tpu.dimension_semantics<subcore_parallel>], iteration_bounds = array<i64: 2, 16>, scalar_prefetch = 0 : i64, scratch_operands = 8 : i64, tpu.core_type = #tpu.core_type<sc_vector_subcore>, window_params = [{transform_indices = #map}, {transform_indices = #map}, {transform_indices = #map}]} {
    %mul3A = arith.constant 2 : i32
    %mul3A_0 = arith.muli %arg1, %mul3A : i32
    %add3A = arith.addi %mul3A_0, %arg0 : i32
    %mul3A_1 = arith.constant 64 : i32
    %mul3A_2 = arith.muli %add3A, %mul3A_1 : i32
    %run_scoped3A = arith.constant 2 : i32
    "tpu.region"() ({
      %run_scoped3A_75 = tpu.sem_alloc : memref<!tpu.dma_semaphore, #tpu.memory_space<semaphore_mem>>
      %dma_start3A_76 = tpu.memref_slice %arg3[%run_scoped3A, %mul3A_2] : memref<4x2048xi32, #tpu.memory_space<hbm>> -> memref<1x64xi32, #tpu.memory_space<hbm>>
      %dma_start3A_77 = tpu.memref_squeeze %dma_start3A_76 : memref<1x64xi32, #tpu.memory_space<hbm>> -> memref<64xi32, #tpu.memory_space<hbm>>
      %dma_start3A_78 = tpu.memref_slice %arg3[%run_scoped3A, %mul3A_2] : memref<4x2048xi32, #tpu.memory_space<hbm>> -> memref<1x64xi32, #tpu.memory_space<hbm>>
      %dma_start3A_79 = tpu.memref_squeeze %dma_start3A_78 : memref<1x64xi32, #tpu.memory_space<hbm>> -> memref<64xi32, #tpu.memory_space<hbm>>
      tpu.enqueue_dma source(%dma_start3A_79 : memref<64xi32, #tpu.memory_space<hbm>>) target(%arg5 : memref<64xi32, #tpu.memory_space<vmem>>) target_semaphore(%run_scoped3A_75 : memref<!tpu.dma_semaphore, #tpu.memory_space<semaphore_mem>>)
      %dma_wait3A_80 = tpu.memref_slice %arg3[%run_scoped3A, %mul3A_2] : memref<4x2048xi32, #tpu.memory_space<hbm>> -> memref<1x64xi32, #tpu.memory_space<hbm>>
      %dma_wait3A_81 = tpu.memref_squeeze %dma_wait3A_80 : memref<1x64xi32, #tpu.memory_space<hbm>> -> memref<64xi32, #tpu.memory_space<hbm>>
      %dma_wait3A_82 = tpu.memref_slice %arg3[%run_scoped3A, %mul3A_2] : memref<4x2048xi32, #tpu.memory_space<hbm>> -> memref<1x64xi32, #tpu.memory_space<hbm>>
      %dma_wait3A_83 = tpu.memref_squeeze %dma_wait3A_82 : memref<1x64xi32, #tpu.memory_space<hbm>> -> memref<64xi32, #tpu.memory_space<hbm>>
      tpu.wait_dma2 semaphore(%run_scoped3A_75 : memref<!tpu.dma_semaphore, #tpu.memory_space<semaphore_mem>>) src(%dma_wait3A_83 : memref<64xi32, #tpu.memory_space<hbm>>) dst(%arg5 : memref<64xi32, #tpu.memory_space<vmem>>)
      tpu.yield
    }) : () -> ()
    %run_scoped3A_3 = arith.constant 3 : i32
    "tpu.region"() ({
      %run_scoped3A_75 = tpu.sem_alloc : memref<!tpu.dma_semaphore, #tpu.memory_space<semaphore_mem>>
      %dma_start3A_76 = tpu.memref_slice %arg3[%run_scoped3A_3, %mul3A_2] : memref<4x2048xi32, #tpu.memory_space<hbm>> -> memref<1x64xi32, #tpu.memory_space<hbm>>
      %dma_start3A_77 = tpu.memref_squeeze %dma_start3A_76 : memref<1x64xi32, #tpu.memory_space<hbm>> -> memref<64xi32, #tpu.memory_space<hbm>>
      %dma_start3A_78 = tpu.memref_slice %arg3[%run_scoped3A_3, %mul3A_2] : memref<4x2048xi32, #tpu.memory_space<hbm>> -> memref<1x64xi32, #tpu.memory_space<hbm>>
      %dma_start3A_79 = tpu.memref_squeeze %dma_start3A_78 : memref<1x64xi32, #tpu.memory_space<hbm>> -> memref<64xi32, #tpu.memory_space<hbm>>
      tpu.enqueue_dma source(%dma_start3A_79 : memref<64xi32, #tpu.memory_space<hbm>>) target(%arg6 : memref<64xi32, #tpu.memory_space<vmem>>) target_semaphore(%run_scoped3A_75 : memref<!tpu.dma_semaphore, #tpu.memory_space<semaphore_mem>>)
      %dma_wait3A_80 = tpu.memref_slice %arg3[%run_scoped3A_3, %mul3A_2] : memref<4x2048xi32, #tpu.memory_space<hbm>> -> memref<1x64xi32, #tpu.memory_space<hbm>>
      %dma_wait3A_81 = tpu.memref_squeeze %dma_wait3A_80 : memref<1x64xi32, #tpu.memory_space<hbm>> -> memref<64xi32, #tpu.memory_space<hbm>>
      %dma_wait3A_82 = tpu.memref_slice %arg3[%run_scoped3A_3, %mul3A_2] : memref<4x2048xi32, #tpu.memory_space<hbm>> -> memref<1x64xi32, #tpu.memory_space<hbm>>
      %dma_wait3A_83 = tpu.memref_squeeze %dma_wait3A_82 : memref<1x64xi32, #tpu.memory_space<hbm>> -> memref<64xi32, #tpu.memory_space<hbm>>
      tpu.wait_dma2 semaphore(%run_scoped3A_75 : memref<!tpu.dma_semaphore, #tpu.memory_space<semaphore_mem>>) src(%dma_wait3A_83 : memref<64xi32, #tpu.memory_space<hbm>>) dst(%arg6 : memref<64xi32, #tpu.memory_space<vmem>>)
      tpu.yield
    }) : () -> ()
    %dma_start3A = arith.constant 0 : i32
    %dma_start3A_4 = tpu.memref_slice %arg5[%dma_start3A] : memref<64xi32, #tpu.memory_space<vmem>> -> memref<32xi32, #tpu.memory_space<vmem>>
    %dma_start3A_5 = arith.constant 0 : i32
    %dma_start3A_6 = arith.constant 0 : i32
    %dma_start3A_7 = tpu.memref_slice %arg2[%dma_start3A_5, %dma_start3A_6] : memref<5280x1024xf32, #tpu.memory_space<hbm>> -> memref<5280x1024xf32, #tpu.memory_space<hbm>>
    tpu.enqueue_indirect_dma source(%dma_start3A_7 : memref<5280x1024xf32, #tpu.memory_space<hbm>>) target(%arg7 : memref<32x1024xf32, #tpu.memory_space<vmem>>) offsets(%dma_start3A_4 : memref<32xi32, #tpu.memory_space<vmem>>) semaphore(%arg10 : memref<!tpu.dma_semaphore, #tpu.memory_space<semaphore_mem>>)
    %dma_start3A_8 = arith.constant 0 : i32
    %dma_start3A_9 = tpu.memref_slice %arg6[%dma_start3A_8] : memref<64xi32, #tpu.memory_space<vmem>> -> memref<32xi32, #tpu.memory_space<vmem>>
    %dma_start3A_10 = arith.constant 0 : i32
    %dma_start3A_11 = arith.constant 0 : i32
    %dma_start3A_12 = tpu.memref_slice %arg2[%dma_start3A_10, %dma_start3A_11] : memref<5280x1024xf32, #tpu.memory_space<hbm>> -> memref<5280x1024xf32, #tpu.memory_space<hbm>>
    tpu.enqueue_indirect_dma source(%dma_start3A_12 : memref<5280x1024xf32, #tpu.memory_space<hbm>>) target(%arg8 : memref<32x1024xf32, #tpu.memory_space<vmem>>) offsets(%dma_start3A_9 : memref<32xi32, #tpu.memory_space<vmem>>) semaphore(%arg11 : memref<!tpu.dma_semaphore, #tpu.memory_space<semaphore_mem>>)
    %dma_wait3A = arith.constant 0 : i32
    %dma_wait3A_13 = tpu.memref_slice %arg5[%dma_wait3A] : memref<64xi32, #tpu.memory_space<vmem>> -> memref<32xi32, #tpu.memory_space<vmem>>
    %dma_wait3A_14 = arith.constant 0 : i32
    %dma_wait3A_15 = arith.constant 0 : i32
    %dma_wait3A_16 = tpu.memref_slice %arg2[%dma_wait3A_14, %dma_wait3A_15] : memref<5280x1024xf32, #tpu.memory_space<hbm>> -> memref<5280x1024xf32, #tpu.memory_space<hbm>>
    tpu.wait_indirect_dma semaphore(%arg10 : memref<!tpu.dma_semaphore, #tpu.memory_space<semaphore_mem>>) src(%dma_wait3A_16 : memref<5280x1024xf32, #tpu.memory_space<hbm>>) dst(%arg7 : memref<32x1024xf32, #tpu.memory_space<vmem>>)
    %dma_wait3A_17 = arith.constant 0 : i32
    %dma_wait3A_18 = tpu.memref_slice %arg6[%dma_wait3A_17] : memref<64xi32, #tpu.memory_space<vmem>> -> memref<32xi32, #tpu.memory_space<vmem>>
    %dma_wait3A_19 = arith.constant 0 : i32
    %dma_wait3A_20 = arith.constant 0 : i32
    %dma_wait3A_21 = tpu.memref_slice %arg2[%dma_wait3A_19, %dma_wait3A_20] : memref<5280x1024xf32, #tpu.memory_space<hbm>> -> memref<5280x1024xf32, #tpu.memory_space<hbm>>
    tpu.wait_indirect_dma semaphore(%arg11 : memref<!tpu.dma_semaphore, #tpu.memory_space<semaphore_mem>>) src(%dma_wait3A_21 : memref<5280x1024xf32, #tpu.memory_space<hbm>>) dst(%arg8 : memref<32x1024xf32, #tpu.memory_space<vmem>>)
    %scan3A = arith.constant 0 : i32
    %scan3A_22 = arith.constant 0 : i32
    %scan3A_23 = arith.constant 32 : i32
    %scan3A_24 = arith.addi %scan3A_22, %scan3A_23 : i32
    %scan3A_25 = arith.constant 1 : i32
    %scan3A_26 = scf.for %scan3A_75 = %scan3A_22 to %scan3A_24 step %scan3A_25 iter_args(%scan3A_76 = %scan3A) -> (i32)  : i32 {
      %get3A = arith.index_cast %scan3A_75 : i32 to index
      %get3A_77 = arith.constant 0 : index
      %get3A_78 = tpu.vector_load %arg7[%get3A, %get3A_77] {strides = array<i32>} : memref<32x1024xf32, #tpu.memory_space<vmem>>, vector<1x16xf32>,
      %get3A_79 = vector.shape_cast %get3A_78 : vector<1x16xf32> to vector<16xf32>
      %get3A_80 = arith.index_cast %scan3A_75 : i32 to index
      %get3A_81 = arith.constant 0 : index
      %get3A_82 = tpu.vector_load %arg8[%get3A_80, %get3A_81] {strides = array<i32>} : memref<32x1024xf32, #tpu.memory_space<vmem>>, vector<1x16xf32>,
      %get3A_83 = vector.shape_cast %get3A_82 : vector<1x16xf32> to vector<16xf32>
      %add3A_84 = arith.addf %get3A_79, %get3A_83 : vector<16xf32>
      %swap3A = arith.index_cast %scan3A_75 : i32 to index
      %swap3A_85 = arith.constant 0 : index
      %swap3A_86 = tpu.vector_load %arg7[%swap3A, %swap3A_85] {strides = array<i32>} : memref<32x1024xf32, #tpu.memory_space<vmem>>, vector<1x16xf32>,
      %swap3A_87 = vector.shape_cast %swap3A_86 : vector<1x16xf32> to vector<16xf32>
      %swap3A_88 = vector.shape_cast %add3A_84 : vector<16xf32> to vector<1x16xf32>
      tpu.vector_store %arg7[%swap3A, %swap3A_85], %swap3A_88 {strides = array<i32>} : memref<32x1024xf32, #tpu.memory_space<vmem>>, vector<1x16xf32>,
      %get3A_89 = arith.index_cast %scan3A_75 : i32 to index
      %get3A_90 = arith.constant 16 : index
      %get3A_91 = tpu.vector_load %arg7[%get3A_89, %get3A_90] {strides = array<i32>} : memref<32x1024xf32, #tpu.memory_space<vmem>>, vector<1x16xf32>,
      %get3A_92 = vector.shape_cast %get3A_91 : vector<1x16xf32> to vector<16xf32>
      %get3A_93 = arith.index_cast %scan3A_75 : i32 to index
      %get3A_94 = arith.constant 16 : index
      %get3A_95 = tpu.vector_load %arg8[%get3A_93, %get3A_94] {strides = array<i32>} : memref<32x1024xf32, #tpu.memory_space<vmem>>, vector<1x16xf32>,
      %get3A_96 = vector.shape_cast %get3A_95 : vector<1x16xf32> to vector<16xf32>
      %add3A_97 = arith.addf %get3A_92, %get3A_96 : vector<16xf32>
      %swap3A_98 = arith.index_cast %scan3A_75 : i32 to index
      %swap3A_99 = arith.constant 16 : index
      %swap3A_100 = tpu.vector_load %arg7[%swap3A_98, %swap3A_99] {strides = array<i32>} : memref<32x1024xf32, #tpu.memory_space<vmem>>, vector<1x16xf32>,
      %swap3A_101 = vector.shape_cast %swap3A_100 : vector<1x16xf32> to vector<16xf32>
      %swap3A_102 = vector.shape_cast %add3A_97 : vector<16xf32> to vector<1x16xf32>
      tpu.vector_store %arg7[%swap3A_98, %swap3A_99], %swap3A_102 {strides = array<i32>} : memref<32x1024xf32, #tpu.memory_space<vmem>>, vector<1x16xf32>,
      %get3A_103 = arith.index_cast %scan3A_75 : i32 to index
      %get3A_104 = arith.constant 32 : index
      %get3A_105 = tpu.vector_load %arg7[%get3A_103, %get3A_104] {strides = array<i32>} : memref<32x1024xf32, #tpu.memory_space<vmem>>, vector<1x16xf32>,
      %get3A_106 = vector.shape_cast %get3A_105 : vector<1x16xf32> to vector<16xf32>
      %get3A_107 = arith.index_cast %scan3A_75 : i32 to index
      %get3A_108 = arith.constant 32 : index
      %get3A_109 = tpu.vector_load %arg8[%get3A_107, %get3A_108] {strides = array<i32>} : memref<32x1024xf32, #tpu.memory_space<vmem>>, vector<1x16xf32>,
      %get3A_110 = vector.shape_cast %get3A_109 : vector<1x16xf32> to vector<16xf32>
      %add3A_111 = arith.addf %get3A_106, %get3A_110 : vector<16xf32>
      %swap3A_112 = arith.index_cast %scan3A_75 : i32 to index
      %swap3A_113 = arith.constant 32 : index
      %swap3A_114 = tpu.vector_load %arg7[%swap3A_112, %swap3A_113] {strides = array<i32>} : memref<32x1024xf32, #tpu.memory_space<vmem>>, vector<1x16xf32>,
      %swap3A_115 = vector.shape_cast %swap3A_114 : vector<1x16xf32> to vector<16xf32>
      %swap3A_116 = vector.shape_cast %add3A_111 : vector<16xf32> to vector<1x16xf32>
      tpu.vector_store %arg7[%swap3A_112, %swap3A_113], %swap3A_116 {strides = array<i32>} : memref<32x1024xf32, #tpu.memory_space<vmem>>, vector<1x16xf32>,
      %get3A_117 = arith.index_cast %scan3A_75 : i32 to index
      %get3A_118 = arith.constant 48 : index
      %get3A_119 = tpu.vector_load %arg7[%get3A_117, %get3A_118] {strides = array<i32>} : memref<32x1024xf32, #tpu.memory_space<vmem>>, vector<1x16xf32>,
      %get3A_120 = vector.shape_cast %get3A_119 : vector<1x16xf32> to vector<16xf32>
      %get3A_121 = arith.index_cast %scan3A_75 : i32 to index
      %get3A_122 = arith.constant 48 : index
      %get3A_123 = tpu.vector_load %arg8[%get3A_121, %get3A_122] {strides = array<i32>} : memref<32x1024xf32, #tpu.memory_space<vmem>>, vector<1x16xf32>,
      %get3A_124 = vector.shape_cast %get3A_123 : vector<1x16xf32> to vector<16xf32>
      %add3A_125 = arith.addf %get3A_120, %get3A_124 : vector<16xf32>
      %swap3A_126 = arith.index_cast %scan3A_75 : i32 to index
      %swap3A_127 = arith.constant 48 : index
      %swap3A_128 = tpu.vector_load %arg7[%swap3A_126, %swap3A_127] {strides = array<i32>} : memref<32x1024xf32, #tpu.memory_space<vmem>>, vector<1x16xf32>,
      %swap3A_129 = vector.shape_cast %swap3A_128 : vector<1x16xf32> to vector<16xf32>
      %swap3A_130 = vector.shape_cast %add3A_125 : vector<16xf32> to vector<1x16xf32>
      tpu.vector_store %arg7[%swap3A_126, %swap3A_127], %swap3A_130 {strides = array<i32>} : memref<32x1024xf32, #tpu.memory_space<vmem>>, vector<1x16xf32>,
      %get3A_131 = arith.index_cast %scan3A_75 : i32 to index
      %get3A_132 = arith.constant 64 : index
      %get3A_133 = tpu.vector_load %arg7[%get3A_131, %get3A_132] {strides = array<i32>} : memref<32x1024xf32, #tpu.memory_space<vmem>>, vector<1x16xf32>,
      %get3A_134 = vector.shape_cast %get3A_133 : vector<1x16xf32> to vector<16xf32>
      %get3A_135 = arith.index_cast %scan3A_75 : i32 to index
      %get3A_136 = arith.constant 64 : index
      %get3A_137 = tpu.vector_load %arg8[%get3A_135, %get3A_136] {strides = array<i32>} : memref<32x1024xf32, #tpu.memory_space<vmem>>, vector<1x16xf32>,
      %get3A_138 = vector.shape_cast %get3A_137 : vector<1x16xf32> to vector<16xf32>
      %add3A_139 = arith.addf %get3A_134, %get3A_138 : vector<16xf32>
      %swap3A_140 = arith.index_cast %scan3A_75 : i32 to index
      %swap3A_141 = arith.constant 64 : index
      %swap3A_142 = tpu.vector_load %arg7[%swap3A_140, %swap3A_141] {strides = array<i32>} : memref<32x1024xf32, #tpu.memory_space<vmem>>, vector<1x16xf32>,
      %swap3A_143 = vector.shape_cast %swap3A_142 : vector<1x16xf32> to vector<16xf32>
      %swap3A_144 = vector.shape_cast %add3A_139 : vector<16xf32> to vector<1x16xf32>
      tpu.vector_store %arg7[%swap3A_140, %swap3A_141], %swap3A_144 {strides = array<i32>} : memref<32x1024xf32, #tpu.memory_space<vmem>>, vector<1x16xf32>,
      %get3A_145 = arith.index_cast %scan3A_75 : i32 to index
      %get3A_146 = arith.constant 80 : index
      %get3A_147 = tpu.vector_load %arg7[%get3A_145, %get3A_146] {strides = array<i32>} : memref<32x1024xf32, #tpu.memory_space<vmem>>, vector<1x16xf32>,
      %get3A_148 = vector.shape_cast %get3A_147 : vector<1x16xf32> to vector<16xf32>
      %get3A_149 = arith.index_cast %scan3A_75 : i32 to index
      %get3A_150 = arith.constant 80 : index
      %get3A_151 = tpu.vector_load %arg8[%get3A_149, %get3A_150] {strides = array<i32>} : memref<32x1024xf32, #tpu.memory_space<vmem>>, vector<1x16xf32>,
      %get3A_152 = vector.shape_cast %get3A_151 : vector<1x16xf32> to vector<16xf32>
      %add3A_153 = arith.addf %get3A_148, %get3A_152 : vector<16xf32>
      %swap3A_154 = arith.index_cast %scan3A_75 : i32 to index
      %swap3A_155 = arith.constant 80 : index
      %swap3A_156 = tpu.vector_load %arg7[%swap3A_154, %swap3A_155] {strides = array<i32>} : memref<32x1024xf32, #tpu.memory_space<vmem>>, vector<1x16xf32>,
      %swap3A_157 = vector.shape_cast %swap3A_156 : vector<1x16xf32> to vector<16xf32>
      %swap3A_158 = vector.shape_cast %add3A_153 : vector<16xf32> to vector<1x16xf32>
      tpu.vector_store %arg7[%swap3A_154, %swap3A_155], %swap3A_158 {strides = array<i32>} : memref<32x1024xf32, #tpu.memory_space<vmem>>, vector<1x16xf32>,
      %get3A_159 = arith.index_cast %scan3A_75 : i32 to index
      %get3A_160 = arith.constant 96 : index
      %get3A_161 = tpu.vector_load %arg7[%get3A_159, %get3A_160] {strides = array<i32>} : memref<32x1024xf32, #tpu.memory_space<vmem>>, vector<1x16xf32>,
      %get3A_162 = vector.shape_cast %get3A_161 : vector<1x16xf32> to vector<16xf32>
      %get3A_163 = arith.index_cast %scan3A_75 : i32 to index
      %get3A_164 = arith.constant 96 : index
      %get3A_165 = tpu.vector_load %arg8[%get3A_163, %get3A_164] {strides = array<i32>} : memref<32x1024xf32, #tpu.memory_space<vmem>>, vector<1x16xf32>,
      %get3A_166 = vector.shape_cast %get3A_165 : vector<1x16xf32> to vector<16xf32>
      %add3A_167 = arith.addf %get3A_162, %get3A_166 : vector<16xf32>
      %swap3A_168 = arith.index_cast %scan3A_75 : i32 to index
      %swap3A_169 = arith.constant 96 : index
      %swap3A_170 = tpu.vector_load %arg7[%swap3A_168, %swap3A_169] {strides = array<i32>} : memref<32x1024xf32, #tpu.memory_space<vmem>>, vector<1x16xf32>,
      %swap3A_171 = vector.shape_cast %swap3A_170 : vector<1x16xf32> to vector<16xf32>
      %swap3A_172 = vector.shape_cast %add3A_167 : vector<16xf32> to vector<1x16xf32>
      tpu.vector_store %arg7[%swap3A_168, %swap3A_169], %swap3A_172 {strides = array<i32>} : memref<32x1024xf32, #tpu.memory_space<vmem>>, vector<1x16xf32>,
      %get3A_173 = arith.index_cast %scan3A_75 : i32 to index
      %get3A_174 = arith.constant 112 : index
      %get3A_175 = tpu.vector_load %arg7[%get3A_173, %get3A_174] {strides = array<i32>} : memref<32x1024xf32, #tpu.memory_space<vmem>>, vector<1x16xf32>,
      %get3A_176 = vector.shape_cast %get3A_175 : vector<1x16xf32> to vector<16xf32>
      %get3A_177 = arith.index_cast %scan3A_75 : i32 to index
      %get3A_178 = arith.constant 112 : index
      %get3A_179 = tpu.vector_load %arg8[%get3A_177, %get3A_178] {strides = array<i32>} : memref<32x1024xf32, #tpu.memory_space<vmem>>, vector<1x16xf32>,
      %get3A_180 = vector.shape_cast %get3A_179 : vector<1x16xf32> to vector<16xf32>
      %add3A_181 = arith.addf %get3A_176, %get3A_180 : vector<16xf32>
      %swap3A_182 = arith.index_cast %scan3A_75 : i32 to index
      %swap3A_183 = arith.constant 112 : index
      %swap3A_184 = tpu.vector_load %arg7[%swap3A_182, %swap3A_183] {strides = array<i32>} : memref<32x1024xf32, #tpu.memory_space<vmem>>, vector<1x16xf32>,
      %swap3A_185 = vector.shape_cast %swap3A_184 : vector<1x16xf32> to vector<16xf32>
      %swap3A_186 = vector.shape_cast %add3A_181 : vector<16xf32> to vector<1x16xf32>
      tpu.vector_store %arg7[%swap3A_182, %swap3A_183], %swap3A_186 {strides = array<i32>} : memref<32x1024xf32, #tpu.memory_space<vmem>>, vector<1x16xf32>,
      %get3A_187 = arith.index_cast %scan3A_75 : i32 to index
      %get3A_188 = arith.constant 128 : index
      %get3A_189 = tpu.vector_load %arg7[%get3A_187, %get3A_188] {strides = array<i32>} : memref<32x1024xf32, #tpu.memory_space<vmem>>, vector<1x16xf32>,
      %get3A_190 = vector.shape_cast %get3A_189 : vector<1x16xf32> to vector<16xf32>
      %get3A_191 = arith.index_cast %scan3A_75 : i32 to index
      %get3A_192 = arith.constant 128 : index
      %get3A_193 = tpu.vector_load %arg8[%get3A_191, %get3A_192] {strides = array<i32>} : memref<32x1024xf32, #tpu.memory_space<vmem>>, vector<1x16xf32>,
      %get3A_194 = vector.shape_cast %get3A_193 : vector<1x16xf32> to vector<16xf32>
      %add3A_195 = arith.addf %get3A_190, %get3A_194 : vector<16xf32>
      %swap3A_196 = arith.index_cast %scan3A_75 : i32 to index
      %swap3A_197 = arith.constant 128 : index
      %swap3A_198 = tpu.vector_load %arg7[%swap3A_196, %swap3A_197] {strides = array<i32>} : memref<32x1024xf32, #tpu.memory_space<vmem>>, vector<1x16xf32>,
      %swap3A_199 = vector.shape_cast %swap3A_198 : vector<1x16xf32> to vector<16xf32>
      %swap3A_200 = vector.shape_cast %add3A_195 : vector<16xf32> to vector<1x16xf32>
      tpu.vector_store %arg7[%swap3A_196, %swap3A_197], %swap3A_200 {strides = array<i32>} : memref<32x1024xf32, #tpu.memory_space<vmem>>, vector<1x16xf32>,
      %get3A_201 = arith.index_cast %scan3A_75 : i32 to index
      %get3A_202 = arith.constant 144 : index
      %get3A_203 = tpu.vector_load %arg7[%get3A_201, %get3A_202] {strides = array<i32>} : memref<32x1024xf32, #tpu.memory_space<vmem>>, vector<1x16xf32>,
      %get3A_204 = vector.shape_cast %get3A_203 : vector<1x16xf32> to vector<16xf32>
      %get3A_205 = arith.index_cast %scan3A_75 : i32 to index
      %get3A_206 = arith.constant 144 : index
      %get3A_207 = tpu.vector_load %arg8[%get3A_205, %get3A_206] {strides = array<i32>} : memref<32x1024xf32, #tpu.memory_space<vmem>>, vector<1x16xf32>,
      %get3A_208 = vector.shape_cast %get3A_207 : vector<1x16xf32> to vector<16xf32>
      %add3A_209 = arith.addf %get3A_204, %get3A_208 : vector<16xf32>
      %swap3A_210 = arith.index_cast %scan3A_75 : i32 to index
      %swap3A_211 = arith.constant 144 : index
      %swap3A_212 = tpu.vector_load %arg7[%swap3A_210, %swap3A_211] {strides = array<i32>} : memref<32x1024xf32, #tpu.memory_space<vmem>>, vector<1x16xf32>,
      %swap3A_213 = vector.shape_cast %swap3A_212 : vector<1x16xf32> to vector<16xf32>
      %swap3A_214 = vector.shape_cast %add3A_209 : vector<16xf32> to vector<1x16xf32>
      tpu.vector_store %arg7[%swap3A_210, %swap3A_211], %swap3A_214 {strides = array<i32>} : memref<32x1024xf32, #tpu.memory_space<vmem>>, vector<1x16xf32>,
      %get3A_215 = arith.index_cast %scan3A_75 : i32 to index
      %get3A_216 = arith.constant 160 : index
      %get3A_217 = tpu.vector_load %arg7[%get3A_215, %get3A_216] {strides = array<i32>} : memref<32x1024xf32, #tpu.memory_space<vmem>>, vector<1x16xf32>,
      %get3A_218 = vector.shape_cast %get3A_217 : vector<1x16xf32> to vector<16xf32>
      %get3A_219 = arith.index_cast %scan3A_75 : i32 to index
      %get3A_220 = arith.constant 160 : index
      %get3A_221 = tpu.vector_load %arg8[%get3A_219, %get3A_220] {strides = array<i32>} : memref<32x1024xf32, #tpu.memory_space<vmem>>, vector<1x16xf32>,
      %get3A_222 = vector.shape_cast %get3A_221 : vector<1x16xf32> to vector<16xf32>
      %add3A_223 = arith.addf %get3A_218, %get3A_222 : vector<16xf32>
      %swap3A_224 = arith.index_cast %scan3A_75 : i32 to index
      %swap3A_225 = arith.constant 160 : index
      %swap3A_226 = tpu.vector_load %arg7[%swap3A_224, %swap3A_225] {strides = array<i32>} : memref<32x1024xf32, #tpu.memory_space<vmem>>, vector<1x16xf32>,
      %swap3A_227 = vector.shape_cast %swap3A_226 : vector<1x16xf32> to vector<16xf32>
      %swap3A_228 = vector.shape_cast %add3A_223 : vector<16xf32> to vector<1x16xf32>
      tpu.vector_store %arg7[%swap3A_224, %swap3A_225], %swap3A_228 {strides = array<i32>} : memref<32x1024xf32, #tpu.memory_space<vmem>>, vector<1x16xf32>,
      %get3A_229 = arith.index_cast %scan3A_75 : i32 to index
      %get3A_230 = arith.constant 176 : index
      %get3A_231 = tpu.vector_load %arg7[%get3A_229, %get3A_230] {strides = array<i32>} : memref<32x1024xf32, #tpu.memory_space<vmem>>, vector<1x16xf32>,
      %get3A_232 = vector.shape_cast %get3A_231 : vector<1x16xf32> to vector<16xf32>
      %get3A_233 = arith.index_cast %scan3A_75 : i32 to index
      %get3A_234 = arith.constant 176 : index
      %get3A_235 = tpu.vector_load %arg8[%get3A_233, %get3A_234] {strides = array<i32>} : memref<32x1024xf32, #tpu.memory_space<vmem>>, vector<1x16xf32>,
      %get3A_236 = vector.shape_cast %get3A_235 : vector<1x16xf32> to vector<16xf32>
      %add3A_237 = arith.addf %get3A_232, %get3A_236 : vector<16xf32>
      %swap3A_238 = arith.index_cast %scan3A_75 : i32 to index
      %swap3A_239 = arith.constant 176 : index
      %swap3A_240 = tpu.vector_load %arg7[%swap3A_238, %swap3A_239] {strides = array<i32>} : memref<32x1024xf32, #tpu.memory_space<vmem>>, vector<1x16xf32>,
      %swap3A_241 = vector.shape_cast %swap3A_240 : vector<1x16xf32> to vector<16xf32>
      %swap3A_242 = vector.shape_cast %add3A_237 : vector<16xf32> to vector<1x16xf32>
      tpu.vector_store %arg7[%swap3A_238, %swap3A_239], %swap3A_242 {strides = array<i32>} : memref<32x1024xf32, #tpu.memory_space<vmem>>, vector<1x16xf32>,
      %get3A_243 = arith.index_cast %scan3A_75 : i32 to index
      %get3A_244 = arith.constant 192 : index
      %get3A_245 = tpu.vector_load %arg7[%get3A_243, %get3A_244] {strides = array<i32>} : memref<32x1024xf32, #tpu.memory_space<vmem>>, vector<1x16xf32>,
      %get3A_246 = vector.shape_cast %get3A_245 : vector<1x16xf32> to vector<16xf32>
      %get3A_247 = arith.index_cast %scan3A_75 : i32 to index
      %get3A_248 = arith.constant 192 : index
      %get3A_249 = tpu.vector_load %arg8[%get3A_247, %get3A_248] {strides = array<i32>} : memref<32x1024xf32, #tpu.memory_space<vmem>>, vector<1x16xf32>,
      %get3A_250 = vector.shape_cast %get3A_249 : vector<1x16xf32> to vector<16xf32>
      %add3A_251 = arith.addf %get3A_246, %get3A_250 : vector<16xf32>
      %swap3A_252 = arith.index_cast %scan3A_75 : i32 to index
      %swap3A_253 = arith.constant 192 : index
      %swap3A_254 = tpu.vector_load %arg7[%swap3A_252, %swap3A_253] {strides = array<i32>} : memref<32x1024xf32, #tpu.memory_space<vmem>>, vector<1x16xf32>,
      %swap3A_255 = vector.shape_cast %swap3A_254 : vector<1x16xf32> to vector<16xf32>
      %swap3A_256 = vector.shape_cast %add3A_251 : vector<16xf32> to vector<1x16xf32>
      tpu.vector_store %arg7[%swap3A_252, %swap3A_253], %swap3A_256 {strides = array<i32>} : memref<32x1024xf32, #tpu.memory_space<vmem>>, vector<1x16xf32>,
      %get3A_257 = arith.index_cast %scan3A_75 : i32 to index
      %get3A_258 = arith.constant 208 : index
      %get3A_259 = tpu.vector_load %arg7[%get3A_257, %get3A_258] {strides = array<i32>} : memref<32x1024xf32, #tpu.memory_space<vmem>>, vector<1x16xf32>,
      %get3A_260 = vector.shape_cast %get3A_259 : vector<1x16xf32> to vector<16xf32>
      %get3A_261 = arith.index_cast %scan3A_75 : i32 to index
      %get3A_262 = arith.constant 208 : index
      %get3A_263 = tpu.vector_load %arg8[%get3A_261, %get3A_262] {strides = array<i32>} : memref<32x1024xf32, #tpu.memory_space<vmem>>, vector<1x16xf32>,
      %get3A_264 = vector.shape_cast %get3A_263 : vector<1x16xf32> to vector<16xf32>
      %add3A_265 = arith.addf %get3A_260, %get3A_264 : vector<16xf32>
      %swap3A_266 = arith.index_cast %scan3A_75 : i32 to index
      %swap3A_267 = arith.constant 208 : index
      %swap3A_268 = tpu.vector_load %arg7[%swap3A_266, %swap3A_267] {strides = array<i32>} : memref<32x1024xf32, #tpu.memory_space<vmem>>, vector<1x16xf32>,
      %swap3A_269 = vector.shape_cast %swap3A_268 : vector<1x16xf32> to vector<16xf32>
      %swap3A_270 = vector.shape_cast %add3A_265 : vector<16xf32> to vector<1x16xf32>
      tpu.vector_store %arg7[%swap3A_266, %swap3A_267], %swap3A_270 {strides = array<i32>} : memref<32x1024xf32, #tpu.memory_space<vmem>>, vector<1x16xf32>,
      %get3A_271 = arith.index_cast %scan3A_75 : i32 to index
      %get3A_272 = arith.constant 224 : index
      %get3A_273 = tpu.vector_load %arg7[%get3A_271, %get3A_272] {strides = array<i32>} : memref<32x1024xf32, #tpu.memory_space<vmem>>, vector<1x16xf32>,
      %get3A_274 = vector.shape_cast %get3A_273 : vector<1x16xf32> to vector<16xf32>
      %get3A_275 = arith.index_cast %scan3A_75 : i32 to index
      %get3A_276 = arith.constant 224 : index
      %get3A_277 = tpu.vector_load %arg8[%get3A_275, %get3A_276] {strides = array<i32>} : memref<32x1024xf32, #tpu.memory_space<vmem>>, vector<1x16xf32>,
      %get3A_278 = vector.shape_cast %get3A_277 : vector<1x16xf32> to vector<16xf32>
      %add3A_279 = arith.addf %get3A_274, %get3A_278 : vector<16xf32>
      %swap3A_280 = arith.index_cast %scan3A_75 : i32 to index
      %swap3A_281 = arith.constant 224 : index
      %swap3A_282 = tpu.vector_load %arg7[%swap3A_280, %swap3A_281] {strides = array<i32>} : memref<32x1024xf32, #tpu.memory_space<vmem>>, vector<1x16xf32>,
      %swap3A_283 = vector.shape_cast %swap3A_282 : vector<1x16xf32> to vector<16xf32>
      %swap3A_284 = vector.shape_cast %add3A_279 : vector<16xf32> to vector<1x16xf32>
      tpu.vector_store %arg7[%swap3A_280, %swap3A_281], %swap3A_284 {strides = array<i32>} : memref<32x1024xf32, #tpu.memory_space<vmem>>, vector<1x16xf32>,
      %get3A_285 = arith.index_cast %scan3A_75 : i32 to index
      %get3A_286 = arith.constant 240 : index
      %get3A_287 = tpu.vector_load %arg7[%get3A_285, %get3A_286] {strides = array<i32>} : memref<32x1024xf32, #tpu.memory_space<vmem>>, vector<1x16xf32>,
      %get3A_288 = vector.shape_cast %get3A_287 : vector<1x16xf32> to vector<16xf32>
      %get3A_289 = arith.index_cast %scan3A_75 : i32 to index
      %get3A_290 = arith.constant 240 : index
      %get3A_291 = tpu.vector_load %arg8[%get3A_289, %get3A_290] {strides = array<i32>} : memref<32x1024xf32, #tpu.memory_space<vmem>>, vector<1x16xf32>,
      %get3A_292 = vector.shape_cast %get3A_291 : vector<1x16xf32> to vector<16xf32>
      %add3A_293 = arith.addf %get3A_288, %get3A_292 : vector<16xf32>
      %swap3A_294 = arith.index_cast %scan3A_75 : i32 to index
      %swap3A_295 = arith.constant 240 : index
      %swap3A_296 = tpu.vector_load %arg7[%swap3A_294, %swap3A_295] {strides = array<i32>} : memref<32x1024xf32, #tpu.memory_space<vmem>>, vector<1x16xf32>,
      %swap3A_297 = vector.shape_cast %swap3A_296 : vector<1x16xf32> to vector<16xf32>
      %swap3A_298 = vector.shape_cast %add3A_293 : vector<16xf32> to vector<1x16xf32>
      tpu.vector_store %arg7[%swap3A_294, %swap3A_295], %swap3A_298 {strides = array<i32>} : memref<32x1024xf32, #tpu.memory_space<vmem>>, vector<1x16xf32>,
      %get3A_299 = arith.index_cast %scan3A_75 : i32 to index
      %get3A_300 = arith.constant 256 : index
      %get3A_301 = tpu.vector_load %arg7[%get3A_299, %get3A_300] {strides = array<i32>} : memref<32x1024xf32, #tpu.memory_space<vmem>>, vector<1x16xf32>,
      %get3A_302 = vector.shape_cast %get3A_301 : vector<1x16xf32> to vector<16xf32>
      %get3A_303 = arith.index_cast %scan3A_75 : i32 to index
      %get3A_304 = arith.constant 256 : index
      %get3A_305 = tpu.vector_load %arg8[%get3A_303, %get3A_304] {strides = array<i32>} : memref<32x1024xf32, #tpu.memory_space<vmem>>, vector<1x16xf32>,
      %get3A_306 = vector.shape_cast %get3A_305 : vector<1x16xf32> to vector<16xf32>
      %add3A_307 = arith.addf %get3A_302, %get3A_306 : vector<16xf32>
      %swap3A_308 = arith.index_cast %scan3A_75 : i32 to index
      %swap3A_309 = arith.constant 256 : index
      %swap3A_310 = tpu.vector_load %arg7[%swap3A_308, %swap3A_309] {strides = array<i32>} : memref<32x1024xf32, #tpu.memory_space<vmem>>, vector<1x16xf32>,
      %swap3A_311 = vector.shape_cast %swap3A_310 : vector<1x16xf32> to vector<16xf32>
      %swap3A_312 = vector.shape_cast %add3A_307 : vector<16xf32> to vector<1x16xf32>
      tpu.vector_store %arg7[%swap3A_308, %swap3A_309], %swap3A_312 {strides = array<i32>} : memref<32x1024xf32, #tpu.memory_space<vmem>>, vector<1x16xf32>,
      %get3A_313 = arith.index_cast %scan3A_75 : i32 to index
      %get3A_314 = arith.constant 272 : index
      %get3A_315 = tpu.vector_load %arg7[%get3A_313, %get3A_314] {strides = array<i32>} : memref<32x1024xf32, #tpu.memory_space<vmem>>, vector<1x16xf32>,
      %get3A_316 = vector.shape_cast %get3A_315 : vector<1x16xf32> to vector<16xf32>
      %get3A_317 = arith.index_cast %scan3A_75 : i32 to index
      %get3A_318 = arith.constant 272 : index
      %get3A_319 = tpu.vector_load %arg8[%get3A_317, %get3A_318] {strides = array<i32>} : memref<32x1024xf32, #tpu.memory_space<vmem>>, vector<1x16xf32>,
      %get3A_320 = vector.shape_cast %get3A_319 : vector<1x16xf32> to vector<16xf32>
      %add3A_321 = arith.addf %get3A_316, %get3A_320 : vector<16xf32>
      %swap3A_322 = arith.index_cast %scan3A_75 : i32 to index
      %swap3A_323 = arith.constant 272 : index
      %swap3A_324 = tpu.vector_load %arg7[%swap3A_322, %swap3A_323] {strides = array<i32>} : memref<32x1024xf32, #tpu.memory_space<vmem>>, vector<1x16xf32>,
      %swap3A_325 = vector.shape_cast %swap3A_324 : vector<1x16xf32> to vector<16xf32>
      %swap3A_326 = vector.shape_cast %add3A_321 : vector<16xf32> to vector<1x16xf32>
      tpu.vector_store %arg7[%swap3A_322, %swap3A_323], %swap3A_326 {strides = array<i32>} : memref<32x1024xf32, #tpu.memory_space<vmem>>, vector<1x16xf32>,
      %get3A_327 = arith.index_cast %scan3A_75 : i32 to index
      %get3A_328 = arith.constant 288 : index
      %get3A_329 = tpu.vector_load %arg7[%get3A_327, %get3A_328] {strides = array<i32>} : memref<32x1024xf32, #tpu.memory_space<vmem>>, vector<1x16xf32>,
      %get3A_330 = vector.shape_cast %get3A_329 : vector<1x16xf32> to vector<16xf32>
      %get3A_331 = arith.index_cast %scan3A_75 : i32 to index
      %get3A_332 = arith.constant 288 : index
      %get3A_333 = tpu.vector_load %arg8[%get3A_331, %get3A_332] {strides = array<i32>} : memref<32x1024xf32, #tpu.memory_space<vmem>>, vector<1x16xf32>,
      %get3A_334 = vector.shape_cast %get3A_333 : vector<1x16xf32> to vector<16xf32>
      %add3A_335 = arith.addf %get3A_330, %get3A_334 : vector<16xf32>
      %swap3A_336 = arith.index_cast %scan3A_75 : i32 to index
      %swap3A_337 = arith.constant 288 : index
      %swap3A_338 = tpu.vector_load %arg7[%swap3A_336, %swap3A_337] {strides = array<i32>} : memref<32x1024xf32, #tpu.memory_space<vmem>>, vector<1x16xf32>,
      %swap3A_339 = vector.shape_cast %swap3A_338 : vector<1x16xf32> to vector<16xf32>
      %swap3A_340 = vector.shape_cast %add3A_335 : vector<16xf32> to vector<1x16xf32>
      tpu.vector_store %arg7[%swap3A_336, %swap3A_337], %swap3A_340 {strides = array<i32>} : memref<32x1024xf32, #tpu.memory_space<vmem>>, vector<1x16xf32>,
      %get3A_341 = arith.index_cast %scan3A_75 : i32 to index
      %get3A_342 = arith.constant 304 : index
      %get3A_343 = tpu.vector_load %arg7[%get3A_341, %get3A_342] {strides = array<i32>} : memref<32x1024xf32, #tpu.memory_space<vmem>>, vector<1x16xf32>,
      %get3A_344 = vector.shape_cast %get3A_343 : vector<1x16xf32> to vector<16xf32>
      %get3A_345 = arith.index_cast %scan3A_75 : i32 to index
      %get3A_346 = arith.constant 304 : index
      %get3A_347 = tpu.vector_load %arg8[%get3A_345, %get3A_346] {strides = array<i32>} : memref<32x1024xf32, #tpu.memory_space<vmem>>, vector<1x16xf32>,
      %get3A_348 = vector.shape_cast %get3A_347 : vector<1x16xf32> to vector<16xf32>
      %add3A_349 = arith.addf %get3A_344, %get3A_348 : vector<16xf32>
      %swap3A_350 = arith.index_cast %scan3A_75 : i32 to index
      %swap3A_351 = arith.constant 304 : index
      %swap3A_352 = tpu.vector_load %arg7[%swap3A_350, %swap3A_351] {strides = array<i32>} : memref<32x1024xf32, #tpu.memory_space<vmem>>, vector<1x16xf32>,
      %swap3A_353 = vector.shape_cast %swap3A_352 : vector<1x16xf32> to vector<16xf32>
      %swap3A_354 = vector.shape_cast %add3A_349 : vector<16xf32> to vector<1x16xf32>
      tpu.vector_store %arg7[%swap3A_350, %swap3A_351], %swap3A_354 {strides = array<i32>} : memref<32x1024xf32, #tpu.memory_space<vmem>>, vector<1x16xf32>,
      %get3A_355 = arith.index_cast %scan3A_75 : i32 to index
      %get3A_356 = arith.constant 320 : index
      %get3A_357 = tpu.vector_load %arg7[%get3A_355, %get3A_356] {strides = array<i32>} : memref<32x1024xf32, #tpu.memory_space<vmem>>, vector<1x16xf32>,
      %get3A_358 = vector.shape_cast %get3A_357 : vector<1x16xf32> to vector<16xf32>
      %get3A_359 = arith.index_cast %scan3A_75 : i32 to index
      %get3A_360 = arith.constant 320 : index
      %get3A_361 = tpu.vector_load %arg8[%get3A_359, %get3A_360] {strides = array<i32>} : memref<32x1024xf32, #tpu.memory_space<vmem>>, vector<1x16xf32>,
      %get3A_362 = vector.shape_cast %get3A_361 : vector<1x16xf32> to vector<16xf32>
      %add3A_363 = arith.addf %get3A_358, %get3A_362 : vector<16xf32>
      %swap3A_364 = arith.index_cast %scan3A_75 : i32 to index
      %swap3A_365 = arith.constant 320 : index
      %swap3A_366 = tpu.vector_load %arg7[%swap3A_364, %swap3A_365] {strides = array<i32>} : memref<32x1024xf32, #tpu.memory_space<vmem>>, vector<1x16xf32>,
      %swap3A_367 = vector.shape_cast %swap3A_366 : vector<1x16xf32> to vector<16xf32>
      %swap3A_368 = vector.shape_cast %add3A_363 : vector<16xf32> to vector<1x16xf32>
      tpu.vector_store %arg7[%swap3A_364, %swap3A_365], %swap3A_368 {strides = array<i32>} : memref<32x1024xf32, #tpu.memory_space<vmem>>, vector<1x16xf32>,
      %get3A_369 = arith.index_cast %scan3A_75 : i32 to index
      %get3A_370 = arith.constant 336 : index
      %get3A_371 = tpu.vector_load %arg7[%get3A_369, %get3A_370] {strides = array<i32>} : memref<32x1024xf32, #tpu.memory_space<vmem>>, vector<1x16xf32>,
      %get3A_372 = vector.shape_cast %get3A_371 : vector<1x16xf32> to vector<16xf32>
      %get3A_373 = arith.index_cast %scan3A_75 : i32 to index
      %get3A_374 = arith.constant 336 : index
      %get3A_375 = tpu.vector_load %arg8[%get3A_373, %get3A_374] {strides = array<i32>} : memref<32x1024xf32, #tpu.memory_space<vmem>>, vector<1x16xf32>,
      %get3A_376 = vector.shape_cast %get3A_375 : vector<1x16xf32> to vector<16xf32>
      %add3A_377 = arith.addf %get3A_372, %get3A_376 : vector<16xf32>
      %swap3A_378 = arith.index_cast %scan3A_75 : i32 to index
      %swap3A_379 = arith.constant 336 : index
      %swap3A_380 = tpu.vector_load %arg7[%swap3A_378, %swap3A_379] {strides = array<i32>} : memref<32x1024xf32, #tpu.memory_space<vmem>>, vector<1x16xf32>,
      %swap3A_381 = vector.shape_cast %swap3A_380 : vector<1x16xf32> to vector<16xf32>
      %swap3A_382 = vector.shape_cast %add3A_377 : vector<16xf32> to vector<1x16xf32>
      tpu.vector_store %arg7[%swap3A_378, %swap3A_379], %swap3A_382 {strides = array<i32>} : memref<32x1024xf32, #tpu.memory_space<vmem>>, vector<1x16xf32>,
      %get3A_383 = arith.index_cast %scan3A_75 : i32 to index
      %get3A_384 = arith.constant 352 : index
      %get3A_385 = tpu.vector_load %arg7[%get3A_383, %get3A_384] {strides = array<i32>} : memref<32x1024xf32, #tpu.memory_space<vmem>>, vector<1x16xf32>,
      %get3A_386 = vector.shape_cast %get3A_385 : vector<1x16xf32> to vector<16xf32>
      %get3A_387 = arith.index_cast %scan3A_75 : i32 to index
      %get3A_388 = arith.constant 352 : index
      %get3A_389 = tpu.vector_load %arg8[%get3A_387, %get3A_388] {strides = array<i32>} : memref<32x1024xf32, #tpu.memory_space<vmem>>, vector<1x16xf32>,
      %get3A_390 = vector.shape_cast %get3A_389 : vector<1x16xf32> to vector<16xf32>
      %add3A_391 = arith.addf %get3A_386, %get3A_390 : vector<16xf32>
      %swap3A_392 = arith.index_cast %scan3A_75 : i32 to index
      %swap3A_393 = arith.constant 352 : index
      %swap3A_394 = tpu.vector_load %arg7[%swap3A_392, %swap3A_393] {strides = array<i32>} : memref<32x1024xf32, #tpu.memory_space<vmem>>, vector<1x16xf32>,
      %swap3A_395 = vector.shape_cast %swap3A_394 : vector<1x16xf32> to vector<16xf32>
      %swap3A_396 = vector.shape_cast %add3A_391 : vector<16xf32> to vector<1x16xf32>
      tpu.vector_store %arg7[%swap3A_392, %swap3A_393], %swap3A_396 {strides = array<i32>} : memref<32x1024xf32, #tpu.memory_space<vmem>>, vector<1x16xf32>,
      %get3A_397 = arith.index_cast %scan3A_75 : i32 to index
      %get3A_398 = arith.constant 368 : index
      %get3A_399 = tpu.vector_load %arg7[%get3A_397, %get3A_398] {strides = array<i32>} : memref<32x1024xf32, #tpu.memory_space<vmem>>, vector<1x16xf32>,
      %get3A_400 = vector.shape_cast %get3A_399 : vector<1x16xf32> to vector<16xf32>
      %get3A_401 = arith.index_cast %scan3A_75 : i32 to index
      %get3A_402 = arith.constant 368 : index
      %get3A_403 = tpu.vector_load %arg8[%get3A_401, %get3A_402] {strides = array<i32>} : memref<32x1024xf32, #tpu.memory_space<vmem>>, vector<1x16xf32>,
      %get3A_404 = vector.shape_cast %get3A_403 : vector<1x16xf32> to vector<16xf32>
      %add3A_405 = arith.addf %get3A_400, %get3A_404 : vector<16xf32>
      %swap3A_406 = arith.index_cast %scan3A_75 : i32 to index
      %swap3A_407 = arith.constant 368 : index
      %swap3A_408 = tpu.vector_load %arg7[%swap3A_406, %swap3A_407] {strides = array<i32>} : memref<32x1024xf32, #tpu.memory_space<vmem>>, vector<1x16xf32>,
      %swap3A_409 = vector.shape_cast %swap3A_408 : vector<1x16xf32> to vector<16xf32>
      %swap3A_410 = vector.shape_cast %add3A_405 : vector<16xf32> to vector<1x16xf32>
      tpu.vector_store %arg7[%swap3A_406, %swap3A_407], %swap3A_410 {strides = array<i32>} : memref<32x1024xf32, #tpu.memory_space<vmem>>, vector<1x16xf32>,
      %get3A_411 = arith.index_cast %scan3A_75 : i32 to index
      %get3A_412 = arith.constant 384 : index
      %get3A_413 = tpu.vector_load %arg7[%get3A_411, %get3A_412] {strides = array<i32>} : memref<32x1024xf32, #tpu.memory_space<vmem>>, vector<1x16xf32>,
      %get3A_414 = vector.shape_cast %get3A_413 : vector<1x16xf32> to vector<16xf32>
      %get3A_415 = arith.index_cast %scan3A_75 : i32 to index
      %get3A_416 = arith.constant 384 : index
      %get3A_417 = tpu.vector_load %arg8[%get3A_415, %get3A_416] {strides = array<i32>} : memref<32x1024xf32, #tpu.memory_space<vmem>>, vector<1x16xf32>,
      %get3A_418 = vector.shape_cast %get3A_417 : vector<1x16xf32> to vector<16xf32>
      %add3A_419 = arith.addf %get3A_414, %get3A_418 : vector<16xf32>
      %swap3A_420 = arith.index_cast %scan3A_75 : i32 to index
      %swap3A_421 = arith.constant 384 : index
      %swap3A_422 = tpu.vector_load %arg7[%swap3A_420, %swap3A_421] {strides = array<i32>} : memref<32x1024xf32, #tpu.memory_space<vmem>>, vector<1x16xf32>,
      %swap3A_423 = vector.shape_cast %swap3A_422 : vector<1x16xf32> to vector<16xf32>
      %swap3A_424 = vector.shape_cast %add3A_419 : vector<16xf32> to vector<1x16xf32>
      tpu.vector_store %arg7[%swap3A_420, %swap3A_421], %swap3A_424 {strides = array<i32>} : memref<32x1024xf32, #tpu.memory_space<vmem>>, vector<1x16xf32>,
      %get3A_425 = arith.index_cast %scan3A_75 : i32 to index
      %get3A_426 = arith.constant 400 : index
      %get3A_427 = tpu.vector_load %arg7[%get3A_425, %get3A_426] {strides = array<i32>} : memref<32x1024xf32, #tpu.memory_space<vmem>>, vector<1x16xf32>,
      %get3A_428 = vector.shape_cast %get3A_427 : vector<1x16xf32> to vector<16xf32>
      %get3A_429 = arith.index_cast %scan3A_75 : i32 to index
      %get3A_430 = arith.constant 400 : index
      %get3A_431 = tpu.vector_load %arg8[%get3A_429, %get3A_430] {strides = array<i32>} : memref<32x1024xf32, #tpu.memory_space<vmem>>, vector<1x16xf32>,
      %get3A_432 = vector.shape_cast %get3A_431 : vector<1x16xf32> to vector<16xf32>
      %add3A_433 = arith.addf %get3A_428, %get3A_432 : vector<16xf32>
      %swap3A_434 = arith.index_cast %scan3A_75 : i32 to index
      %swap3A_435 = arith.constant 400 : index
      %swap3A_436 = tpu.vector_load %arg7[%swap3A_434, %swap3A_435] {strides = array<i32>} : memref<32x1024xf32, #tpu.memory_space<vmem>>, vector<1x16xf32>,
      %swap3A_437 = vector.shape_cast %swap3A_436 : vector<1x16xf32> to vector<16xf32>
      %swap3A_438 = vector.shape_cast %add3A_433 : vector<16xf32> to vector<1x16xf32>
      tpu.vector_store %arg7[%swap3A_434, %swap3A_435], %swap3A_438 {strides = array<i32>} : memref<32x1024xf32, #tpu.memory_space<vmem>>, vector<1x16xf32>,
      %get3A_439 = arith.index_cast %scan3A_75 : i32 to index
      %get3A_440 = arith.constant 416 : index
      %get3A_441 = tpu.vector_load %arg7[%get3A_439, %get3A_440] {strides = array<i32>} : memref<32x1024xf32, #tpu.memory_space<vmem>>, vector<1x16xf32>,
      %get3A_442 = vector.shape_cast %get3A_441 : vector<1x16xf32> to vector<16xf32>
      %get3A_443 = arith.index_cast %scan3A_75 : i32 to index
      %get3A_444 = arith.constant 416 : index
      %get3A_445 = tpu.vector_load %arg8[%get3A_443, %get3A_444] {strides = array<i32>} : memref<32x1024xf32, #tpu.memory_space<vmem>>, vector<1x16xf32>,
      %get3A_446 = vector.shape_cast %get3A_445 : vector<1x16xf32> to vector<16xf32>
      %add3A_447 = arith.addf %get3A_442, %get3A_446 : vector<16xf32>
      %swap3A_448 = arith.index_cast %scan3A_75 : i32 to index
      %swap3A_449 = arith.constant 416 : index
      %swap3A_450 = tpu.vector_load %arg7[%swap3A_448, %swap3A_449] {strides = array<i32>} : memref<32x1024xf32, #tpu.memory_space<vmem>>, vector<1x16xf32>,
      %swap3A_451 = vector.shape_cast %swap3A_450 : vector<1x16xf32> to vector<16xf32>
      %swap3A_452 = vector.shape_cast %add3A_447 : vector<16xf32> to vector<1x16xf32>
      tpu.vector_store %arg7[%swap3A_448, %swap3A_449], %swap3A_452 {strides = array<i32>} : memref<32x1024xf32, #tpu.memory_space<vmem>>, vector<1x16xf32>,
      %get3A_453 = arith.index_cast %scan3A_75 : i32 to index
      %get3A_454 = arith.constant 432 : index
      %get3A_455 = tpu.vector_load %arg7[%get3A_453, %get3A_454] {strides = array<i32>} : memref<32x1024xf32, #tpu.memory_space<vmem>>, vector<1x16xf32>,
      %get3A_456 = vector.shape_cast %get3A_455 : vector<1x16xf32> to vector<16xf32>
      %get3A_457 = arith.index_cast %scan3A_75 : i32 to index
      %get3A_458 = arith.constant 432 : index
      %get3A_459 = tpu.vector_load %arg8[%get3A_457, %get3A_458] {strides = array<i32>} : memref<32x1024xf32, #tpu.memory_space<vmem>>, vector<1x16xf32>,
      %get3A_460 = vector.shape_cast %get3A_459 : vector<1x16xf32> to vector<16xf32>
      %add3A_461 = arith.addf %get3A_456, %get3A_460 : vector<16xf32>
      %swap3A_462 = arith.index_cast %scan3A_75 : i32 to index
      %swap3A_463 = arith.constant 432 : index
      %swap3A_464 = tpu.vector_load %arg7[%swap3A_462, %swap3A_463] {strides = array<i32>} : memref<32x1024xf32, #tpu.memory_space<vmem>>, vector<1x16xf32>,
      %swap3A_465 = vector.shape_cast %swap3A_464 : vector<1x16xf32> to vector<16xf32>
      %swap3A_466 = vector.shape_cast %add3A_461 : vector<16xf32> to vector<1x16xf32>
      tpu.vector_store %arg7[%swap3A_462, %swap3A_463], %swap3A_466 {strides = array<i32>} : memref<32x1024xf32, #tpu.memory_space<vmem>>, vector<1x16xf32>,
      %get3A_467 = arith.index_cast %scan3A_75 : i32 to index
      %get3A_468 = arith.constant 448 : index
      %get3A_469 = tpu.vector_load %arg7[%get3A_467, %get3A_468] {strides = array<i32>} : memref<32x1024xf32, #tpu.memory_space<vmem>>, vector<1x16xf32>,
      %get3A_470 = vector.shape_cast %get3A_469 : vector<1x16xf32> to vector<16xf32>
      %get3A_471 = arith.index_cast %scan3A_75 : i32 to index
      %get3A_472 = arith.constant 448 : index
      %get3A_473 = tpu.vector_load %arg8[%get3A_471, %get3A_472] {strides = array<i32>} : memref<32x1024xf32, #tpu.memory_space<vmem>>, vector<1x16xf32>,
      %get3A_474 = vector.shape_cast %get3A_473 : vector<1x16xf32> to vector<16xf32>
      %add3A_475 = arith.addf %get3A_470, %get3A_474 : vector<16xf32>
      %swap3A_476 = arith.index_cast %scan3A_75 : i32 to index
      %swap3A_477 = arith.constant 448 : index
      %swap3A_478 = tpu.vector_load %arg7[%swap3A_476, %swap3A_477] {strides = array<i32>} : memref<32x1024xf32, #tpu.memory_space<vmem>>, vector<1x16xf32>,
      %swap3A_479 = vector.shape_cast %swap3A_478 : vector<1x16xf32> to vector<16xf32>
      %swap3A_480 = vector.shape_cast %add3A_475 : vector<16xf32> to vector<1x16xf32>
      tpu.vector_store %arg7[%swap3A_476, %swap3A_477], %swap3A_480 {strides = array<i32>} : memref<32x1024xf32, #tpu.memory_space<vmem>>, vector<1x16xf32>,
      %get3A_481 = arith.index_cast %scan3A_75 : i32 to index
      %get3A_482 = arith.constant 464 : index
      %get3A_483 = tpu.vector_load %arg7[%get3A_481, %get3A_482] {strides = array<i32>} : memref<32x1024xf32, #tpu.memory_space<vmem>>, vector<1x16xf32>,
      %get3A_484 = vector.shape_cast %get3A_483 : vector<1x16xf32> to vector<16xf32>
      %get3A_485 = arith.index_cast %scan3A_75 : i32 to index
      %get3A_486 = arith.constant 464 : index
      %get3A_487 = tpu.vector_load %arg8[%get3A_485, %get3A_486] {strides = array<i32>} : memref<32x1024xf32, #tpu.memory_space<vmem>>, vector<1x16xf32>,
      %get3A_488 = vector.shape_cast %get3A_487 : vector<1x16xf32> to vector<16xf32>
      %add3A_489 = arith.addf %get3A_484, %get3A_488 : vector<16xf32>
      %swap3A_490 = arith.index_cast %scan3A_75 : i32 to index
      %swap3A_491 = arith.constant 464 : index
      %swap3A_492 = tpu.vector_load %arg7[%swap3A_490, %swap3A_491] {strides = array<i32>} : memref<32x1024xf32, #tpu.memory_space<vmem>>, vector<1x16xf32>,
      %swap3A_493 = vector.shape_cast %swap3A_492 : vector<1x16xf32> to vector<16xf32>
      %swap3A_494 = vector.shape_cast %add3A_489 : vector<16xf32> to vector<1x16xf32>
      tpu.vector_store %arg7[%swap3A_490, %swap3A_491], %swap3A_494 {strides = array<i32>} : memref<32x1024xf32, #tpu.memory_space<vmem>>, vector<1x16xf32>,
      %get3A_495 = arith.index_cast %scan3A_75 : i32 to index
      %get3A_496 = arith.constant 480 : index
      %get3A_497 = tpu.vector_load %arg7[%get3A_495, %get3A_496] {strides = array<i32>} : memref<32x1024xf32, #tpu.memory_space<vmem>>, vector<1x16xf32>,
      %get3A_498 = vector.shape_cast %get3A_497 : vector<1x16xf32> to vector<16xf32>
      %get3A_499 = arith.index_cast %scan3A_75 : i32 to index
      %get3A_500 = arith.constant 480 : index
      %get3A_501 = tpu.vector_load %arg8[%get3A_499, %get3A_500] {strides = array<i32>} : memref<32x1024xf32, #tpu.memory_space<vmem>>, vector<1x16xf32>,
      %get3A_502 = vector.shape_cast %get3A_501 : vector<1x16xf32> to vector<16xf32>
      %add3A_503 = arith.addf %get3A_498, %get3A_502 : vector<16xf32>
      %swap3A_504 = arith.index_cast %scan3A_75 : i32 to index
      %swap3A_505 = arith.constant 480 : index
      %swap3A_506 = tpu.vector_load %arg7[%swap3A_504, %swap3A_505] {strides = array<i32>} : memref<32x1024xf32, #tpu.memory_space<vmem>>, vector<1x16xf32>,
      %swap3A_507 = vector.shape_cast %swap3A_506 : vector<1x16xf32> to vector<16xf32>
      %swap3A_508 = vector.shape_cast %add3A_503 : vector<16xf32> to vector<1x16xf32>
      tpu.vector_store %arg7[%swap3A_504, %swap3A_505], %swap3A_508 {strides = array<i32>} : memref<32x1024xf32, #tpu.memory_space<vmem>>, vector<1x16xf32>,
      %get3A_509 = arith.index_cast %scan3A_75 : i32 to index
      %get3A_510 = arith.constant 496 : index
      %get3A_511 = tpu.vector_load %arg7[%get3A_509, %get3A_510] {strides = array<i32>} : memref<32x1024xf32, #tpu.memory_space<vmem>>, vector<1x16xf32>,
      %get3A_512 = vector.shape_cast %get3A_511 : vector<1x16xf32> to vector<16xf32>
      %get3A_513 = arith.index_cast %scan3A_75 : i32 to index
      %get3A_514 = arith.constant 496 : index
      %get3A_515 = tpu.vector_load %arg8[%get3A_513, %get3A_514] {strides = array<i32>} : memref<32x1024xf32, #tpu.memory_space<vmem>>, vector<1x16xf32>,
      %get3A_516 = vector.shape_cast %get3A_515 : vector<1x16xf32> to vector<16xf32>
      %add3A_517 = arith.addf %get3A_512, %get3A_516 : vector<16xf32>
      %swap3A_518 = arith.index_cast %scan3A_75 : i32 to index
      %swap3A_519 = arith.constant 496 : index
      %swap3A_520 = tpu.vector_load %arg7[%swap3A_518, %swap3A_519] {strides = array<i32>} : memref<32x1024xf32, #tpu.memory_space<vmem>>, vector<1x16xf32>,
      %swap3A_521 = vector.shape_cast %swap3A_520 : vector<1x16xf32> to vector<16xf32>
      %swap3A_522 = vector.shape_cast %add3A_517 : vector<16xf32> to vector<1x16xf32>
      tpu.vector_store %arg7[%swap3A_518, %swap3A_519], %swap3A_522 {strides = array<i32>} : memref<32x1024xf32, #tpu.memory_space<vmem>>, vector<1x16xf32>,
      %get3A_523 = arith.index_cast %scan3A_75 : i32 to index
      %get3A_524 = arith.constant 512 : index
      %get3A_525 = tpu.vector_load %arg7[%get3A_523, %get3A_524] {strides = array<i32>} : memref<32x1024xf32, #tpu.memory_space<vmem>>, vector<1x16xf32>,
      %get3A_526 = vector.shape_cast %get3A_525 : vector<1x16xf32> to vector<16xf32>
      %get3A_527 = arith.index_cast %scan3A_75 : i32 to index
      %get3A_528 = arith.constant 512 : index
      %get3A_529 = tpu.vector_load %arg8[%get3A_527, %get3A_528] {strides = array<i32>} : memref<32x1024xf32, #tpu.memory_space<vmem>>, vector<1x16xf32>,
      %get3A_530 = vector.shape_cast %get3A_529 : vector<1x16xf32> to vector<16xf32>
      %add3A_531 = arith.addf %get3A_526, %get3A_530 : vector<16xf32>
      %swap3A_532 = arith.index_cast %scan3A_75 : i32 to index
      %swap3A_533 = arith.constant 512 : index
      %swap3A_534 = tpu.vector_load %arg7[%swap3A_532, %swap3A_533] {strides = array<i32>} : memref<32x1024xf32, #tpu.memory_space<vmem>>, vector<1x16xf32>,
      %swap3A_535 = vector.shape_cast %swap3A_534 : vector<1x16xf32> to vector<16xf32>
      %swap3A_536 = vector.shape_cast %add3A_531 : vector<16xf32> to vector<1x16xf32>
      tpu.vector_store %arg7[%swap3A_532, %swap3A_533], %swap3A_536 {strides = array<i32>} : memref<32x1024xf32, #tpu.memory_space<vmem>>, vector<1x16xf32>,
      %get3A_537 = arith.index_cast %scan3A_75 : i32 to index
      %get3A_538 = arith.constant 528 : index
      %get3A_539 = tpu.vector_load %arg7[%get3A_537, %get3A_538] {strides = array<i32>} : memref<32x1024xf32, #tpu.memory_space<vmem>>, vector<1x16xf32>,
      %get3A_540 = vector.shape_cast %get3A_539 : vector<1x16xf32> to vector<16xf32>
      %get3A_541 = arith.index_cast %scan3A_75 : i32 to index
      %get3A_542 = arith.constant 528 : index
      %get3A_543 = tpu.vector_load %arg8[%get3A_541, %get3A_542] {strides = array<i32>} : memref<32x1024xf32, #tpu.memory_space<vmem>>, vector<1x16xf32>,
      %get3A_544 = vector.shape_cast %get3A_543 : vector<1x16xf32> to vector<16xf32>
      %add3A_545 = arith.addf %get3A_540, %get3A_544 : vector<16xf32>
      %swap3A_546 = arith.index_cast %scan3A_75 : i32 to index
      %swap3A_547 = arith.constant 528 : index
      %swap3A_548 = tpu.vector_load %arg7[%swap3A_546, %swap3A_547] {strides = array<i32>} : memref<32x1024xf32, #tpu.memory_space<vmem>>, vector<1x16xf32>,
      %swap3A_549 = vector.shape_cast %swap3A_548 : vector<1x16xf32> to vector<16xf32>
      %swap3A_550 = vector.shape_cast %add3A_545 : vector<16xf32> to vector<1x16xf32>
      tpu.vector_store %arg7[%swap3A_546, %swap3A_547], %swap3A_550 {strides = array<i32>} : memref<32x1024xf32, #tpu.memory_space<vmem>>, vector<1x16xf32>,
      %get3A_551 = arith.index_cast %scan3A_75 : i32 to index
      %get3A_552 = arith.constant 544 : index
      %get3A_553 = tpu.vector_load %arg7[%get3A_551, %get3A_552] {strides = array<i32>} : memref<32x1024xf32, #tpu.memory_space<vmem>>, vector<1x16xf32>,
      %get3A_554 = vector.shape_cast %get3A_553 : vector<1x16xf32> to vector<16xf32>
      %get3A_555 = arith.index_cast %scan3A_75 : i32 to index
      %get3A_556 = arith.constant 544 : index
      %get3A_557 = tpu.vector_load %arg8[%get3A_555, %get3A_556] {strides = array<i32>} : memref<32x1024xf32, #tpu.memory_space<vmem>>, vector<1x16xf32>,
      %get3A_558 = vector.shape_cast %get3A_557 : vector<1x16xf32> to vector<16xf32>
      %add3A_559 = arith.addf %get3A_554, %get3A_558 : vector<16xf32>
      %swap3A_560 = arith.index_cast %scan3A_75 : i32 to index
      %swap3A_561 = arith.constant 544 : index
      %swap3A_562 = tpu.vector_load %arg7[%swap3A_560, %swap3A_561] {strides = array<i32>} : memref<32x1024xf32, #tpu.memory_space<vmem>>, vector<1x16xf32>,
      %swap3A_563 = vector.shape_cast %swap3A_562 : vector<1x16xf32> to vector<16xf32>
      %swap3A_564 = vector.shape_cast %add3A_559 : vector<16xf32> to vector<1x16xf32>
      tpu.vector_store %arg7[%swap3A_560, %swap3A_561], %swap3A_564 {strides = array<i32>} : memref<32x1024xf32, #tpu.memory_space<vmem>>, vector<1x16xf32>,
      %get3A_565 = arith.index_cast %scan3A_75 : i32 to index
      %get3A_566 = arith.constant 560 : index
      %get3A_567 = tpu.vector_load %arg7[%get3A_565, %get3A_566] {strides = array<i32>} : memref<32x1024xf32, #tpu.memory_space<vmem>>, vector<1x16xf32>,
      %get3A_568 = vector.shape_cast %get3A_567 : vector<1x16xf32> to vector<16xf32>
      %get3A_569 = arith.index_cast %scan3A_75 : i32 to index
      %get3A_570 = arith.constant 560 : index
      %get3A_571 = tpu.vector_load %arg8[%get3A_569, %get3A_570] {strides = array<i32>} : memref<32x1024xf32, #tpu.memory_space<vmem>>, vector<1x16xf32>,
      %get3A_572 = vector.shape_cast %get3A_571 : vector<1x16xf32> to vector<16xf32>
      %add3A_573 = arith.addf %get3A_568, %get3A_572 : vector<16xf32>
      %swap3A_574 = arith.index_cast %scan3A_75 : i32 to index
      %swap3A_575 = arith.constant 560 : index
      %swap3A_576 = tpu.vector_load %arg7[%swap3A_574, %swap3A_575] {strides = array<i32>} : memref<32x1024xf32, #tpu.memory_space<vmem>>, vector<1x16xf32>,
      %swap3A_577 = vector.shape_cast %swap3A_576 : vector<1x16xf32> to vector<16xf32>
      %swap3A_578 = vector.shape_cast %add3A_573 : vector<16xf32> to vector<1x16xf32>
      tpu.vector_store %arg7[%swap3A_574, %swap3A_575], %swap3A_578 {strides = array<i32>} : memref<32x1024xf32, #tpu.memory_space<vmem>>, vector<1x16xf32>,
      %get3A_579 = arith.index_cast %scan3A_75 : i32 to index
      %get3A_580 = arith.constant 576 : index
      %get3A_581 = tpu.vector_load %arg7[%get3A_579, %get3A_580] {strides = array<i32>} : memref<32x1024xf32, #tpu.memory_space<vmem>>, vector<1x16xf32>,
      %get3A_582 = vector.shape_cast %get3A_581 : vector<1x16xf32> to vector<16xf32>
      %get3A_583 = arith.index_cast %scan3A_75 : i32 to index
      %get3A_584 = arith.constant 576 : index
      %get3A_585 = tpu.vector_load %arg8[%get3A_583, %get3A_584] {strides = array<i32>} : memref<32x1024xf32, #tpu.memory_space<vmem>>, vector<1x16xf32>,
      %get3A_586 = vector.shape_cast %get3A_585 : vector<1x16xf32> to vector<16xf32>
      %add3A_587 = arith.addf %get3A_582, %get3A_586 : vector<16xf32>
      %swap3A_588 = arith.index_cast %scan3A_75 : i32 to index
      %swap3A_589 = arith.constant 576 : index
      %swap3A_590 = tpu.vector_load %arg7[%swap3A_588, %swap3A_589] {strides = array<i32>} : memref<32x1024xf32, #tpu.memory_space<vmem>>, vector<1x16xf32>,
      %swap3A_591 = vector.shape_cast %swap3A_590 : vector<1x16xf32> to vector<16xf32>
      %swap3A_592 = vector.shape_cast %add3A_587 : vector<16xf32> to vector<1x16xf32>
      tpu.vector_store %arg7[%swap3A_588, %swap3A_589], %swap3A_592 {strides = array<i32>} : memref<32x1024xf32, #tpu.memory_space<vmem>>, vector<1x16xf32>,
      %get3A_593 = arith.index_cast %scan3A_75 : i32 to index
      %get3A_594 = arith.constant 592 : index
      %get3A_595 = tpu.vector_load %arg7[%get3A_593, %get3A_594] {strides = array<i32>} : memref<32x1024xf32, #tpu.memory_space<vmem>>, vector<1x16xf32>,
      %get3A_596 = vector.shape_cast %get3A_595 : vector<1x16xf32> to vector<16xf32>
      %get3A_597 = arith.index_cast %scan3A_75 : i32 to index
      %get3A_598 = arith.constant 592 : index
      %get3A_599 = tpu.vector_load %arg8[%get3A_597, %get3A_598] {strides = array<i32>} : memref<32x1024xf32, #tpu.memory_space<vmem>>, vector<1x16xf32>,
      %get3A_600 = vector.shape_cast %get3A_599 : vector<1x16xf32> to vector<16xf32>
      %add3A_601 = arith.addf %get3A_596, %get3A_600 : vector<16xf32>
      %swap3A_602 = arith.index_cast %scan3A_75 : i32 to index
      %swap3A_603 = arith.constant 592 : index
      %swap3A_604 = tpu.vector_load %arg7[%swap3A_602, %swap3A_603] {strides = array<i32>} : memref<32x1024xf32, #tpu.memory_space<vmem>>, vector<1x16xf32>,
      %swap3A_605 = vector.shape_cast %swap3A_604 : vector<1x16xf32> to vector<16xf32>
      %swap3A_606 = vector.shape_cast %add3A_601 : vector<16xf32> to vector<1x16xf32>
      tpu.vector_store %arg7[%swap3A_602, %swap3A_603], %swap3A_606 {strides = array<i32>} : memref<32x1024xf32, #tpu.memory_space<vmem>>, vector<1x16xf32>,
      %get3A_607 = arith.index_cast %scan3A_75 : i32 to index
      %get3A_608 = arith.constant 608 : index
      %get3A_609 = tpu.vector_load %arg7[%get3A_607, %get3A_608] {strides = array<i32>} : memref<32x1024xf32, #tpu.memory_space<vmem>>, vector<1x16xf32>,
      %get3A_610 = vector.shape_cast %get3A_609 : vector<1x16xf32> to vector<16xf32>
      %get3A_611 = arith.index_cast %scan3A_75 : i32 to index
      %get3A_612 = arith.constant 608 : index
      %get3A_613 = tpu.vector_load %arg8[%get3A_611, %get3A_612] {strides = array<i32>} : memref<32x1024xf32, #tpu.memory_space<vmem>>, vector<1x16xf32>,
      %get3A_614 = vector.shape_cast %get3A_613 : vector<1x16xf32> to vector<16xf32>
      %add3A_615 = arith.addf %get3A_610, %get3A_614 : vector<16xf32>
      %swap3A_616 = arith.index_cast %scan3A_75 : i32 to index
      %swap3A_617 = arith.constant 608 : index
      %swap3A_618 = tpu.vector_load %arg7[%swap3A_616, %swap3A_617] {strides = array<i32>} : memref<32x1024xf32, #tpu.memory_space<vmem>>, vector<1x16xf32>,
      %swap3A_619 = vector.shape_cast %swap3A_618 : vector<1x16xf32> to vector<16xf32>
      %swap3A_620 = vector.shape_cast %add3A_615 : vector<16xf32> to vector<1x16xf32>
      tpu.vector_store %arg7[%swap3A_616, %swap3A_617], %swap3A_620 {strides = array<i32>} : memref<32x1024xf32, #tpu.memory_space<vmem>>, vector<1x16xf32>,
      %get3A_621 = arith.index_cast %scan3A_75 : i32 to index
      %get3A_622 = arith.constant 624 : index
      %get3A_623 = tpu.vector_load %arg7[%get3A_621, %get3A_622] {strides = array<i32>} : memref<32x1024xf32, #tpu.memory_space<vmem>>, vector<1x16xf32>,
      %get3A_624 = vector.shape_cast %get3A_623 : vector<1x16xf32> to vector<16xf32>
      %get3A_625 = arith.index_cast %scan3A_75 : i32 to index
      %get3A_626 = arith.constant 624 : index
      %get3A_627 = tpu.vector_load %arg8[%get3A_625, %get3A_626] {strides = array<i32>} : memref<32x1024xf32, #tpu.memory_space<vmem>>, vector<1x16xf32>,
      %get3A_628 = vector.shape_cast %get3A_627 : vector<1x16xf32> to vector<16xf32>
      %add3A_629 = arith.addf %get3A_624, %get3A_628 : vector<16xf32>
      %swap3A_630 = arith.index_cast %scan3A_75 : i32 to index
      %swap3A_631 = arith.constant 624 : index
      %swap3A_632 = tpu.vector_load %arg7[%swap3A_630, %swap3A_631] {strides = array<i32>} : memref<32x1024xf32, #tpu.memory_space<vmem>>, vector<1x16xf32>,
      %swap3A_633 = vector.shape_cast %swap3A_632 : vector<1x16xf32> to vector<16xf32>
      %swap3A_634 = vector.shape_cast %add3A_629 : vector<16xf32> to vector<1x16xf32>
      tpu.vector_store %arg7[%swap3A_630, %swap3A_631], %swap3A_634 {strides = array<i32>} : memref<32x1024xf32, #tpu.memory_space<vmem>>, vector<1x16xf32>,
      %get3A_635 = arith.index_cast %scan3A_75 : i32 to index
      %get3A_636 = arith.constant 640 : index
      %get3A_637 = tpu.vector_load %arg7[%get3A_635, %get3A_636] {strides = array<i32>} : memref<32x1024xf32, #tpu.memory_space<vmem>>, vector<1x16xf32>,
      %get3A_638 = vector.shape_cast %get3A_637 : vector<1x16xf32> to vector<16xf32>
      %get3A_639 = arith.index_cast %scan3A_75 : i32 to index
      %get3A_640 = arith.constant 640 : index
      %get3A_641 = tpu.vector_load %arg8[%get3A_639, %get3A_640] {strides = array<i32>} : memref<32x1024xf32, #tpu.memory_space<vmem>>, vector<1x16xf32>,
      %get3A_642 = vector.shape_cast %get3A_641 : vector<1x16xf32> to vector<16xf32>
      %add3A_643 = arith.addf %get3A_638, %get3A_642 : vector<16xf32>
      %swap3A_644 = arith.index_cast %scan3A_75 : i32 to index
      %swap3A_645 = arith.constant 640 : index
      %swap3A_646 = tpu.vector_load %arg7[%swap3A_644, %swap3A_645] {strides = array<i32>} : memref<32x1024xf32, #tpu.memory_space<vmem>>, vector<1x16xf32>,
      %swap3A_647 = vector.shape_cast %swap3A_646 : vector<1x16xf32> to vector<16xf32>
      %swap3A_648 = vector.shape_cast %add3A_643 : vector<16xf32> to vector<1x16xf32>
      tpu.vector_store %arg7[%swap3A_644, %swap3A_645], %swap3A_648 {strides = array<i32>} : memref<32x1024xf32, #tpu.memory_space<vmem>>, vector<1x16xf32>,
      %get3A_649 = arith.index_cast %scan3A_75 : i32 to index
      %get3A_650 = arith.constant 656 : index
      %get3A_651 = tpu.vector_load %arg7[%get3A_649, %get3A_650] {strides = array<i32>} : memref<32x1024xf32, #tpu.memory_space<vmem>>, vector<1x16xf32>,
      %get3A_652 = vector.shape_cast %get3A_651 : vector<1x16xf32> to vector<16xf32>
      %get3A_653 = arith.index_cast %scan3A_75 : i32 to index
      %get3A_654 = arith.constant 656 : index
      %get3A_655 = tpu.vector_load %arg8[%get3A_653, %get3A_654] {strides = array<i32>} : memref<32x1024xf32, #tpu.memory_space<vmem>>, vector<1x16xf32>,
      %get3A_656 = vector.shape_cast %get3A_655 : vector<1x16xf32> to vector<16xf32>
      %add3A_657 = arith.addf %get3A_652, %get3A_656 : vector<16xf32>
      %swap3A_658 = arith.index_cast %scan3A_75 : i32 to index
      %swap3A_659 = arith.constant 656 : index
      %swap3A_660 = tpu.vector_load %arg7[%swap3A_658, %swap3A_659] {strides = array<i32>} : memref<32x1024xf32, #tpu.memory_space<vmem>>, vector<1x16xf32>,
      %swap3A_661 = vector.shape_cast %swap3A_660 : vector<1x16xf32> to vector<16xf32>
      %swap3A_662 = vector.shape_cast %add3A_657 : vector<16xf32> to vector<1x16xf32>
      tpu.vector_store %arg7[%swap3A_658, %swap3A_659], %swap3A_662 {strides = array<i32>} : memref<32x1024xf32, #tpu.memory_space<vmem>>, vector<1x16xf32>,
      %get3A_663 = arith.index_cast %scan3A_75 : i32 to index
      %get3A_664 = arith.constant 672 : index
      %get3A_665 = tpu.vector_load %arg7[%get3A_663, %get3A_664] {strides = array<i32>} : memref<32x1024xf32, #tpu.memory_space<vmem>>, vector<1x16xf32>,
      %get3A_666 = vector.shape_cast %get3A_665 : vector<1x16xf32> to vector<16xf32>
      %get3A_667 = arith.index_cast %scan3A_75 : i32 to index
      %get3A_668 = arith.constant 672 : index
      %get3A_669 = tpu.vector_load %arg8[%get3A_667, %get3A_668] {strides = array<i32>} : memref<32x1024xf32, #tpu.memory_space<vmem>>, vector<1x16xf32>,
      %get3A_670 = vector.shape_cast %get3A_669 : vector<1x16xf32> to vector<16xf32>
      %add3A_671 = arith.addf %get3A_666, %get3A_670 : vector<16xf32>
      %swap3A_672 = arith.index_cast %scan3A_75 : i32 to index
      %swap3A_673 = arith.constant 672 : index
      %swap3A_674 = tpu.vector_load %arg7[%swap3A_672, %swap3A_673] {strides = array<i32>} : memref<32x1024xf32, #tpu.memory_space<vmem>>, vector<1x16xf32>,
      %swap3A_675 = vector.shape_cast %swap3A_674 : vector<1x16xf32> to vector<16xf32>
      %swap3A_676 = vector.shape_cast %add3A_671 : vector<16xf32> to vector<1x16xf32>
      tpu.vector_store %arg7[%swap3A_672, %swap3A_673], %swap3A_676 {strides = array<i32>} : memref<32x1024xf32, #tpu.memory_space<vmem>>, vector<1x16xf32>,
      %get3A_677 = arith.index_cast %scan3A_75 : i32 to index
      %get3A_678 = arith.constant 688 : index
      %get3A_679 = tpu.vector_load %arg7[%get3A_677, %get3A_678] {strides = array<i32>} : memref<32x1024xf32, #tpu.memory_space<vmem>>, vector<1x16xf32>,
      %get3A_680 = vector.shape_cast %get3A_679 : vector<1x16xf32> to vector<16xf32>
      %get3A_681 = arith.index_cast %scan3A_75 : i32 to index
      %get3A_682 = arith.constant 688 : index
      %get3A_683 = tpu.vector_load %arg8[%get3A_681, %get3A_682] {strides = array<i32>} : memref<32x1024xf32, #tpu.memory_space<vmem>>, vector<1x16xf32>,
      %get3A_684 = vector.shape_cast %get3A_683 : vector<1x16xf32> to vector<16xf32>
      %add3A_685 = arith.addf %get3A_680, %get3A_684 : vector<16xf32>
      %swap3A_686 = arith.index_cast %scan3A_75 : i32 to index
      %swap3A_687 = arith.constant 688 : index
      %swap3A_688 = tpu.vector_load %arg7[%swap3A_686, %swap3A_687] {strides = array<i32>} : memref<32x1024xf32, #tpu.memory_space<vmem>>, vector<1x16xf32>,
      %swap3A_689 = vector.shape_cast %swap3A_688 : vector<1x16xf32> to vector<16xf32>
      %swap3A_690 = vector.shape_cast %add3A_685 : vector<16xf32> to vector<1x16xf32>
      tpu.vector_store %arg7[%swap3A_686, %swap3A_687], %swap3A_690 {strides = array<i32>} : memref<32x1024xf32, #tpu.memory_space<vmem>>, vector<1x16xf32>,
      %get3A_691 = arith.index_cast %scan3A_75 : i32 to index
      %get3A_692 = arith.constant 704 : index
      %get3A_693 = tpu.vector_load %arg7[%get3A_691, %get3A_692] {strides = array<i32>} : memref<32x1024xf32, #tpu.memory_space<vmem>>, vector<1x16xf32>,
      %get3A_694 = vector.shape_cast %get3A_693 : vector<1x16xf32> to vector<16xf32>
      %get3A_695 = arith.index_cast %scan3A_75 : i32 to index
      %get3A_696 = arith.constant 704 : index
      %get3A_697 = tpu.vector_load %arg8[%get3A_695, %get3A_696] {strides = array<i32>} : memref<32x1024xf32, #tpu.memory_space<vmem>>, vector<1x16xf32>,
      %get3A_698 = vector.shape_cast %get3A_697 : vector<1x16xf32> to vector<16xf32>
      %add3A_699 = arith.addf %get3A_694, %get3A_698 : vector<16xf32>
      %swap3A_700 = arith.index_cast %scan3A_75 : i32 to index
      %swap3A_701 = arith.constant 704 : index
      %swap3A_702 = tpu.vector_load %arg7[%swap3A_700, %swap3A_701] {strides = array<i32>} : memref<32x1024xf32, #tpu.memory_space<vmem>>, vector<1x16xf32>,
      %swap3A_703 = vector.shape_cast %swap3A_702 : vector<1x16xf32> to vector<16xf32>
      %swap3A_704 = vector.shape_cast %add3A_699 : vector<16xf32> to vector<1x16xf32>
      tpu.vector_store %arg7[%swap3A_700, %swap3A_701], %swap3A_704 {strides = array<i32>} : memref<32x1024xf32, #tpu.memory_space<vmem>>, vector<1x16xf32>,
      %get3A_705 = arith.index_cast %scan3A_75 : i32 to index
      %get3A_706 = arith.constant 720 : index
      %get3A_707 = tpu.vector_load %arg7[%get3A_705, %get3A_706] {strides = array<i32>} : memref<32x1024xf32, #tpu.memory_space<vmem>>, vector<1x16xf32>,
      %get3A_708 = vector.shape_cast %get3A_707 : vector<1x16xf32> to vector<16xf32>
      %get3A_709 = arith.index_cast %scan3A_75 : i32 to index
      %get3A_710 = arith.constant 720 : index
      %get3A_711 = tpu.vector_load %arg8[%get3A_709, %get3A_710] {strides = array<i32>} : memref<32x1024xf32, #tpu.memory_space<vmem>>, vector<1x16xf32>,
      %get3A_712 = vector.shape_cast %get3A_711 : vector<1x16xf32> to vector<16xf32>
      %add3A_713 = arith.addf %get3A_708, %get3A_712 : vector<16xf32>
      %swap3A_714 = arith.index_cast %scan3A_75 : i32 to index
      %swap3A_715 = arith.constant 720 : index
      %swap3A_716 = tpu.vector_load %arg7[%swap3A_714, %swap3A_715] {strides = array<i32>} : memref<32x1024xf32, #tpu.memory_space<vmem>>, vector<1x16xf32>,
      %swap3A_717 = vector.shape_cast %swap3A_716 : vector<1x16xf32> to vector<16xf32>
      %swap3A_718 = vector.shape_cast %add3A_713 : vector<16xf32> to vector<1x16xf32>
      tpu.vector_store %arg7[%swap3A_714, %swap3A_715], %swap3A_718 {strides = array<i32>} : memref<32x1024xf32, #tpu.memory_space<vmem>>, vector<1x16xf32>,
      %get3A_719 = arith.index_cast %scan3A_75 : i32 to index
      %get3A_720 = arith.constant 736 : index
      %get3A_721 = tpu.vector_load %arg7[%get3A_719, %get3A_720] {strides = array<i32>} : memref<32x1024xf32, #tpu.memory_space<vmem>>, vector<1x16xf32>,
      %get3A_722 = vector.shape_cast %get3A_721 : vector<1x16xf32> to vector<16xf32>
      %get3A_723 = arith.index_cast %scan3A_75 : i32 to index
      %get3A_724 = arith.constant 736 : index
      %get3A_725 = tpu.vector_load %arg8[%get3A_723, %get3A_724] {strides = array<i32>} : memref<32x1024xf32, #tpu.memory_space<vmem>>, vector<1x16xf32>,
      %get3A_726 = vector.shape_cast %get3A_725 : vector<1x16xf32> to vector<16xf32>
      %add3A_727 = arith.addf %get3A_722, %get3A_726 : vector<16xf32>
      %swap3A_728 = arith.index_cast %scan3A_75 : i32 to index
      %swap3A_729 = arith.constant 736 : index
      %swap3A_730 = tpu.vector_load %arg7[%swap3A_728, %swap3A_729] {strides = array<i32>} : memref<32x1024xf32, #tpu.memory_space<vmem>>, vector<1x16xf32>,
      %swap3A_731 = vector.shape_cast %swap3A_730 : vector<1x16xf32> to vector<16xf32>
      %swap3A_732 = vector.shape_cast %add3A_727 : vector<16xf32> to vector<1x16xf32>
      tpu.vector_store %arg7[%swap3A_728, %swap3A_729], %swap3A_732 {strides = array<i32>} : memref<32x1024xf32, #tpu.memory_space<vmem>>, vector<1x16xf32>,
      %get3A_733 = arith.index_cast %scan3A_75 : i32 to index
      %get3A_734 = arith.constant 752 : index
      %get3A_735 = tpu.vector_load %arg7[%get3A_733, %get3A_734] {strides = array<i32>} : memref<32x1024xf32, #tpu.memory_space<vmem>>, vector<1x16xf32>,
      %get3A_736 = vector.shape_cast %get3A_735 : vector<1x16xf32> to vector<16xf32>
      %get3A_737 = arith.index_cast %scan3A_75 : i32 to index
      %get3A_738 = arith.constant 752 : index
      %get3A_739 = tpu.vector_load %arg8[%get3A_737, %get3A_738] {strides = array<i32>} : memref<32x1024xf32, #tpu.memory_space<vmem>>, vector<1x16xf32>,
      %get3A_740 = vector.shape_cast %get3A_739 : vector<1x16xf32> to vector<16xf32>
      %add3A_741 = arith.addf %get3A_736, %get3A_740 : vector<16xf32>
      %swap3A_742 = arith.index_cast %scan3A_75 : i32 to index
      %swap3A_743 = arith.constant 752 : index
      %swap3A_744 = tpu.vector_load %arg7[%swap3A_742, %swap3A_743] {strides = array<i32>} : memref<32x1024xf32, #tpu.memory_space<vmem>>, vector<1x16xf32>,
      %swap3A_745 = vector.shape_cast %swap3A_744 : vector<1x16xf32> to vector<16xf32>
      %swap3A_746 = vector.shape_cast %add3A_741 : vector<16xf32> to vector<1x16xf32>
      tpu.vector_store %arg7[%swap3A_742, %swap3A_743], %swap3A_746 {strides = array<i32>} : memref<32x1024xf32, #tpu.memory_space<vmem>>, vector<1x16xf32>,
      %get3A_747 = arith.index_cast %scan3A_75 : i32 to index
      %get3A_748 = arith.constant 768 : index
      %get3A_749 = tpu.vector_load %arg7[%get3A_747, %get3A_748] {strides = array<i32>} : memref<32x1024xf32, #tpu.memory_space<vmem>>, vector<1x16xf32>,
      %get3A_750 = vector.shape_cast %get3A_749 : vector<1x16xf32> to vector<16xf32>
      %get3A_751 = arith.index_cast %scan3A_75 : i32 to index
      %get3A_752 = arith.constant 768 : index
      %get3A_753 = tpu.vector_load %arg8[%get3A_751, %get3A_752] {strides = array<i32>} : memref<32x1024xf32, #tpu.memory_space<vmem>>, vector<1x16xf32>,
      %get3A_754 = vector.shape_cast %get3A_753 : vector<1x16xf32> to vector<16xf32>
      %add3A_755 = arith.addf %get3A_750, %get3A_754 : vector<16xf32>
      %swap3A_756 = arith.index_cast %scan3A_75 : i32 to index
      %swap3A_757 = arith.constant 768 : index
      %swap3A_758 = tpu.vector_load %arg7[%swap3A_756, %swap3A_757] {strides = array<i32>} : memref<32x1024xf32, #tpu.memory_space<vmem>>, vector<1x16xf32>,
      %swap3A_759 = vector.shape_cast %swap3A_758 : vector<1x16xf32> to vector<16xf32>
      %swap3A_760 = vector.shape_cast %add3A_755 : vector<16xf32> to vector<1x16xf32>
      tpu.vector_store %arg7[%swap3A_756, %swap3A_757], %swap3A_760 {strides = array<i32>} : memref<32x1024xf32, #tpu.memory_space<vmem>>, vector<1x16xf32>,
      %get3A_761 = arith.index_cast %scan3A_75 : i32 to index
      %get3A_762 = arith.constant 784 : index
      %get3A_763 = tpu.vector_load %arg7[%get3A_761, %get3A_762] {strides = array<i32>} : memref<32x1024xf32, #tpu.memory_space<vmem>>, vector<1x16xf32>,
      %get3A_764 = vector.shape_cast %get3A_763 : vector<1x16xf32> to vector<16xf32>
      %get3A_765 = arith.index_cast %scan3A_75 : i32 to index
      %get3A_766 = arith.constant 784 : index
      %get3A_767 = tpu.vector_load %arg8[%get3A_765, %get3A_766] {strides = array<i32>} : memref<32x1024xf32, #tpu.memory_space<vmem>>, vector<1x16xf32>,
      %get3A_768 = vector.shape_cast %get3A_767 : vector<1x16xf32> to vector<16xf32>
      %add3A_769 = arith.addf %get3A_764, %get3A_768 : vector<16xf32>
      %swap3A_770 = arith.index_cast %scan3A_75 : i32 to index
      %swap3A_771 = arith.constant 784 : index
      %swap3A_772 = tpu.vector_load %arg7[%swap3A_770, %swap3A_771] {strides = array<i32>} : memref<32x1024xf32, #tpu.memory_space<vmem>>, vector<1x16xf32>,
      %swap3A_773 = vector.shape_cast %swap3A_772 : vector<1x16xf32> to vector<16xf32>
      %swap3A_774 = vector.shape_cast %add3A_769 : vector<16xf32> to vector<1x16xf32>
      tpu.vector_store %arg7[%swap3A_770, %swap3A_771], %swap3A_774 {strides = array<i32>} : memref<32x1024xf32, #tpu.memory_space<vmem>>, vector<1x16xf32>,
      %get3A_775 = arith.index_cast %scan3A_75 : i32 to index
      %get3A_776 = arith.constant 800 : index
      %get3A_777 = tpu.vector_load %arg7[%get3A_775, %get3A_776] {strides = array<i32>} : memref<32x1024xf32, #tpu.memory_space<vmem>>, vector<1x16xf32>,
      %get3A_778 = vector.shape_cast %get3A_777 : vector<1x16xf32> to vector<16xf32>
      %get3A_779 = arith.index_cast %scan3A_75 : i32 to index
      %get3A_780 = arith.constant 800 : index
      %get3A_781 = tpu.vector_load %arg8[%get3A_779, %get3A_780] {strides = array<i32>} : memref<32x1024xf32, #tpu.memory_space<vmem>>, vector<1x16xf32>,
      %get3A_782 = vector.shape_cast %get3A_781 : vector<1x16xf32> to vector<16xf32>
      %add3A_783 = arith.addf %get3A_778, %get3A_782 : vector<16xf32>
      %swap3A_784 = arith.index_cast %scan3A_75 : i32 to index
      %swap3A_785 = arith.constant 800 : index
      %swap3A_786 = tpu.vector_load %arg7[%swap3A_784, %swap3A_785] {strides = array<i32>} : memref<32x1024xf32, #tpu.memory_space<vmem>>, vector<1x16xf32>,
      %swap3A_787 = vector.shape_cast %swap3A_786 : vector<1x16xf32> to vector<16xf32>
      %swap3A_788 = vector.shape_cast %add3A_783 : vector<16xf32> to vector<1x16xf32>
      tpu.vector_store %arg7[%swap3A_784, %swap3A_785], %swap3A_788 {strides = array<i32>} : memref<32x1024xf32, #tpu.memory_space<vmem>>, vector<1x16xf32>,
      %get3A_789 = arith.index_cast %scan3A_75 : i32 to index
      %get3A_790 = arith.constant 816 : index
      %get3A_791 = tpu.vector_load %arg7[%get3A_789, %get3A_790] {strides = array<i32>} : memref<32x1024xf32, #tpu.memory_space<vmem>>, vector<1x16xf32>,
      %get3A_792 = vector.shape_cast %get3A_791 : vector<1x16xf32> to vector<16xf32>
      %get3A_793 = arith.index_cast %scan3A_75 : i32 to index
      %get3A_794 = arith.constant 816 : index
      %get3A_795 = tpu.vector_load %arg8[%get3A_793, %get3A_794] {strides = array<i32>} : memref<32x1024xf32, #tpu.memory_space<vmem>>, vector<1x16xf32>,
      %get3A_796 = vector.shape_cast %get3A_795 : vector<1x16xf32> to vector<16xf32>
      %add3A_797 = arith.addf %get3A_792, %get3A_796 : vector<16xf32>
      %swap3A_798 = arith.index_cast %scan3A_75 : i32 to index
      %swap3A_799 = arith.constant 816 : index
      %swap3A_800 = tpu.vector_load %arg7[%swap3A_798, %swap3A_799] {strides = array<i32>} : memref<32x1024xf32, #tpu.memory_space<vmem>>, vector<1x16xf32>,
      %swap3A_801 = vector.shape_cast %swap3A_800 : vector<1x16xf32> to vector<16xf32>
      %swap3A_802 = vector.shape_cast %add3A_797 : vector<16xf32> to vector<1x16xf32>
      tpu.vector_store %arg7[%swap3A_798, %swap3A_799], %swap3A_802 {strides = array<i32>} : memref<32x1024xf32, #tpu.memory_space<vmem>>, vector<1x16xf32>,
      %get3A_803 = arith.index_cast %scan3A_75 : i32 to index
      %get3A_804 = arith.constant 832 : index
      %get3A_805 = tpu.vector_load %arg7[%get3A_803, %get3A_804] {strides = array<i32>} : memref<32x1024xf32, #tpu.memory_space<vmem>>, vector<1x16xf32>,
      %get3A_806 = vector.shape_cast %get3A_805 : vector<1x16xf32> to vector<16xf32>
      %get3A_807 = arith.index_cast %scan3A_75 : i32 to index
      %get3A_808 = arith.constant 832 : index
      %get3A_809 = tpu.vector_load %arg8[%get3A_807, %get3A_808] {strides = array<i32>} : memref<32x1024xf32, #tpu.memory_space<vmem>>, vector<1x16xf32>,
      %get3A_810 = vector.shape_cast %get3A_809 : vector<1x16xf32> to vector<16xf32>
      %add3A_811 = arith.addf %get3A_806, %get3A_810 : vector<16xf32>
      %swap3A_812 = arith.index_cast %scan3A_75 : i32 to index
      %swap3A_813 = arith.constant 832 : index
      %swap3A_814 = tpu.vector_load %arg7[%swap3A_812, %swap3A_813] {strides = array<i32>} : memref<32x1024xf32, #tpu.memory_space<vmem>>, vector<1x16xf32>,
      %swap3A_815 = vector.shape_cast %swap3A_814 : vector<1x16xf32> to vector<16xf32>
      %swap3A_816 = vector.shape_cast %add3A_811 : vector<16xf32> to vector<1x16xf32>
      tpu.vector_store %arg7[%swap3A_812, %swap3A_813], %swap3A_816 {strides = array<i32>} : memref<32x1024xf32, #tpu.memory_space<vmem>>, vector<1x16xf32>,
      %get3A_817 = arith.index_cast %scan3A_75 : i32 to index
      %get3A_818 = arith.constant 848 : index
      %get3A_819 = tpu.vector_load %arg7[%get3A_817, %get3A_818] {strides = array<i32>} : memref<32x1024xf32, #tpu.memory_space<vmem>>, vector<1x16xf32>,
      %get3A_820 = vector.shape_cast %get3A_819 : vector<1x16xf32> to vector<16xf32>
      %get3A_821 = arith.index_cast %scan3A_75 : i32 to index
      %get3A_822 = arith.constant 848 : index
      %get3A_823 = tpu.vector_load %arg8[%get3A_821, %get3A_822] {strides = array<i32>} : memref<32x1024xf32, #tpu.memory_space<vmem>>, vector<1x16xf32>,
      %get3A_824 = vector.shape_cast %get3A_823 : vector<1x16xf32> to vector<16xf32>
      %add3A_825 = arith.addf %get3A_820, %get3A_824 : vector<16xf32>
      %swap3A_826 = arith.index_cast %scan3A_75 : i32 to index
      %swap3A_827 = arith.constant 848 : index
      %swap3A_828 = tpu.vector_load %arg7[%swap3A_826, %swap3A_827] {strides = array<i32>} : memref<32x1024xf32, #tpu.memory_space<vmem>>, vector<1x16xf32>,
      %swap3A_829 = vector.shape_cast %swap3A_828 : vector<1x16xf32> to vector<16xf32>
      %swap3A_830 = vector.shape_cast %add3A_825 : vector<16xf32> to vector<1x16xf32>
      tpu.vector_store %arg7[%swap3A_826, %swap3A_827], %swap3A_830 {strides = array<i32>} : memref<32x1024xf32, #tpu.memory_space<vmem>>, vector<1x16xf32>,
      %get3A_831 = arith.index_cast %scan3A_75 : i32 to index
      %get3A_832 = arith.constant 864 : index
      %get3A_833 = tpu.vector_load %arg7[%get3A_831, %get3A_832] {strides = array<i32>} : memref<32x1024xf32, #tpu.memory_space<vmem>>, vector<1x16xf32>,
      %get3A_834 = vector.shape_cast %get3A_833 : vector<1x16xf32> to vector<16xf32>
      %get3A_835 = arith.index_cast %scan3A_75 : i32 to index
      %get3A_836 = arith.constant 864 : index
      %get3A_837 = tpu.vector_load %arg8[%get3A_835, %get3A_836] {strides = array<i32>} : memref<32x1024xf32, #tpu.memory_space<vmem>>, vector<1x16xf32>,
      %get3A_838 = vector.shape_cast %get3A_837 : vector<1x16xf32> to vector<16xf32>
      %add3A_839 = arith.addf %get3A_834, %get3A_838 : vector<16xf32>
      %swap3A_840 = arith.index_cast %scan3A_75 : i32 to index
      %swap3A_841 = arith.constant 864 : index
      %swap3A_842 = tpu.vector_load %arg7[%swap3A_840, %swap3A_841] {strides = array<i32>} : memref<32x1024xf32, #tpu.memory_space<vmem>>, vector<1x16xf32>,
      %swap3A_843 = vector.shape_cast %swap3A_842 : vector<1x16xf32> to vector<16xf32>
      %swap3A_844 = vector.shape_cast %add3A_839 : vector<16xf32> to vector<1x16xf32>
      tpu.vector_store %arg7[%swap3A_840, %swap3A_841], %swap3A_844 {strides = array<i32>} : memref<32x1024xf32, #tpu.memory_space<vmem>>, vector<1x16xf32>,
      %get3A_845 = arith.index_cast %scan3A_75 : i32 to index
      %get3A_846 = arith.constant 880 : index
      %get3A_847 = tpu.vector_load %arg7[%get3A_845, %get3A_846] {strides = array<i32>} : memref<32x1024xf32, #tpu.memory_space<vmem>>, vector<1x16xf32>,
      %get3A_848 = vector.shape_cast %get3A_847 : vector<1x16xf32> to vector<16xf32>
      %get3A_849 = arith.index_cast %scan3A_75 : i32 to index
      %get3A_850 = arith.constant 880 : index
      %get3A_851 = tpu.vector_load %arg8[%get3A_849, %get3A_850] {strides = array<i32>} : memref<32x1024xf32, #tpu.memory_space<vmem>>, vector<1x16xf32>,
      %get3A_852 = vector.shape_cast %get3A_851 : vector<1x16xf32> to vector<16xf32>
      %add3A_853 = arith.addf %get3A_848, %get3A_852 : vector<16xf32>
      %swap3A_854 = arith.index_cast %scan3A_75 : i32 to index
      %swap3A_855 = arith.constant 880 : index
      %swap3A_856 = tpu.vector_load %arg7[%swap3A_854, %swap3A_855] {strides = array<i32>} : memref<32x1024xf32, #tpu.memory_space<vmem>>, vector<1x16xf32>,
      %swap3A_857 = vector.shape_cast %swap3A_856 : vector<1x16xf32> to vector<16xf32>
      %swap3A_858 = vector.shape_cast %add3A_853 : vector<16xf32> to vector<1x16xf32>
      tpu.vector_store %arg7[%swap3A_854, %swap3A_855], %swap3A_858 {strides = array<i32>} : memref<32x1024xf32, #tpu.memory_space<vmem>>, vector<1x16xf32>,
      %get3A_859 = arith.index_cast %scan3A_75 : i32 to index
      %get3A_860 = arith.constant 896 : index
      %get3A_861 = tpu.vector_load %arg7[%get3A_859, %get3A_860] {strides = array<i32>} : memref<32x1024xf32, #tpu.memory_space<vmem>>, vector<1x16xf32>,
      %get3A_862 = vector.shape_cast %get3A_861 : vector<1x16xf32> to vector<16xf32>
      %get3A_863 = arith.index_cast %scan3A_75 : i32 to index
      %get3A_864 = arith.constant 896 : index
      %get3A_865 = tpu.vector_load %arg8[%get3A_863, %get3A_864] {strides = array<i32>} : memref<32x1024xf32, #tpu.memory_space<vmem>>, vector<1x16xf32>,
      %get3A_866 = vector.shape_cast %get3A_865 : vector<1x16xf32> to vector<16xf32>
      %add3A_867 = arith.addf %get3A_862, %get3A_866 : vector<16xf32>
      %swap3A_868 = arith.index_cast %scan3A_75 : i32 to index
      %swap3A_869 = arith.constant 896 : index
      %swap3A_870 = tpu.vector_load %arg7[%swap3A_868, %swap3A_869] {strides = array<i32>} : memref<32x1024xf32, #tpu.memory_space<vmem>>, vector<1x16xf32>,
      %swap3A_871 = vector.shape_cast %swap3A_870 : vector<1x16xf32> to vector<16xf32>
      %swap3A_872 = vector.shape_cast %add3A_867 : vector<16xf32> to vector<1x16xf32>
      tpu.vector_store %arg7[%swap3A_868, %swap3A_869], %swap3A_872 {strides = array<i32>} : memref<32x1024xf32, #tpu.memory_space<vmem>>, vector<1x16xf32>,
      %get3A_873 = arith.index_cast %scan3A_75 : i32 to index
      %get3A_874 = arith.constant 912 : index
      %get3A_875 = tpu.vector_load %arg7[%get3A_873, %get3A_874] {strides = array<i32>} : memref<32x1024xf32, #tpu.memory_space<vmem>>, vector<1x16xf32>,
      %get3A_876 = vector.shape_cast %get3A_875 : vector<1x16xf32> to vector<16xf32>
      %get3A_877 = arith.index_cast %scan3A_75 : i32 to index
      %get3A_878 = arith.constant 912 : index
      %get3A_879 = tpu.vector_load %arg8[%get3A_877, %get3A_878] {strides = array<i32>} : memref<32x1024xf32, #tpu.memory_space<vmem>>, vector<1x16xf32>,
      %get3A_880 = vector.shape_cast %get3A_879 : vector<1x16xf32> to vector<16xf32>
      %add3A_881 = arith.addf %get3A_876, %get3A_880 : vector<16xf32>
      %swap3A_882 = arith.index_cast %scan3A_75 : i32 to index
      %swap3A_883 = arith.constant 912 : index
      %swap3A_884 = tpu.vector_load %arg7[%swap3A_882, %swap3A_883] {strides = array<i32>} : memref<32x1024xf32, #tpu.memory_space<vmem>>, vector<1x16xf32>,
      %swap3A_885 = vector.shape_cast %swap3A_884 : vector<1x16xf32> to vector<16xf32>
      %swap3A_886 = vector.shape_cast %add3A_881 : vector<16xf32> to vector<1x16xf32>
      tpu.vector_store %arg7[%swap3A_882, %swap3A_883], %swap3A_886 {strides = array<i32>} : memref<32x1024xf32, #tpu.memory_space<vmem>>, vector<1x16xf32>,
      %get3A_887 = arith.index_cast %scan3A_75 : i32 to index
      %get3A_888 = arith.constant 928 : index
      %get3A_889 = tpu.vector_load %arg7[%get3A_887, %get3A_888] {strides = array<i32>} : memref<32x1024xf32, #tpu.memory_space<vmem>>, vector<1x16xf32>,
      %get3A_890 = vector.shape_cast %get3A_889 : vector<1x16xf32> to vector<16xf32>
      %get3A_891 = arith.index_cast %scan3A_75 : i32 to index
      %get3A_892 = arith.constant 928 : index
      %get3A_893 = tpu.vector_load %arg8[%get3A_891, %get3A_892] {strides = array<i32>} : memref<32x1024xf32, #tpu.memory_space<vmem>>, vector<1x16xf32>,
      %get3A_894 = vector.shape_cast %get3A_893 : vector<1x16xf32> to vector<16xf32>
      %add3A_895 = arith.addf %get3A_890, %get3A_894 : vector<16xf32>
      %swap3A_896 = arith.index_cast %scan3A_75 : i32 to index
      %swap3A_897 = arith.constant 928 : index
      %swap3A_898 = tpu.vector_load %arg7[%swap3A_896, %swap3A_897] {strides = array<i32>} : memref<32x1024xf32, #tpu.memory_space<vmem>>, vector<1x16xf32>,
      %swap3A_899 = vector.shape_cast %swap3A_898 : vector<1x16xf32> to vector<16xf32>
      %swap3A_900 = vector.shape_cast %add3A_895 : vector<16xf32> to vector<1x16xf32>
      tpu.vector_store %arg7[%swap3A_896, %swap3A_897], %swap3A_900 {strides = array<i32>} : memref<32x1024xf32, #tpu.memory_space<vmem>>, vector<1x16xf32>,
      %get3A_901 = arith.index_cast %scan3A_75 : i32 to index
      %get3A_902 = arith.constant 944 : index
      %get3A_903 = tpu.vector_load %arg7[%get3A_901, %get3A_902] {strides = array<i32>} : memref<32x1024xf32, #tpu.memory_space<vmem>>, vector<1x16xf32>,
      %get3A_904 = vector.shape_cast %get3A_903 : vector<1x16xf32> to vector<16xf32>
      %get3A_905 = arith.index_cast %scan3A_75 : i32 to index
      %get3A_906 = arith.constant 944 : index
      %get3A_907 = tpu.vector_load %arg8[%get3A_905, %get3A_906] {strides = array<i32>} : memref<32x1024xf32, #tpu.memory_space<vmem>>, vector<1x16xf32>,
      %get3A_908 = vector.shape_cast %get3A_907 : vector<1x16xf32> to vector<16xf32>
      %add3A_909 = arith.addf %get3A_904, %get3A_908 : vector<16xf32>
      %swap3A_910 = arith.index_cast %scan3A_75 : i32 to index
      %swap3A_911 = arith.constant 944 : index
      %swap3A_912 = tpu.vector_load %arg7[%swap3A_910, %swap3A_911] {strides = array<i32>} : memref<32x1024xf32, #tpu.memory_space<vmem>>, vector<1x16xf32>,
      %swap3A_913 = vector.shape_cast %swap3A_912 : vector<1x16xf32> to vector<16xf32>
      %swap3A_914 = vector.shape_cast %add3A_909 : vector<16xf32> to vector<1x16xf32>
      tpu.vector_store %arg7[%swap3A_910, %swap3A_911], %swap3A_914 {strides = array<i32>} : memref<32x1024xf32, #tpu.memory_space<vmem>>, vector<1x16xf32>,
      %get3A_915 = arith.index_cast %scan3A_75 : i32 to index
      %get3A_916 = arith.constant 960 : index
      %get3A_917 = tpu.vector_load %arg7[%get3A_915, %get3A_916] {strides = array<i32>} : memref<32x1024xf32, #tpu.memory_space<vmem>>, vector<1x16xf32>,
      %get3A_918 = vector.shape_cast %get3A_917 : vector<1x16xf32> to vector<16xf32>
      %get3A_919 = arith.index_cast %scan3A_75 : i32 to index
      %get3A_920 = arith.constant 960 : index
      %get3A_921 = tpu.vector_load %arg8[%get3A_919, %get3A_920] {strides = array<i32>} : memref<32x1024xf32, #tpu.memory_space<vmem>>, vector<1x16xf32>,
      %get3A_922 = vector.shape_cast %get3A_921 : vector<1x16xf32> to vector<16xf32>
      %add3A_923 = arith.addf %get3A_918, %get3A_922 : vector<16xf32>
      %swap3A_924 = arith.index_cast %scan3A_75 : i32 to index
      %swap3A_925 = arith.constant 960 : index
      %swap3A_926 = tpu.vector_load %arg7[%swap3A_924, %swap3A_925] {strides = array<i32>} : memref<32x1024xf32, #tpu.memory_space<vmem>>, vector<1x16xf32>,
      %swap3A_927 = vector.shape_cast %swap3A_926 : vector<1x16xf32> to vector<16xf32>
      %swap3A_928 = vector.shape_cast %add3A_923 : vector<16xf32> to vector<1x16xf32>
      tpu.vector_store %arg7[%swap3A_924, %swap3A_925], %swap3A_928 {strides = array<i32>} : memref<32x1024xf32, #tpu.memory_space<vmem>>, vector<1x16xf32>,
      %get3A_929 = arith.index_cast %scan3A_75 : i32 to index
      %get3A_930 = arith.constant 976 : index
      %get3A_931 = tpu.vector_load %arg7[%get3A_929, %get3A_930] {strides = array<i32>} : memref<32x1024xf32, #tpu.memory_space<vmem>>, vector<1x16xf32>,
      %get3A_932 = vector.shape_cast %get3A_931 : vector<1x16xf32> to vector<16xf32>
      %get3A_933 = arith.index_cast %scan3A_75 : i32 to index
      %get3A_934 = arith.constant 976 : index
      %get3A_935 = tpu.vector_load %arg8[%get3A_933, %get3A_934] {strides = array<i32>} : memref<32x1024xf32, #tpu.memory_space<vmem>>, vector<1x16xf32>,
      %get3A_936 = vector.shape_cast %get3A_935 : vector<1x16xf32> to vector<16xf32>
      %add3A_937 = arith.addf %get3A_932, %get3A_936 : vector<16xf32>
      %swap3A_938 = arith.index_cast %scan3A_75 : i32 to index
      %swap3A_939 = arith.constant 976 : index
      %swap3A_940 = tpu.vector_load %arg7[%swap3A_938, %swap3A_939] {strides = array<i32>} : memref<32x1024xf32, #tpu.memory_space<vmem>>, vector<1x16xf32>,
      %swap3A_941 = vector.shape_cast %swap3A_940 : vector<1x16xf32> to vector<16xf32>
      %swap3A_942 = vector.shape_cast %add3A_937 : vector<16xf32> to vector<1x16xf32>
      tpu.vector_store %arg7[%swap3A_938, %swap3A_939], %swap3A_942 {strides = array<i32>} : memref<32x1024xf32, #tpu.memory_space<vmem>>, vector<1x16xf32>,
      %get3A_943 = arith.index_cast %scan3A_75 : i32 to index
      %get3A_944 = arith.constant 992 : index
      %get3A_945 = tpu.vector_load %arg7[%get3A_943, %get3A_944] {strides = array<i32>} : memref<32x1024xf32, #tpu.memory_space<vmem>>, vector<1x16xf32>,
      %get3A_946 = vector.shape_cast %get3A_945 : vector<1x16xf32> to vector<16xf32>
      %get3A_947 = arith.index_cast %scan3A_75 : i32 to index
      %get3A_948 = arith.constant 992 : index
      %get3A_949 = tpu.vector_load %arg8[%get3A_947, %get3A_948] {strides = array<i32>} : memref<32x1024xf32, #tpu.memory_space<vmem>>, vector<1x16xf32>,
      %get3A_950 = vector.shape_cast %get3A_949 : vector<1x16xf32> to vector<16xf32>
      %add3A_951 = arith.addf %get3A_946, %get3A_950 : vector<16xf32>
      %swap3A_952 = arith.index_cast %scan3A_75 : i32 to index
      %swap3A_953 = arith.constant 992 : index
      %swap3A_954 = tpu.vector_load %arg7[%swap3A_952, %swap3A_953] {strides = array<i32>} : memref<32x1024xf32, #tpu.memory_space<vmem>>, vector<1x16xf32>,
      %swap3A_955 = vector.shape_cast %swap3A_954 : vector<1x16xf32> to vector<16xf32>
      %swap3A_956 = vector.shape_cast %add3A_951 : vector<16xf32> to vector<1x16xf32>
      tpu.vector_store %arg7[%swap3A_952, %swap3A_953], %swap3A_956 {strides = array<i32>} : memref<32x1024xf32, #tpu.memory_space<vmem>>, vector<1x16xf32>,
      %get3A_957 = arith.index_cast %scan3A_75 : i32 to index
      %get3A_958 = arith.constant 1008 : index
      %get3A_959 = tpu.vector_load %arg7[%get3A_957, %get3A_958] {strides = array<i32>} : memref<32x1024xf32, #tpu.memory_space<vmem>>, vector<1x16xf32>,
      %get3A_960 = vector.shape_cast %get3A_959 : vector<1x16xf32> to vector<16xf32>
      %get3A_961 = arith.index_cast %scan3A_75 : i32 to index
      %get3A_962 = arith.constant 1008 : index
      %get3A_963 = tpu.vector_load %arg8[%get3A_961, %get3A_962] {strides = array<i32>} : memref<32x1024xf32, #tpu.memory_space<vmem>>, vector<1x16xf32>,
      %get3A_964 = vector.shape_cast %get3A_963 : vector<1x16xf32> to vector<16xf32>
      %add3A_965 = arith.addf %get3A_960, %get3A_964 : vector<16xf32>
      %swap3A_966 = arith.index_cast %scan3A_75 : i32 to index
      %swap3A_967 = arith.constant 1008 : index
      %swap3A_968 = tpu.vector_load %arg7[%swap3A_966, %swap3A_967] {strides = array<i32>} : memref<32x1024xf32, #tpu.memory_space<vmem>>, vector<1x16xf32>,
      %swap3A_969 = vector.shape_cast %swap3A_968 : vector<1x16xf32> to vector<16xf32>
      %swap3A_970 = vector.shape_cast %add3A_965 : vector<16xf32> to vector<1x16xf32>
      tpu.vector_store %arg7[%swap3A_966, %swap3A_967], %swap3A_970 {strides = array<i32>} : memref<32x1024xf32, #tpu.memory_space<vmem>>, vector<1x16xf32>,
      %scan3A_971 = arith.constant 0 : i32
      scf.yield %scan3A_971 : i32
    }
    %scan3A_27 = arith.constant 32 : i32
    %add3A_28 = arith.constant 0 : i32
    %add3A_29 = arith.addi %mul3A_2, %add3A_28 : i32
    %dma_start3A_30 = arith.constant 0 : i32
    %dma_start3A_31 = tpu.memref_slice %arg4[%add3A_29, %dma_start3A_30] : memref<2048x1024xf32, #tpu.memory_space<hbm>> -> memref<32x1024xf32, #tpu.memory_space<hbm>>
    %dma_start3A_32 = arith.constant 0 : i32
    %dma_start3A_33 = tpu.memref_slice %arg4[%add3A_29, %dma_start3A_32] : memref<2048x1024xf32, #tpu.memory_space<hbm>> -> memref<32x1024xf32, #tpu.memory_space<hbm>>
    tpu.enqueue_dma source(%arg7 : memref<32x1024xf32, #tpu.memory_space<vmem>>) target(%dma_start3A_33 : memref<32x1024xf32, #tpu.memory_space<hbm>>) target_semaphore(%arg12 : memref<!tpu.dma_semaphore, #tpu.memory_space<semaphore_mem>>)
    %dma_start3A_34 = arith.constant 32 : i32
    %dma_start3A_35 = tpu.memref_slice %arg5[%dma_start3A_34] : memref<64xi32, #tpu.memory_space<vmem>> -> memref<32xi32, #tpu.memory_space<vmem>>
    %dma_start3A_36 = arith.constant 0 : i32
    %dma_start3A_37 = arith.constant 0 : i32
    %dma_start3A_38 = tpu.memref_slice %arg2[%dma_start3A_36, %dma_start3A_37] : memref<5280x1024xf32, #tpu.memory_space<hbm>> -> memref<5280x1024xf32, #tpu.memory_space<hbm>>
    tpu.enqueue_indirect_dma source(%dma_start3A_38 : memref<5280x1024xf32, #tpu.memory_space<hbm>>) target(%arg9 : memref<32x1024xf32, #tpu.memory_space<vmem>>) offsets(%dma_start3A_35 : memref<32xi32, #tpu.memory_space<vmem>>) semaphore(%arg10 : memref<!tpu.dma_semaphore, #tpu.memory_space<semaphore_mem>>)
    %dma_start3A_39 = arith.constant 32 : i32
    %dma_start3A_40 = tpu.memref_slice %arg6[%dma_start3A_39] : memref<64xi32, #tpu.memory_space<vmem>> -> memref<32xi32, #tpu.memory_space<vmem>>
    %dma_start3A_41 = arith.constant 0 : i32
    %dma_start3A_42 = arith.constant 0 : i32
    %dma_start3A_43 = tpu.memref_slice %arg2[%dma_start3A_41, %dma_start3A_42] : memref<5280x1024xf32, #tpu.memory_space<hbm>> -> memref<5280x1024xf32, #tpu.memory_space<hbm>>
    tpu.enqueue_indirect_dma source(%dma_start3A_43 : memref<5280x1024xf32, #tpu.memory_space<hbm>>) target(%arg8 : memref<32x1024xf32, #tpu.memory_space<vmem>>) offsets(%dma_start3A_40 : memref<32xi32, #tpu.memory_space<vmem>>) semaphore(%arg11 : memref<!tpu.dma_semaphore, #tpu.memory_space<semaphore_mem>>)
    %dma_wait3A_44 = arith.constant 32 : i32
    %dma_wait3A_45 = tpu.memref_slice %arg5[%dma_wait3A_44] : memref<64xi32, #tpu.memory_space<vmem>> -> memref<32xi32, #tpu.memory_space<vmem>>
    %dma_wait3A_46 = arith.constant 0 : i32
    %dma_wait3A_47 = arith.constant 0 : i32
    %dma_wait3A_48 = tpu.memref_slice %arg2[%dma_wait3A_46, %dma_wait3A_47] : memref<5280x1024xf32, #tpu.memory_space<hbm>> -> memref<5280x1024xf32, #tpu.memory_space<hbm>>
    tpu.wait_indirect_dma semaphore(%arg10 : memref<!tpu.dma_semaphore, #tpu.memory_space<semaphore_mem>>) src(%dma_wait3A_48 : memref<5280x1024xf32, #tpu.memory_space<hbm>>) dst(%arg9 : memref<32x1024xf32, #tpu.memory_space<vmem>>)
    %dma_wait3A_49 = arith.constant 32 : i32
    %dma_wait3A_50 = tpu.memref_slice %arg6[%dma_wait3A_49] : memref<64xi32, #tpu.memory_space<vmem>> -> memref<32xi32, #tpu.memory_space<vmem>>
    %dma_wait3A_51 = arith.constant 0 : i32
    %dma_wait3A_52 = arith.constant 0 : i32
    %dma_wait3A_53 = tpu.memref_slice %arg2[%dma_wait3A_51, %dma_wait3A_52] : memref<5280x1024xf32, #tpu.memory_space<hbm>> -> memref<5280x1024xf32, #tpu.memory_space<hbm>>
    tpu.wait_indirect_dma semaphore(%arg11 : memref<!tpu.dma_semaphore, #tpu.memory_space<semaphore_mem>>) src(%dma_wait3A_53 : memref<5280x1024xf32, #tpu.memory_space<hbm>>) dst(%arg8 : memref<32x1024xf32, #tpu.memory_space<vmem>>)
    %scan3A_54 = arith.constant 0 : i32
    %scan3A_55 = arith.constant 0 : i32
    %scan3A_56 = arith.constant 32 : i32
    %scan3A_57 = arith.addi %scan3A_55, %scan3A_56 : i32
    %scan3A_58 = arith.constant 1 : i32
    %scan3A_59 = scf.for %scan3A_75 = %scan3A_55 to %scan3A_57 step %scan3A_58 iter_args(%scan3A_76 = %scan3A_54) -> (i32)  : i32 {
      %get3A = arith.index_cast %scan3A_75 : i32 to index
      %get3A_77 = arith.constant 0 : index
      %get3A_78 = tpu.vector_load %arg9[%get3A, %get3A_77] {strides = array<i32>} : memref<32x1024xf32, #tpu.memory_space<vmem>>, vector<1x16xf32>,
      %get3A_79 = vector.shape_cast %get3A_78 : vector<1x16xf32> to vector<16xf32>
      %get3A_80 = arith.index_cast %scan3A_75 : i32 to index
      %get3A_81 = arith.constant 0 : index
      %get3A_82 = tpu.vector_load %arg8[%get3A_80, %get3A_81] {strides = array<i32>} : memref<32x1024xf32, #tpu.memory_space<vmem>>, vector<1x16xf32>,
      %get3A_83 = vector.shape_cast %get3A_82 : vector<1x16xf32> to vector<16xf32>
      %add3A_84 = arith.addf %get3A_79, %get3A_83 : vector<16xf32>
      %swap3A = arith.index_cast %scan3A_75 : i32 to index
      %swap3A_85 = arith.constant 0 : index
      %swap3A_86 = tpu.vector_load %arg9[%swap3A, %swap3A_85] {strides = array<i32>} : memref<32x1024xf32, #tpu.memory_space<vmem>>, vector<1x16xf32>,
      %swap3A_87 = vector.shape_cast %swap3A_86 : vector<1x16xf32> to vector<16xf32>
      %swap3A_88 = vector.shape_cast %add3A_84 : vector<16xf32> to vector<1x16xf32>
      tpu.vector_store %arg9[%swap3A, %swap3A_85], %swap3A_88 {strides = array<i32>} : memref<32x1024xf32, #tpu.memory_space<vmem>>, vector<1x16xf32>,
      %get3A_89 = arith.index_cast %scan3A_75 : i32 to index
      %get3A_90 = arith.constant 16 : index
      %get3A_91 = tpu.vector_load %arg9[%get3A_89, %get3A_90] {strides = array<i32>} : memref<32x1024xf32, #tpu.memory_space<vmem>>, vector<1x16xf32>,
      %get3A_92 = vector.shape_cast %get3A_91 : vector<1x16xf32> to vector<16xf32>
      %get3A_93 = arith.index_cast %scan3A_75 : i32 to index
      %get3A_94 = arith.constant 16 : index
      %get3A_95 = tpu.vector_load %arg8[%get3A_93, %get3A_94] {strides = array<i32>} : memref<32x1024xf32, #tpu.memory_space<vmem>>, vector<1x16xf32>,
      %get3A_96 = vector.shape_cast %get3A_95 : vector<1x16xf32> to vector<16xf32>
      %add3A_97 = arith.addf %get3A_92, %get3A_96 : vector<16xf32>
      %swap3A_98 = arith.index_cast %scan3A_75 : i32 to index
      %swap3A_99 = arith.constant 16 : index
      %swap3A_100 = tpu.vector_load %arg9[%swap3A_98, %swap3A_99] {strides = array<i32>} : memref<32x1024xf32, #tpu.memory_space<vmem>>, vector<1x16xf32>,
      %swap3A_101 = vector.shape_cast %swap3A_100 : vector<1x16xf32> to vector<16xf32>
      %swap3A_102 = vector.shape_cast %add3A_97 : vector<16xf32> to vector<1x16xf32>
      tpu.vector_store %arg9[%swap3A_98, %swap3A_99], %swap3A_102 {strides = array<i32>} : memref<32x1024xf32, #tpu.memory_space<vmem>>, vector<1x16xf32>,
      %get3A_103 = arith.index_cast %scan3A_75 : i32 to index
      %get3A_104 = arith.constant 32 : index
      %get3A_105 = tpu.vector_load %arg9[%get3A_103, %get3A_104] {strides = array<i32>} : memref<32x1024xf32, #tpu.memory_space<vmem>>, vector<1x16xf32>,
      %get3A_106 = vector.shape_cast %get3A_105 : vector<1x16xf32> to vector<16xf32>
      %get3A_107 = arith.index_cast %scan3A_75 : i32 to index
      %get3A_108 = arith.constant 32 : index
      %get3A_109 = tpu.vector_load %arg8[%get3A_107, %get3A_108] {strides = array<i32>} : memref<32x1024xf32, #tpu.memory_space<vmem>>, vector<1x16xf32>,
      %get3A_110 = vector.shape_cast %get3A_109 : vector<1x16xf32> to vector<16xf32>
      %add3A_111 = arith.addf %get3A_106, %get3A_110 : vector<16xf32>
      %swap3A_112 = arith.index_cast %scan3A_75 : i32 to index
      %swap3A_113 = arith.constant 32 : index
      %swap3A_114 = tpu.vector_load %arg9[%swap3A_112, %swap3A_113] {strides = array<i32>} : memref<32x1024xf32, #tpu.memory_space<vmem>>, vector<1x16xf32>,
      %swap3A_115 = vector.shape_cast %swap3A_114 : vector<1x16xf32> to vector<16xf32>
      %swap3A_116 = vector.shape_cast %add3A_111 : vector<16xf32> to vector<1x16xf32>
      tpu.vector_store %arg9[%swap3A_112, %swap3A_113], %swap3A_116 {strides = array<i32>} : memref<32x1024xf32, #tpu.memory_space<vmem>>, vector<1x16xf32>,
      %get3A_117 = arith.index_cast %scan3A_75 : i32 to index
      %get3A_118 = arith.constant 48 : index
      %get3A_119 = tpu.vector_load %arg9[%get3A_117, %get3A_118] {strides = array<i32>} : memref<32x1024xf32, #tpu.memory_space<vmem>>, vector<1x16xf32>,
      %get3A_120 = vector.shape_cast %get3A_119 : vector<1x16xf32> to vector<16xf32>
      %get3A_121 = arith.index_cast %scan3A_75 : i32 to index
      %get3A_122 = arith.constant 48 : index
      %get3A_123 = tpu.vector_load %arg8[%get3A_121, %get3A_122] {strides = array<i32>} : memref<32x1024xf32, #tpu.memory_space<vmem>>, vector<1x16xf32>,
      %get3A_124 = vector.shape_cast %get3A_123 : vector<1x16xf32> to vector<16xf32>
      %add3A_125 = arith.addf %get3A_120, %get3A_124 : vector<16xf32>
      %swap3A_126 = arith.index_cast %scan3A_75 : i32 to index
      %swap3A_127 = arith.constant 48 : index
      %swap3A_128 = tpu.vector_load %arg9[%swap3A_126, %swap3A_127] {strides = array<i32>} : memref<32x1024xf32, #tpu.memory_space<vmem>>, vector<1x16xf32>,
      %swap3A_129 = vector.shape_cast %swap3A_128 : vector<1x16xf32> to vector<16xf32>
      %swap3A_130 = vector.shape_cast %add3A_125 : vector<16xf32> to vector<1x16xf32>
      tpu.vector_store %arg9[%swap3A_126, %swap3A_127], %swap3A_130 {strides = array<i32>} : memref<32x1024xf32, #tpu.memory_space<vmem>>, vector<1x16xf32>,
      %get3A_131 = arith.index_cast %scan3A_75 : i32 to index
      %get3A_132 = arith.constant 64 : index
      %get3A_133 = tpu.vector_load %arg9[%get3A_131, %get3A_132] {strides = array<i32>} : memref<32x1024xf32, #tpu.memory_space<vmem>>, vector<1x16xf32>,
      %get3A_134 = vector.shape_cast %get3A_133 : vector<1x16xf32> to vector<16xf32>
      %get3A_135 = arith.index_cast %scan3A_75 : i32 to index
      %get3A_136 = arith.constant 64 : index
      %get3A_137 = tpu.vector_load %arg8[%get3A_135, %get3A_136] {strides = array<i32>} : memref<32x1024xf32, #tpu.memory_space<vmem>>, vector<1x16xf32>,
      %get3A_138 = vector.shape_cast %get3A_137 : vector<1x16xf32> to vector<16xf32>
      %add3A_139 = arith.addf %get3A_134, %get3A_138 : vector<16xf32>
      %swap3A_140 = arith.index_cast %scan3A_75 : i32 to index
      %swap3A_141 = arith.constant 64 : index
      %swap3A_142 = tpu.vector_load %arg9[%swap3A_140, %swap3A_141] {strides = array<i32>} : memref<32x1024xf32, #tpu.memory_space<vmem>>, vector<1x16xf32>,
      %swap3A_143 = vector.shape_cast %swap3A_142 : vector<1x16xf32> to vector<16xf32>
      %swap3A_144 = vector.shape_cast %add3A_139 : vector<16xf32> to vector<1x16xf32>
      tpu.vector_store %arg9[%swap3A_140, %swap3A_141], %swap3A_144 {strides = array<i32>} : memref<32x1024xf32, #tpu.memory_space<vmem>>, vector<1x16xf32>,
      %get3A_145 = arith.index_cast %scan3A_75 : i32 to index
      %get3A_146 = arith.constant 80 : index
      %get3A_147 = tpu.vector_load %arg9[%get3A_145, %get3A_146] {strides = array<i32>} : memref<32x1024xf32, #tpu.memory_space<vmem>>, vector<1x16xf32>,
      %get3A_148 = vector.shape_cast %get3A_147 : vector<1x16xf32> to vector<16xf32>
      %get3A_149 = arith.index_cast %scan3A_75 : i32 to index
      %get3A_150 = arith.constant 80 : index
      %get3A_151 = tpu.vector_load %arg8[%get3A_149, %get3A_150] {strides = array<i32>} : memref<32x1024xf32, #tpu.memory_space<vmem>>, vector<1x16xf32>,
      %get3A_152 = vector.shape_cast %get3A_151 : vector<1x16xf32> to vector<16xf32>
      %add3A_153 = arith.addf %get3A_148, %get3A_152 : vector<16xf32>
      %swap3A_154 = arith.index_cast %scan3A_75 : i32 to index
      %swap3A_155 = arith.constant 80 : index
      %swap3A_156 = tpu.vector_load %arg9[%swap3A_154, %swap3A_155] {strides = array<i32>} : memref<32x1024xf32, #tpu.memory_space<vmem>>, vector<1x16xf32>,
      %swap3A_157 = vector.shape_cast %swap3A_156 : vector<1x16xf32> to vector<16xf32>
      %swap3A_158 = vector.shape_cast %add3A_153 : vector<16xf32> to vector<1x16xf32>
      tpu.vector_store %arg9[%swap3A_154, %swap3A_155], %swap3A_158 {strides = array<i32>} : memref<32x1024xf32, #tpu.memory_space<vmem>>, vector<1x16xf32>,
      %get3A_159 = arith.index_cast %scan3A_75 : i32 to index
      %get3A_160 = arith.constant 96 : index
      %get3A_161 = tpu.vector_load %arg9[%get3A_159, %get3A_160] {strides = array<i32>} : memref<32x1024xf32, #tpu.memory_space<vmem>>, vector<1x16xf32>,
      %get3A_162 = vector.shape_cast %get3A_161 : vector<1x16xf32> to vector<16xf32>
      %get3A_163 = arith.index_cast %scan3A_75 : i32 to index
      %get3A_164 = arith.constant 96 : index
      %get3A_165 = tpu.vector_load %arg8[%get3A_163, %get3A_164] {strides = array<i32>} : memref<32x1024xf32, #tpu.memory_space<vmem>>, vector<1x16xf32>,
      %get3A_166 = vector.shape_cast %get3A_165 : vector<1x16xf32> to vector<16xf32>
      %add3A_167 = arith.addf %get3A_162, %get3A_166 : vector<16xf32>
      %swap3A_168 = arith.index_cast %scan3A_75 : i32 to index
      %swap3A_169 = arith.constant 96 : index
      %swap3A_170 = tpu.vector_load %arg9[%swap3A_168, %swap3A_169] {strides = array<i32>} : memref<32x1024xf32, #tpu.memory_space<vmem>>, vector<1x16xf32>,
      %swap3A_171 = vector.shape_cast %swap3A_170 : vector<1x16xf32> to vector<16xf32>
      %swap3A_172 = vector.shape_cast %add3A_167 : vector<16xf32> to vector<1x16xf32>
      tpu.vector_store %arg9[%swap3A_168, %swap3A_169], %swap3A_172 {strides = array<i32>} : memref<32x1024xf32, #tpu.memory_space<vmem>>, vector<1x16xf32>,
      %get3A_173 = arith.index_cast %scan3A_75 : i32 to index
      %get3A_174 = arith.constant 112 : index
      %get3A_175 = tpu.vector_load %arg9[%get3A_173, %get3A_174] {strides = array<i32>} : memref<32x1024xf32, #tpu.memory_space<vmem>>, vector<1x16xf32>,
      %get3A_176 = vector.shape_cast %get3A_175 : vector<1x16xf32> to vector<16xf32>
      %get3A_177 = arith.index_cast %scan3A_75 : i32 to index
      %get3A_178 = arith.constant 112 : index
      %get3A_179 = tpu.vector_load %arg8[%get3A_177, %get3A_178] {strides = array<i32>} : memref<32x1024xf32, #tpu.memory_space<vmem>>, vector<1x16xf32>,
      %get3A_180 = vector.shape_cast %get3A_179 : vector<1x16xf32> to vector<16xf32>
      %add3A_181 = arith.addf %get3A_176, %get3A_180 : vector<16xf32>
      %swap3A_182 = arith.index_cast %scan3A_75 : i32 to index
      %swap3A_183 = arith.constant 112 : index
      %swap3A_184 = tpu.vector_load %arg9[%swap3A_182, %swap3A_183] {strides = array<i32>} : memref<32x1024xf32, #tpu.memory_space<vmem>>, vector<1x16xf32>,
      %swap3A_185 = vector.shape_cast %swap3A_184 : vector<1x16xf32> to vector<16xf32>
      %swap3A_186 = vector.shape_cast %add3A_181 : vector<16xf32> to vector<1x16xf32>
      tpu.vector_store %arg9[%swap3A_182, %swap3A_183], %swap3A_186 {strides = array<i32>} : memref<32x1024xf32, #tpu.memory_space<vmem>>, vector<1x16xf32>,
      %get3A_187 = arith.index_cast %scan3A_75 : i32 to index
      %get3A_188 = arith.constant 128 : index
      %get3A_189 = tpu.vector_load %arg9[%get3A_187, %get3A_188] {strides = array<i32>} : memref<32x1024xf32, #tpu.memory_space<vmem>>, vector<1x16xf32>,
      %get3A_190 = vector.shape_cast %get3A_189 : vector<1x16xf32> to vector<16xf32>
      %get3A_191 = arith.index_cast %scan3A_75 : i32 to index
      %get3A_192 = arith.constant 128 : index
      %get3A_193 = tpu.vector_load %arg8[%get3A_191, %get3A_192] {strides = array<i32>} : memref<32x1024xf32, #tpu.memory_space<vmem>>, vector<1x16xf32>,
      %get3A_194 = vector.shape_cast %get3A_193 : vector<1x16xf32> to vector<16xf32>
      %add3A_195 = arith.addf %get3A_190, %get3A_194 : vector<16xf32>
      %swap3A_196 = arith.index_cast %scan3A_75 : i32 to index
      %swap3A_197 = arith.constant 128 : index
      %swap3A_198 = tpu.vector_load %arg9[%swap3A_196, %swap3A_197] {strides = array<i32>} : memref<32x1024xf32, #tpu.memory_space<vmem>>, vector<1x16xf32>,
      %swap3A_199 = vector.shape_cast %swap3A_198 : vector<1x16xf32> to vector<16xf32>
      %swap3A_200 = vector.shape_cast %add3A_195 : vector<16xf32> to vector<1x16xf32>
      tpu.vector_store %arg9[%swap3A_196, %swap3A_197], %swap3A_200 {strides = array<i32>} : memref<32x1024xf32, #tpu.memory_space<vmem>>, vector<1x16xf32>,
      %get3A_201 = arith.index_cast %scan3A_75 : i32 to index
      %get3A_202 = arith.constant 144 : index
      %get3A_203 = tpu.vector_load %arg9[%get3A_201, %get3A_202] {strides = array<i32>} : memref<32x1024xf32, #tpu.memory_space<vmem>>, vector<1x16xf32>,
      %get3A_204 = vector.shape_cast %get3A_203 : vector<1x16xf32> to vector<16xf32>
      %get3A_205 = arith.index_cast %scan3A_75 : i32 to index
      %get3A_206 = arith.constant 144 : index
      %get3A_207 = tpu.vector_load %arg8[%get3A_205, %get3A_206] {strides = array<i32>} : memref<32x1024xf32, #tpu.memory_space<vmem>>, vector<1x16xf32>,
      %get3A_208 = vector.shape_cast %get3A_207 : vector<1x16xf32> to vector<16xf32>
      %add3A_209 = arith.addf %get3A_204, %get3A_208 : vector<16xf32>
      %swap3A_210 = arith.index_cast %scan3A_75 : i32 to index
      %swap3A_211 = arith.constant 144 : index
      %swap3A_212 = tpu.vector_load %arg9[%swap3A_210, %swap3A_211] {strides = array<i32>} : memref<32x1024xf32, #tpu.memory_space<vmem>>, vector<1x16xf32>,
      %swap3A_213 = vector.shape_cast %swap3A_212 : vector<1x16xf32> to vector<16xf32>
      %swap3A_214 = vector.shape_cast %add3A_209 : vector<16xf32> to vector<1x16xf32>
      tpu.vector_store %arg9[%swap3A_210, %swap3A_211], %swap3A_214 {strides = array<i32>} : memref<32x1024xf32, #tpu.memory_space<vmem>>, vector<1x16xf32>,
      %get3A_215 = arith.index_cast %scan3A_75 : i32 to index
      %get3A_216 = arith.constant 160 : index
      %get3A_217 = tpu.vector_load %arg9[%get3A_215, %get3A_216] {strides = array<i32>} : memref<32x1024xf32, #tpu.memory_space<vmem>>, vector<1x16xf32>,
      %get3A_218 = vector.shape_cast %get3A_217 : vector<1x16xf32> to vector<16xf32>
      %get3A_219 = arith.index_cast %scan3A_75 : i32 to index
      %get3A_220 = arith.constant 160 : index
      %get3A_221 = tpu.vector_load %arg8[%get3A_219, %get3A_220] {strides = array<i32>} : memref<32x1024xf32, #tpu.memory_space<vmem>>, vector<1x16xf32>,
      %get3A_222 = vector.shape_cast %get3A_221 : vector<1x16xf32> to vector<16xf32>
      %add3A_223 = arith.addf %get3A_218, %get3A_222 : vector<16xf32>
      %swap3A_224 = arith.index_cast %scan3A_75 : i32 to index
      %swap3A_225 = arith.constant 160 : index
      %swap3A_226 = tpu.vector_load %arg9[%swap3A_224, %swap3A_225] {strides = array<i32>} : memref<32x1024xf32, #tpu.memory_space<vmem>>, vector<1x16xf32>,
      %swap3A_227 = vector.shape_cast %swap3A_226 : vector<1x16xf32> to vector<16xf32>
      %swap3A_228 = vector.shape_cast %add3A_223 : vector<16xf32> to vector<1x16xf32>
      tpu.vector_store %arg9[%swap3A_224, %swap3A_225], %swap3A_228 {strides = array<i32>} : memref<32x1024xf32, #tpu.memory_space<vmem>>, vector<1x16xf32>,
      %get3A_229 = arith.index_cast %scan3A_75 : i32 to index
      %get3A_230 = arith.constant 176 : index
      %get3A_231 = tpu.vector_load %arg9[%get3A_229, %get3A_230] {strides = array<i32>} : memref<32x1024xf32, #tpu.memory_space<vmem>>, vector<1x16xf32>,
      %get3A_232 = vector.shape_cast %get3A_231 : vector<1x16xf32> to vector<16xf32>
      %get3A_233 = arith.index_cast %scan3A_75 : i32 to index
      %get3A_234 = arith.constant 176 : index
      %get3A_235 = tpu.vector_load %arg8[%get3A_233, %get3A_234] {strides = array<i32>} : memref<32x1024xf32, #tpu.memory_space<vmem>>, vector<1x16xf32>,
      %get3A_236 = vector.shape_cast %get3A_235 : vector<1x16xf32> to vector<16xf32>
      %add3A_237 = arith.addf %get3A_232, %get3A_236 : vector<16xf32>
      %swap3A_238 = arith.index_cast %scan3A_75 : i32 to index
      %swap3A_239 = arith.constant 176 : index
      %swap3A_240 = tpu.vector_load %arg9[%swap3A_238, %swap3A_239] {strides = array<i32>} : memref<32x1024xf32, #tpu.memory_space<vmem>>, vector<1x16xf32>,
      %swap3A_241 = vector.shape_cast %swap3A_240 : vector<1x16xf32> to vector<16xf32>
      %swap3A_242 = vector.shape_cast %add3A_237 : vector<16xf32> to vector<1x16xf32>
      tpu.vector_store %arg9[%swap3A_238, %swap3A_239], %swap3A_242 {strides = array<i32>} : memref<32x1024xf32, #tpu.memory_space<vmem>>, vector<1x16xf32>,
      %get3A_243 = arith.index_cast %scan3A_75 : i32 to index
      %get3A_244 = arith.constant 192 : index
      %get3A_245 = tpu.vector_load %arg9[%get3A_243, %get3A_244] {strides = array<i32>} : memref<32x1024xf32, #tpu.memory_space<vmem>>, vector<1x16xf32>,
      %get3A_246 = vector.shape_cast %get3A_245 : vector<1x16xf32> to vector<16xf32>
      %get3A_247 = arith.index_cast %scan3A_75 : i32 to index
      %get3A_248 = arith.constant 192 : index
      %get3A_249 = tpu.vector_load %arg8[%get3A_247, %get3A_248] {strides = array<i32>} : memref<32x1024xf32, #tpu.memory_space<vmem>>, vector<1x16xf32>,
      %get3A_250 = vector.shape_cast %get3A_249 : vector<1x16xf32> to vector<16xf32>
      %add3A_251 = arith.addf %get3A_246, %get3A_250 : vector<16xf32>
      %swap3A_252 = arith.index_cast %scan3A_75 : i32 to index
      %swap3A_253 = arith.constant 192 : index
      %swap3A_254 = tpu.vector_load %arg9[%swap3A_252, %swap3A_253] {strides = array<i32>} : memref<32x1024xf32, #tpu.memory_space<vmem>>, vector<1x16xf32>,
      %swap3A_255 = vector.shape_cast %swap3A_254 : vector<1x16xf32> to vector<16xf32>
      %swap3A_256 = vector.shape_cast %add3A_251 : vector<16xf32> to vector<1x16xf32>
      tpu.vector_store %arg9[%swap3A_252, %swap3A_253], %swap3A_256 {strides = array<i32>} : memref<32x1024xf32, #tpu.memory_space<vmem>>, vector<1x16xf32>,
      %get3A_257 = arith.index_cast %scan3A_75 : i32 to index
      %get3A_258 = arith.constant 208 : index
      %get3A_259 = tpu.vector_load %arg9[%get3A_257, %get3A_258] {strides = array<i32>} : memref<32x1024xf32, #tpu.memory_space<vmem>>, vector<1x16xf32>,
      %get3A_260 = vector.shape_cast %get3A_259 : vector<1x16xf32> to vector<16xf32>
      %get3A_261 = arith.index_cast %scan3A_75 : i32 to index
      %get3A_262 = arith.constant 208 : index
      %get3A_263 = tpu.vector_load %arg8[%get3A_261, %get3A_262] {strides = array<i32>} : memref<32x1024xf32, #tpu.memory_space<vmem>>, vector<1x16xf32>,
      %get3A_264 = vector.shape_cast %get3A_263 : vector<1x16xf32> to vector<16xf32>
      %add3A_265 = arith.addf %get3A_260, %get3A_264 : vector<16xf32>
      %swap3A_266 = arith.index_cast %scan3A_75 : i32 to index
      %swap3A_267 = arith.constant 208 : index
      %swap3A_268 = tpu.vector_load %arg9[%swap3A_266, %swap3A_267] {strides = array<i32>} : memref<32x1024xf32, #tpu.memory_space<vmem>>, vector<1x16xf32>,
      %swap3A_269 = vector.shape_cast %swap3A_268 : vector<1x16xf32> to vector<16xf32>
      %swap3A_270 = vector.shape_cast %add3A_265 : vector<16xf32> to vector<1x16xf32>
      tpu.vector_store %arg9[%swap3A_266, %swap3A_267], %swap3A_270 {strides = array<i32>} : memref<32x1024xf32, #tpu.memory_space<vmem>>, vector<1x16xf32>,
      %get3A_271 = arith.index_cast %scan3A_75 : i32 to index
      %get3A_272 = arith.constant 224 : index
      %get3A_273 = tpu.vector_load %arg9[%get3A_271, %get3A_272] {strides = array<i32>} : memref<32x1024xf32, #tpu.memory_space<vmem>>, vector<1x16xf32>,
      %get3A_274 = vector.shape_cast %get3A_273 : vector<1x16xf32> to vector<16xf32>
      %get3A_275 = arith.index_cast %scan3A_75 : i32 to index
      %get3A_276 = arith.constant 224 : index
      %get3A_277 = tpu.vector_load %arg8[%get3A_275, %get3A_276] {strides = array<i32>} : memref<32x1024xf32, #tpu.memory_space<vmem>>, vector<1x16xf32>,
      %get3A_278 = vector.shape_cast %get3A_277 : vector<1x16xf32> to vector<16xf32>
      %add3A_279 = arith.addf %get3A_274, %get3A_278 : vector<16xf32>
      %swap3A_280 = arith.index_cast %scan3A_75 : i32 to index
      %swap3A_281 = arith.constant 224 : index
      %swap3A_282 = tpu.vector_load %arg9[%swap3A_280, %swap3A_281] {strides = array<i32>} : memref<32x1024xf32, #tpu.memory_space<vmem>>, vector<1x16xf32>,
      %swap3A_283 = vector.shape_cast %swap3A_282 : vector<1x16xf32> to vector<16xf32>
      %swap3A_284 = vector.shape_cast %add3A_279 : vector<16xf32> to vector<1x16xf32>
      tpu.vector_store %arg9[%swap3A_280, %swap3A_281], %swap3A_284 {strides = array<i32>} : memref<32x1024xf32, #tpu.memory_space<vmem>>, vector<1x16xf32>,
      %get3A_285 = arith.index_cast %scan3A_75 : i32 to index
      %get3A_286 = arith.constant 240 : index
      %get3A_287 = tpu.vector_load %arg9[%get3A_285, %get3A_286] {strides = array<i32>} : memref<32x1024xf32, #tpu.memory_space<vmem>>, vector<1x16xf32>,
      %get3A_288 = vector.shape_cast %get3A_287 : vector<1x16xf32> to vector<16xf32>
      %get3A_289 = arith.index_cast %scan3A_75 : i32 to index
      %get3A_290 = arith.constant 240 : index
      %get3A_291 = tpu.vector_load %arg8[%get3A_289, %get3A_290] {strides = array<i32>} : memref<32x1024xf32, #tpu.memory_space<vmem>>, vector<1x16xf32>,
      %get3A_292 = vector.shape_cast %get3A_291 : vector<1x16xf32> to vector<16xf32>
      %add3A_293 = arith.addf %get3A_288, %get3A_292 : vector<16xf32>
      %swap3A_294 = arith.index_cast %scan3A_75 : i32 to index
      %swap3A_295 = arith.constant 240 : index
      %swap3A_296 = tpu.vector_load %arg9[%swap3A_294, %swap3A_295] {strides = array<i32>} : memref<32x1024xf32, #tpu.memory_space<vmem>>, vector<1x16xf32>,
      %swap3A_297 = vector.shape_cast %swap3A_296 : vector<1x16xf32> to vector<16xf32>
      %swap3A_298 = vector.shape_cast %add3A_293 : vector<16xf32> to vector<1x16xf32>
      tpu.vector_store %arg9[%swap3A_294, %swap3A_295], %swap3A_298 {strides = array<i32>} : memref<32x1024xf32, #tpu.memory_space<vmem>>, vector<1x16xf32>,
      %get3A_299 = arith.index_cast %scan3A_75 : i32 to index
      %get3A_300 = arith.constant 256 : index
      %get3A_301 = tpu.vector_load %arg9[%get3A_299, %get3A_300] {strides = array<i32>} : memref<32x1024xf32, #tpu.memory_space<vmem>>, vector<1x16xf32>,
      %get3A_302 = vector.shape_cast %get3A_301 : vector<1x16xf32> to vector<16xf32>
      %get3A_303 = arith.index_cast %scan3A_75 : i32 to index
      %get3A_304 = arith.constant 256 : index
      %get3A_305 = tpu.vector_load %arg8[%get3A_303, %get3A_304] {strides = array<i32>} : memref<32x1024xf32, #tpu.memory_space<vmem>>, vector<1x16xf32>,
      %get3A_306 = vector.shape_cast %get3A_305 : vector<1x16xf32> to vector<16xf32>
      %add3A_307 = arith.addf %get3A_302, %get3A_306 : vector<16xf32>
      %swap3A_308 = arith.index_cast %scan3A_75 : i32 to index
      %swap3A_309 = arith.constant 256 : index
      %swap3A_310 = tpu.vector_load %arg9[%swap3A_308, %swap3A_309] {strides = array<i32>} : memref<32x1024xf32, #tpu.memory_space<vmem>>, vector<1x16xf32>,
      %swap3A_311 = vector.shape_cast %swap3A_310 : vector<1x16xf32> to vector<16xf32>
      %swap3A_312 = vector.shape_cast %add3A_307 : vector<16xf32> to vector<1x16xf32>
      tpu.vector_store %arg9[%swap3A_308, %swap3A_309], %swap3A_312 {strides = array<i32>} : memref<32x1024xf32, #tpu.memory_space<vmem>>, vector<1x16xf32>,
      %get3A_313 = arith.index_cast %scan3A_75 : i32 to index
      %get3A_314 = arith.constant 272 : index
      %get3A_315 = tpu.vector_load %arg9[%get3A_313, %get3A_314] {strides = array<i32>} : memref<32x1024xf32, #tpu.memory_space<vmem>>, vector<1x16xf32>,
      %get3A_316 = vector.shape_cast %get3A_315 : vector<1x16xf32> to vector<16xf32>
      %get3A_317 = arith.index_cast %scan3A_75 : i32 to index
      %get3A_318 = arith.constant 272 : index
      %get3A_319 = tpu.vector_load %arg8[%get3A_317, %get3A_318] {strides = array<i32>} : memref<32x1024xf32, #tpu.memory_space<vmem>>, vector<1x16xf32>,
      %get3A_320 = vector.shape_cast %get3A_319 : vector<1x16xf32> to vector<16xf32>
      %add3A_321 = arith.addf %get3A_316, %get3A_320 : vector<16xf32>
      %swap3A_322 = arith.index_cast %scan3A_75 : i32 to index
      %swap3A_323 = arith.constant 272 : index
      %swap3A_324 = tpu.vector_load %arg9[%swap3A_322, %swap3A_323] {strides = array<i32>} : memref<32x1024xf32, #tpu.memory_space<vmem>>, vector<1x16xf32>,
      %swap3A_325 = vector.shape_cast %swap3A_324 : vector<1x16xf32> to vector<16xf32>
      %swap3A_326 = vector.shape_cast %add3A_321 : vector<16xf32> to vector<1x16xf32>
      tpu.vector_store %arg9[%swap3A_322, %swap3A_323], %swap3A_326 {strides = array<i32>} : memref<32x1024xf32, #tpu.memory_space<vmem>>, vector<1x16xf32>,
      %get3A_327 = arith.index_cast %scan3A_75 : i32 to index
      %get3A_328 = arith.constant 288 : index
      %get3A_329 = tpu.vector_load %arg9[%get3A_327, %get3A_328] {strides = array<i32>} : memref<32x1024xf32, #tpu.memory_space<vmem>>, vector<1x16xf32>,
      %get3A_330 = vector.shape_cast %get3A_329 : vector<1x16xf32> to vector<16xf32>
      %get3A_331 = arith.index_cast %scan3A_75 : i32 to index
      %get3A_332 = arith.constant 288 : index
      %get3A_333 = tpu.vector_load %arg8[%get3A_331, %get3A_332] {strides = array<i32>} : memref<32x1024xf32, #tpu.memory_space<vmem>>, vector<1x16xf32>,
      %get3A_334 = vector.shape_cast %get3A_333 : vector<1x16xf32> to vector<16xf32>
      %add3A_335 = arith.addf %get3A_330, %get3A_334 : vector<16xf32>
      %swap3A_336 = arith.index_cast %scan3A_75 : i32 to index
      %swap3A_337 = arith.constant 288 : index
      %swap3A_338 = tpu.vector_load %arg9[%swap3A_336, %swap3A_337] {strides = array<i32>} : memref<32x1024xf32, #tpu.memory_space<vmem>>, vector<1x16xf32>,
      %swap3A_339 = vector.shape_cast %swap3A_338 : vector<1x16xf32> to vector<16xf32>
      %swap3A_340 = vector.shape_cast %add3A_335 : vector<16xf32> to vector<1x16xf32>
      tpu.vector_store %arg9[%swap3A_336, %swap3A_337], %swap3A_340 {strides = array<i32>} : memref<32x1024xf32, #tpu.memory_space<vmem>>, vector<1x16xf32>,
      %get3A_341 = arith.index_cast %scan3A_75 : i32 to index
      %get3A_342 = arith.constant 304 : index
      %get3A_343 = tpu.vector_load %arg9[%get3A_341, %get3A_342] {strides = array<i32>} : memref<32x1024xf32, #tpu.memory_space<vmem>>, vector<1x16xf32>,
      %get3A_344 = vector.shape_cast %get3A_343 : vector<1x16xf32> to vector<16xf32>
      %get3A_345 = arith.index_cast %scan3A_75 : i32 to index
      %get3A_346 = arith.constant 304 : index
      %get3A_347 = tpu.vector_load %arg8[%get3A_345, %get3A_346] {strides = array<i32>} : memref<32x1024xf32, #tpu.memory_space<vmem>>, vector<1x16xf32>,
      %get3A_348 = vector.shape_cast %get3A_347 : vector<1x16xf32> to vector<16xf32>
      %add3A_349 = arith.addf %get3A_344, %get3A_348 : vector<16xf32>
      %swap3A_350 = arith.index_cast %scan3A_75 : i32 to index
      %swap3A_351 = arith.constant 304 : index
      %swap3A_352 = tpu.vector_load %arg9[%swap3A_350, %swap3A_351] {strides = array<i32>} : memref<32x1024xf32, #tpu.memory_space<vmem>>, vector<1x16xf32>,
      %swap3A_353 = vector.shape_cast %swap3A_352 : vector<1x16xf32> to vector<16xf32>
      %swap3A_354 = vector.shape_cast %add3A_349 : vector<16xf32> to vector<1x16xf32>
      tpu.vector_store %arg9[%swap3A_350, %swap3A_351], %swap3A_354 {strides = array<i32>} : memref<32x1024xf32, #tpu.memory_space<vmem>>, vector<1x16xf32>,
      %get3A_355 = arith.index_cast %scan3A_75 : i32 to index
      %get3A_356 = arith.constant 320 : index
      %get3A_357 = tpu.vector_load %arg9[%get3A_355, %get3A_356] {strides = array<i32>} : memref<32x1024xf32, #tpu.memory_space<vmem>>, vector<1x16xf32>,
      %get3A_358 = vector.shape_cast %get3A_357 : vector<1x16xf32> to vector<16xf32>
      %get3A_359 = arith.index_cast %scan3A_75 : i32 to index
      %get3A_360 = arith.constant 320 : index
      %get3A_361 = tpu.vector_load %arg8[%get3A_359, %get3A_360] {strides = array<i32>} : memref<32x1024xf32, #tpu.memory_space<vmem>>, vector<1x16xf32>,
      %get3A_362 = vector.shape_cast %get3A_361 : vector<1x16xf32> to vector<16xf32>
      %add3A_363 = arith.addf %get3A_358, %get3A_362 : vector<16xf32>
      %swap3A_364 = arith.index_cast %scan3A_75 : i32 to index
      %swap3A_365 = arith.constant 320 : index
      %swap3A_366 = tpu.vector_load %arg9[%swap3A_364, %swap3A_365] {strides = array<i32>} : memref<32x1024xf32, #tpu.memory_space<vmem>>, vector<1x16xf32>,
      %swap3A_367 = vector.shape_cast %swap3A_366 : vector<1x16xf32> to vector<16xf32>
      %swap3A_368 = vector.shape_cast %add3A_363 : vector<16xf32> to vector<1x16xf32>
      tpu.vector_store %arg9[%swap3A_364, %swap3A_365], %swap3A_368 {strides = array<i32>} : memref<32x1024xf32, #tpu.memory_space<vmem>>, vector<1x16xf32>,
      %get3A_369 = arith.index_cast %scan3A_75 : i32 to index
      %get3A_370 = arith.constant 336 : index
      %get3A_371 = tpu.vector_load %arg9[%get3A_369, %get3A_370] {strides = array<i32>} : memref<32x1024xf32, #tpu.memory_space<vmem>>, vector<1x16xf32>,
      %get3A_372 = vector.shape_cast %get3A_371 : vector<1x16xf32> to vector<16xf32>
      %get3A_373 = arith.index_cast %scan3A_75 : i32 to index
      %get3A_374 = arith.constant 336 : index
      %get3A_375 = tpu.vector_load %arg8[%get3A_373, %get3A_374] {strides = array<i32>} : memref<32x1024xf32, #tpu.memory_space<vmem>>, vector<1x16xf32>,
      %get3A_376 = vector.shape_cast %get3A_375 : vector<1x16xf32> to vector<16xf32>
      %add3A_377 = arith.addf %get3A_372, %get3A_376 : vector<16xf32>
      %swap3A_378 = arith.index_cast %scan3A_75 : i32 to index
      %swap3A_379 = arith.constant 336 : index
      %swap3A_380 = tpu.vector_load %arg9[%swap3A_378, %swap3A_379] {strides = array<i32>} : memref<32x1024xf32, #tpu.memory_space<vmem>>, vector<1x16xf32>,
      %swap3A_381 = vector.shape_cast %swap3A_380 : vector<1x16xf32> to vector<16xf32>
      %swap3A_382 = vector.shape_cast %add3A_377 : vector<16xf32> to vector<1x16xf32>
      tpu.vector_store %arg9[%swap3A_378, %swap3A_379], %swap3A_382 {strides = array<i32>} : memref<32x1024xf32, #tpu.memory_space<vmem>>, vector<1x16xf32>,
      %get3A_383 = arith.index_cast %scan3A_75 : i32 to index
      %get3A_384 = arith.constant 352 : index
      %get3A_385 = tpu.vector_load %arg9[%get3A_383, %get3A_384] {strides = array<i32>} : memref<32x1024xf32, #tpu.memory_space<vmem>>, vector<1x16xf32>,
      %get3A_386 = vector.shape_cast %get3A_385 : vector<1x16xf32> to vector<16xf32>
      %get3A_387 = arith.index_cast %scan3A_75 : i32 to index
      %get3A_388 = arith.constant 352 : index
      %get3A_389 = tpu.vector_load %arg8[%get3A_387, %get3A_388] {strides = array<i32>} : memref<32x1024xf32, #tpu.memory_space<vmem>>, vector<1x16xf32>,
      %get3A_390 = vector.shape_cast %get3A_389 : vector<1x16xf32> to vector<16xf32>
      %add3A_391 = arith.addf %get3A_386, %get3A_390 : vector<16xf32>
      %swap3A_392 = arith.index_cast %scan3A_75 : i32 to index
      %swap3A_393 = arith.constant 352 : index
      %swap3A_394 = tpu.vector_load %arg9[%swap3A_392, %swap3A_393] {strides = array<i32>} : memref<32x1024xf32, #tpu.memory_space<vmem>>, vector<1x16xf32>,
      %swap3A_395 = vector.shape_cast %swap3A_394 : vector<1x16xf32> to vector<16xf32>
      %swap3A_396 = vector.shape_cast %add3A_391 : vector<16xf32> to vector<1x16xf32>
      tpu.vector_store %arg9[%swap3A_392, %swap3A_393], %swap3A_396 {strides = array<i32>} : memref<32x1024xf32, #tpu.memory_space<vmem>>, vector<1x16xf32>,
      %get3A_397 = arith.index_cast %scan3A_75 : i32 to index
      %get3A_398 = arith.constant 368 : index
      %get3A_399 = tpu.vector_load %arg9[%get3A_397, %get3A_398] {strides = array<i32>} : memref<32x1024xf32, #tpu.memory_space<vmem>>, vector<1x16xf32>,
      %get3A_400 = vector.shape_cast %get3A_399 : vector<1x16xf32> to vector<16xf32>
      %get3A_401 = arith.index_cast %scan3A_75 : i32 to index
      %get3A_402 = arith.constant 368 : index
      %get3A_403 = tpu.vector_load %arg8[%get3A_401, %get3A_402] {strides = array<i32>} : memref<32x1024xf32, #tpu.memory_space<vmem>>, vector<1x16xf32>,
      %get3A_404 = vector.shape_cast %get3A_403 : vector<1x16xf32> to vector<16xf32>
      %add3A_405 = arith.addf %get3A_400, %get3A_404 : vector<16xf32>
      %swap3A_406 = arith.index_cast %scan3A_75 : i32 to index
      %swap3A_407 = arith.constant 368 : index
      %swap3A_408 = tpu.vector_load %arg9[%swap3A_406, %swap3A_407] {strides = array<i32>} : memref<32x1024xf32, #tpu.memory_space<vmem>>, vector<1x16xf32>,
      %swap3A_409 = vector.shape_cast %swap3A_408 : vector<1x16xf32> to vector<16xf32>
      %swap3A_410 = vector.shape_cast %add3A_405 : vector<16xf32> to vector<1x16xf32>
      tpu.vector_store %arg9[%swap3A_406, %swap3A_407], %swap3A_410 {strides = array<i32>} : memref<32x1024xf32, #tpu.memory_space<vmem>>, vector<1x16xf32>,
      %get3A_411 = arith.index_cast %scan3A_75 : i32 to index
      %get3A_412 = arith.constant 384 : index
      %get3A_413 = tpu.vector_load %arg9[%get3A_411, %get3A_412] {strides = array<i32>} : memref<32x1024xf32, #tpu.memory_space<vmem>>, vector<1x16xf32>,
      %get3A_414 = vector.shape_cast %get3A_413 : vector<1x16xf32> to vector<16xf32>
      %get3A_415 = arith.index_cast %scan3A_75 : i32 to index
      %get3A_416 = arith.constant 384 : index
      %get3A_417 = tpu.vector_load %arg8[%get3A_415, %get3A_416] {strides = array<i32>} : memref<32x1024xf32, #tpu.memory_space<vmem>>, vector<1x16xf32>,
      %get3A_418 = vector.shape_cast %get3A_417 : vector<1x16xf32> to vector<16xf32>
      %add3A_419 = arith.addf %get3A_414, %get3A_418 : vector<16xf32>
      %swap3A_420 = arith.index_cast %scan3A_75 : i32 to index
      %swap3A_421 = arith.constant 384 : index
      %swap3A_422 = tpu.vector_load %arg9[%swap3A_420, %swap3A_421] {strides = array<i32>} : memref<32x1024xf32, #tpu.memory_space<vmem>>, vector<1x16xf32>,
      %swap3A_423 = vector.shape_cast %swap3A_422 : vector<1x16xf32> to vector<16xf32>
      %swap3A_424 = vector.shape_cast %add3A_419 : vector<16xf32> to vector<1x16xf32>
      tpu.vector_store %arg9[%swap3A_420, %swap3A_421], %swap3A_424 {strides = array<i32>} : memref<32x1024xf32, #tpu.memory_space<vmem>>, vector<1x16xf32>,
      %get3A_425 = arith.index_cast %scan3A_75 : i32 to index
      %get3A_426 = arith.constant 400 : index
      %get3A_427 = tpu.vector_load %arg9[%get3A_425, %get3A_426] {strides = array<i32>} : memref<32x1024xf32, #tpu.memory_space<vmem>>, vector<1x16xf32>,
      %get3A_428 = vector.shape_cast %get3A_427 : vector<1x16xf32> to vector<16xf32>
      %get3A_429 = arith.index_cast %scan3A_75 : i32 to index
      %get3A_430 = arith.constant 400 : index
      %get3A_431 = tpu.vector_load %arg8[%get3A_429, %get3A_430] {strides = array<i32>} : memref<32x1024xf32, #tpu.memory_space<vmem>>, vector<1x16xf32>,
      %get3A_432 = vector.shape_cast %get3A_431 : vector<1x16xf32> to vector<16xf32>
      %add3A_433 = arith.addf %get3A_428, %get3A_432 : vector<16xf32>
      %swap3A_434 = arith.index_cast %scan3A_75 : i32 to index
      %swap3A_435 = arith.constant 400 : index
      %swap3A_436 = tpu.vector_load %arg9[%swap3A_434, %swap3A_435] {strides = array<i32>} : memref<32x1024xf32, #tpu.memory_space<vmem>>, vector<1x16xf32>,
      %swap3A_437 = vector.shape_cast %swap3A_436 : vector<1x16xf32> to vector<16xf32>
      %swap3A_438 = vector.shape_cast %add3A_433 : vector<16xf32> to vector<1x16xf32>
      tpu.vector_store %arg9[%swap3A_434, %swap3A_435], %swap3A_438 {strides = array<i32>} : memref<32x1024xf32, #tpu.memory_space<vmem>>, vector<1x16xf32>,
      %get3A_439 = arith.index_cast %scan3A_75 : i32 to index
      %get3A_440 = arith.constant 416 : index
      %get3A_441 = tpu.vector_load %arg9[%get3A_439, %get3A_440] {strides = array<i32>} : memref<32x1024xf32, #tpu.memory_space<vmem>>, vector<1x16xf32>,
      %get3A_442 = vector.shape_cast %get3A_441 : vector<1x16xf32> to vector<16xf32>
      %get3A_443 = arith.index_cast %scan3A_75 : i32 to index
      %get3A_444 = arith.constant 416 : index
      %get3A_445 = tpu.vector_load %arg8[%get3A_443, %get3A_444] {strides = array<i32>} : memref<32x1024xf32, #tpu.memory_space<vmem>>, vector<1x16xf32>,
      %get3A_446 = vector.shape_cast %get3A_445 : vector<1x16xf32> to vector<16xf32>
      %add3A_447 = arith.addf %get3A_442, %get3A_446 : vector<16xf32>
      %swap3A_448 = arith.index_cast %scan3A_75 : i32 to index
      %swap3A_449 = arith.constant 416 : index
      %swap3A_450 = tpu.vector_load %arg9[%swap3A_448, %swap3A_449] {strides = array<i32>} : memref<32x1024xf32, #tpu.memory_space<vmem>>, vector<1x16xf32>,
      %swap3A_451 = vector.shape_cast %swap3A_450 : vector<1x16xf32> to vector<16xf32>
      %swap3A_452 = vector.shape_cast %add3A_447 : vector<16xf32> to vector<1x16xf32>
      tpu.vector_store %arg9[%swap3A_448, %swap3A_449], %swap3A_452 {strides = array<i32>} : memref<32x1024xf32, #tpu.memory_space<vmem>>, vector<1x16xf32>,
      %get3A_453 = arith.index_cast %scan3A_75 : i32 to index
      %get3A_454 = arith.constant 432 : index
      %get3A_455 = tpu.vector_load %arg9[%get3A_453, %get3A_454] {strides = array<i32>} : memref<32x1024xf32, #tpu.memory_space<vmem>>, vector<1x16xf32>,
      %get3A_456 = vector.shape_cast %get3A_455 : vector<1x16xf32> to vector<16xf32>
      %get3A_457 = arith.index_cast %scan3A_75 : i32 to index
      %get3A_458 = arith.constant 432 : index
      %get3A_459 = tpu.vector_load %arg8[%get3A_457, %get3A_458] {strides = array<i32>} : memref<32x1024xf32, #tpu.memory_space<vmem>>, vector<1x16xf32>,
      %get3A_460 = vector.shape_cast %get3A_459 : vector<1x16xf32> to vector<16xf32>
      %add3A_461 = arith.addf %get3A_456, %get3A_460 : vector<16xf32>
      %swap3A_462 = arith.index_cast %scan3A_75 : i32 to index
      %swap3A_463 = arith.constant 432 : index
      %swap3A_464 = tpu.vector_load %arg9[%swap3A_462, %swap3A_463] {strides = array<i32>} : memref<32x1024xf32, #tpu.memory_space<vmem>>, vector<1x16xf32>,
      %swap3A_465 = vector.shape_cast %swap3A_464 : vector<1x16xf32> to vector<16xf32>
      %swap3A_466 = vector.shape_cast %add3A_461 : vector<16xf32> to vector<1x16xf32>
      tpu.vector_store %arg9[%swap3A_462, %swap3A_463], %swap3A_466 {strides = array<i32>} : memref<32x1024xf32, #tpu.memory_space<vmem>>, vector<1x16xf32>,
      %get3A_467 = arith.index_cast %scan3A_75 : i32 to index
      %get3A_468 = arith.constant 448 : index
      %get3A_469 = tpu.vector_load %arg9[%get3A_467, %get3A_468] {strides = array<i32>} : memref<32x1024xf32, #tpu.memory_space<vmem>>, vector<1x16xf32>,
      %get3A_470 = vector.shape_cast %get3A_469 : vector<1x16xf32> to vector<16xf32>
      %get3A_471 = arith.index_cast %scan3A_75 : i32 to index
      %get3A_472 = arith.constant 448 : index
      %get3A_473 = tpu.vector_load %arg8[%get3A_471, %get3A_472] {strides = array<i32>} : memref<32x1024xf32, #tpu.memory_space<vmem>>, vector<1x16xf32>,
      %get3A_474 = vector.shape_cast %get3A_473 : vector<1x16xf32> to vector<16xf32>
      %add3A_475 = arith.addf %get3A_470, %get3A_474 : vector<16xf32>
      %swap3A_476 = arith.index_cast %scan3A_75 : i32 to index
      %swap3A_477 = arith.constant 448 : index
      %swap3A_478 = tpu.vector_load %arg9[%swap3A_476, %swap3A_477] {strides = array<i32>} : memref<32x1024xf32, #tpu.memory_space<vmem>>, vector<1x16xf32>,
      %swap3A_479 = vector.shape_cast %swap3A_478 : vector<1x16xf32> to vector<16xf32>
      %swap3A_480 = vector.shape_cast %add3A_475 : vector<16xf32> to vector<1x16xf32>
      tpu.vector_store %arg9[%swap3A_476, %swap3A_477], %swap3A_480 {strides = array<i32>} : memref<32x1024xf32, #tpu.memory_space<vmem>>, vector<1x16xf32>,
      %get3A_481 = arith.index_cast %scan3A_75 : i32 to index
      %get3A_482 = arith.constant 464 : index
      %get3A_483 = tpu.vector_load %arg9[%get3A_481, %get3A_482] {strides = array<i32>} : memref<32x1024xf32, #tpu.memory_space<vmem>>, vector<1x16xf32>,
      %get3A_484 = vector.shape_cast %get3A_483 : vector<1x16xf32> to vector<16xf32>
      %get3A_485 = arith.index_cast %scan3A_75 : i32 to index
      %get3A_486 = arith.constant 464 : index
      %get3A_487 = tpu.vector_load %arg8[%get3A_485, %get3A_486] {strides = array<i32>} : memref<32x1024xf32, #tpu.memory_space<vmem>>, vector<1x16xf32>,
      %get3A_488 = vector.shape_cast %get3A_487 : vector<1x16xf32> to vector<16xf32>
      %add3A_489 = arith.addf %get3A_484, %get3A_488 : vector<16xf32>
      %swap3A_490 = arith.index_cast %scan3A_75 : i32 to index
      %swap3A_491 = arith.constant 464 : index
      %swap3A_492 = tpu.vector_load %arg9[%swap3A_490, %swap3A_491] {strides = array<i32>} : memref<32x1024xf32, #tpu.memory_space<vmem>>, vector<1x16xf32>,
      %swap3A_493 = vector.shape_cast %swap3A_492 : vector<1x16xf32> to vector<16xf32>
      %swap3A_494 = vector.shape_cast %add3A_489 : vector<16xf32> to vector<1x16xf32>
      tpu.vector_store %arg9[%swap3A_490, %swap3A_491], %swap3A_494 {strides = array<i32>} : memref<32x1024xf32, #tpu.memory_space<vmem>>, vector<1x16xf32>,
      %get3A_495 = arith.index_cast %scan3A_75 : i32 to index
      %get3A_496 = arith.constant 480 : index
      %get3A_497 = tpu.vector_load %arg9[%get3A_495, %get3A_496] {strides = array<i32>} : memref<32x1024xf32, #tpu.memory_space<vmem>>, vector<1x16xf32>,
      %get3A_498 = vector.shape_cast %get3A_497 : vector<1x16xf32> to vector<16xf32>
      %get3A_499 = arith.index_cast %scan3A_75 : i32 to index
      %get3A_500 = arith.constant 480 : index
      %get3A_501 = tpu.vector_load %arg8[%get3A_499, %get3A_500] {strides = array<i32>} : memref<32x1024xf32, #tpu.memory_space<vmem>>, vector<1x16xf32>,
      %get3A_502 = vector.shape_cast %get3A_501 : vector<1x16xf32> to vector<16xf32>
      %add3A_503 = arith.addf %get3A_498, %get3A_502 : vector<16xf32>
      %swap3A_504 = arith.index_cast %scan3A_75 : i32 to index
      %swap3A_505 = arith.constant 480 : index
      %swap3A_506 = tpu.vector_load %arg9[%swap3A_504, %swap3A_505] {strides = array<i32>} : memref<32x1024xf32, #tpu.memory_space<vmem>>, vector<1x16xf32>,
      %swap3A_507 = vector.shape_cast %swap3A_506 : vector<1x16xf32> to vector<16xf32>
      %swap3A_508 = vector.shape_cast %add3A_503 : vector<16xf32> to vector<1x16xf32>
      tpu.vector_store %arg9[%swap3A_504, %swap3A_505], %swap3A_508 {strides = array<i32>} : memref<32x1024xf32, #tpu.memory_space<vmem>>, vector<1x16xf32>,
      %get3A_509 = arith.index_cast %scan3A_75 : i32 to index
      %get3A_510 = arith.constant 496 : index
      %get3A_511 = tpu.vector_load %arg9[%get3A_509, %get3A_510] {strides = array<i32>} : memref<32x1024xf32, #tpu.memory_space<vmem>>, vector<1x16xf32>,
      %get3A_512 = vector.shape_cast %get3A_511 : vector<1x16xf32> to vector<16xf32>
      %get3A_513 = arith.index_cast %scan3A_75 : i32 to index
      %get3A_514 = arith.constant 496 : index
      %get3A_515 = tpu.vector_load %arg8[%get3A_513, %get3A_514] {strides = array<i32>} : memref<32x1024xf32, #tpu.memory_space<vmem>>, vector<1x16xf32>,
      %get3A_516 = vector.shape_cast %get3A_515 : vector<1x16xf32> to vector<16xf32>
      %add3A_517 = arith.addf %get3A_512, %get3A_516 : vector<16xf32>
      %swap3A_518 = arith.index_cast %scan3A_75 : i32 to index
      %swap3A_519 = arith.constant 496 : index
      %swap3A_520 = tpu.vector_load %arg9[%swap3A_518, %swap3A_519] {strides = array<i32>} : memref<32x1024xf32, #tpu.memory_space<vmem>>, vector<1x16xf32>,
      %swap3A_521 = vector.shape_cast %swap3A_520 : vector<1x16xf32> to vector<16xf32>
      %swap3A_522 = vector.shape_cast %add3A_517 : vector<16xf32> to vector<1x16xf32>
      tpu.vector_store %arg9[%swap3A_518, %swap3A_519], %swap3A_522 {strides = array<i32>} : memref<32x1024xf32, #tpu.memory_space<vmem>>, vector<1x16xf32>,
      %get3A_523 = arith.index_cast %scan3A_75 : i32 to index
      %get3A_524 = arith.constant 512 : index
      %get3A_525 = tpu.vector_load %arg9[%get3A_523, %get3A_524] {strides = array<i32>} : memref<32x1024xf32, #tpu.memory_space<vmem>>, vector<1x16xf32>,
      %get3A_526 = vector.shape_cast %get3A_525 : vector<1x16xf32> to vector<16xf32>
      %get3A_527 = arith.index_cast %scan3A_75 : i32 to index
      %get3A_528 = arith.constant 512 : index
      %get3A_529 = tpu.vector_load %arg8[%get3A_527, %get3A_528] {strides = array<i32>} : memref<32x1024xf32, #tpu.memory_space<vmem>>, vector<1x16xf32>,
      %get3A_530 = vector.shape_cast %get3A_529 : vector<1x16xf32> to vector<16xf32>
      %add3A_531 = arith.addf %get3A_526, %get3A_530 : vector<16xf32>
      %swap3A_532 = arith.index_cast %scan3A_75 : i32 to index
      %swap3A_533 = arith.constant 512 : index
      %swap3A_534 = tpu.vector_load %arg9[%swap3A_532, %swap3A_533] {strides = array<i32>} : memref<32x1024xf32, #tpu.memory_space<vmem>>, vector<1x16xf32>,
      %swap3A_535 = vector.shape_cast %swap3A_534 : vector<1x16xf32> to vector<16xf32>
      %swap3A_536 = vector.shape_cast %add3A_531 : vector<16xf32> to vector<1x16xf32>
      tpu.vector_store %arg9[%swap3A_532, %swap3A_533], %swap3A_536 {strides = array<i32>} : memref<32x1024xf32, #tpu.memory_space<vmem>>, vector<1x16xf32>,
      %get3A_537 = arith.index_cast %scan3A_75 : i32 to index
      %get3A_538 = arith.constant 528 : index
      %get3A_539 = tpu.vector_load %arg9[%get3A_537, %get3A_538] {strides = array<i32>} : memref<32x1024xf32, #tpu.memory_space<vmem>>, vector<1x16xf32>,
      %get3A_540 = vector.shape_cast %get3A_539 : vector<1x16xf32> to vector<16xf32>
      %get3A_541 = arith.index_cast %scan3A_75 : i32 to index
      %get3A_542 = arith.constant 528 : index
      %get3A_543 = tpu.vector_load %arg8[%get3A_541, %get3A_542] {strides = array<i32>} : memref<32x1024xf32, #tpu.memory_space<vmem>>, vector<1x16xf32>,
      %get3A_544 = vector.shape_cast %get3A_543 : vector<1x16xf32> to vector<16xf32>
      %add3A_545 = arith.addf %get3A_540, %get3A_544 : vector<16xf32>
      %swap3A_546 = arith.index_cast %scan3A_75 : i32 to index
      %swap3A_547 = arith.constant 528 : index
      %swap3A_548 = tpu.vector_load %arg9[%swap3A_546, %swap3A_547] {strides = array<i32>} : memref<32x1024xf32, #tpu.memory_space<vmem>>, vector<1x16xf32>,
      %swap3A_549 = vector.shape_cast %swap3A_548 : vector<1x16xf32> to vector<16xf32>
      %swap3A_550 = vector.shape_cast %add3A_545 : vector<16xf32> to vector<1x16xf32>
      tpu.vector_store %arg9[%swap3A_546, %swap3A_547], %swap3A_550 {strides = array<i32>} : memref<32x1024xf32, #tpu.memory_space<vmem>>, vector<1x16xf32>,
      %get3A_551 = arith.index_cast %scan3A_75 : i32 to index
      %get3A_552 = arith.constant 544 : index
      %get3A_553 = tpu.vector_load %arg9[%get3A_551, %get3A_552] {strides = array<i32>} : memref<32x1024xf32, #tpu.memory_space<vmem>>, vector<1x16xf32>,
      %get3A_554 = vector.shape_cast %get3A_553 : vector<1x16xf32> to vector<16xf32>
      %get3A_555 = arith.index_cast %scan3A_75 : i32 to index
      %get3A_556 = arith.constant 544 : index
      %get3A_557 = tpu.vector_load %arg8[%get3A_555, %get3A_556] {strides = array<i32>} : memref<32x1024xf32, #tpu.memory_space<vmem>>, vector<1x16xf32>,
      %get3A_558 = vector.shape_cast %get3A_557 : vector<1x16xf32> to vector<16xf32>
      %add3A_559 = arith.addf %get3A_554, %get3A_558 : vector<16xf32>
      %swap3A_560 = arith.index_cast %scan3A_75 : i32 to index
      %swap3A_561 = arith.constant 544 : index
      %swap3A_562 = tpu.vector_load %arg9[%swap3A_560, %swap3A_561] {strides = array<i32>} : memref<32x1024xf32, #tpu.memory_space<vmem>>, vector<1x16xf32>,
      %swap3A_563 = vector.shape_cast %swap3A_562 : vector<1x16xf32> to vector<16xf32>
      %swap3A_564 = vector.shape_cast %add3A_559 : vector<16xf32> to vector<1x16xf32>
      tpu.vector_store %arg9[%swap3A_560, %swap3A_561], %swap3A_564 {strides = array<i32>} : memref<32x1024xf32, #tpu.memory_space<vmem>>, vector<1x16xf32>,
      %get3A_565 = arith.index_cast %scan3A_75 : i32 to index
      %get3A_566 = arith.constant 560 : index
      %get3A_567 = tpu.vector_load %arg9[%get3A_565, %get3A_566] {strides = array<i32>} : memref<32x1024xf32, #tpu.memory_space<vmem>>, vector<1x16xf32>,
      %get3A_568 = vector.shape_cast %get3A_567 : vector<1x16xf32> to vector<16xf32>
      %get3A_569 = arith.index_cast %scan3A_75 : i32 to index
      %get3A_570 = arith.constant 560 : index
      %get3A_571 = tpu.vector_load %arg8[%get3A_569, %get3A_570] {strides = array<i32>} : memref<32x1024xf32, #tpu.memory_space<vmem>>, vector<1x16xf32>,
      %get3A_572 = vector.shape_cast %get3A_571 : vector<1x16xf32> to vector<16xf32>
      %add3A_573 = arith.addf %get3A_568, %get3A_572 : vector<16xf32>
      %swap3A_574 = arith.index_cast %scan3A_75 : i32 to index
      %swap3A_575 = arith.constant 560 : index
      %swap3A_576 = tpu.vector_load %arg9[%swap3A_574, %swap3A_575] {strides = array<i32>} : memref<32x1024xf32, #tpu.memory_space<vmem>>, vector<1x16xf32>,
      %swap3A_577 = vector.shape_cast %swap3A_576 : vector<1x16xf32> to vector<16xf32>
      %swap3A_578 = vector.shape_cast %add3A_573 : vector<16xf32> to vector<1x16xf32>
      tpu.vector_store %arg9[%swap3A_574, %swap3A_575], %swap3A_578 {strides = array<i32>} : memref<32x1024xf32, #tpu.memory_space<vmem>>, vector<1x16xf32>,
      %get3A_579 = arith.index_cast %scan3A_75 : i32 to index
      %get3A_580 = arith.constant 576 : index
      %get3A_581 = tpu.vector_load %arg9[%get3A_579, %get3A_580] {strides = array<i32>} : memref<32x1024xf32, #tpu.memory_space<vmem>>, vector<1x16xf32>,
      %get3A_582 = vector.shape_cast %get3A_581 : vector<1x16xf32> to vector<16xf32>
      %get3A_583 = arith.index_cast %scan3A_75 : i32 to index
      %get3A_584 = arith.constant 576 : index
      %get3A_585 = tpu.vector_load %arg8[%get3A_583, %get3A_584] {strides = array<i32>} : memref<32x1024xf32, #tpu.memory_space<vmem>>, vector<1x16xf32>,
      %get3A_586 = vector.shape_cast %get3A_585 : vector<1x16xf32> to vector<16xf32>
      %add3A_587 = arith.addf %get3A_582, %get3A_586 : vector<16xf32>
      %swap3A_588 = arith.index_cast %scan3A_75 : i32 to index
      %swap3A_589 = arith.constant 576 : index
      %swap3A_590 = tpu.vector_load %arg9[%swap3A_588, %swap3A_589] {strides = array<i32>} : memref<32x1024xf32, #tpu.memory_space<vmem>>, vector<1x16xf32>,
      %swap3A_591 = vector.shape_cast %swap3A_590 : vector<1x16xf32> to vector<16xf32>
      %swap3A_592 = vector.shape_cast %add3A_587 : vector<16xf32> to vector<1x16xf32>
      tpu.vector_store %arg9[%swap3A_588, %swap3A_589], %swap3A_592 {strides = array<i32>} : memref<32x1024xf32, #tpu.memory_space<vmem>>, vector<1x16xf32>,
      %get3A_593 = arith.index_cast %scan3A_75 : i32 to index
      %get3A_594 = arith.constant 592 : index
      %get3A_595 = tpu.vector_load %arg9[%get3A_593, %get3A_594] {strides = array<i32>} : memref<32x1024xf32, #tpu.memory_space<vmem>>, vector<1x16xf32>,
      %get3A_596 = vector.shape_cast %get3A_595 : vector<1x16xf32> to vector<16xf32>
      %get3A_597 = arith.index_cast %scan3A_75 : i32 to index
      %get3A_598 = arith.constant 592 : index
      %get3A_599 = tpu.vector_load %arg8[%get3A_597, %get3A_598] {strides = array<i32>} : memref<32x1024xf32, #tpu.memory_space<vmem>>, vector<1x16xf32>,
      %get3A_600 = vector.shape_cast %get3A_599 : vector<1x16xf32> to vector<16xf32>
      %add3A_601 = arith.addf %get3A_596, %get3A_600 : vector<16xf32>
      %swap3A_602 = arith.index_cast %scan3A_75 : i32 to index
      %swap3A_603 = arith.constant 592 : index
      %swap3A_604 = tpu.vector_load %arg9[%swap3A_602, %swap3A_603] {strides = array<i32>} : memref<32x1024xf32, #tpu.memory_space<vmem>>, vector<1x16xf32>,
      %swap3A_605 = vector.shape_cast %swap3A_604 : vector<1x16xf32> to vector<16xf32>
      %swap3A_606 = vector.shape_cast %add3A_601 : vector<16xf32> to vector<1x16xf32>
      tpu.vector_store %arg9[%swap3A_602, %swap3A_603], %swap3A_606 {strides = array<i32>} : memref<32x1024xf32, #tpu.memory_space<vmem>>, vector<1x16xf32>,
      %get3A_607 = arith.index_cast %scan3A_75 : i32 to index
      %get3A_608 = arith.constant 608 : index
      %get3A_609 = tpu.vector_load %arg9[%get3A_607, %get3A_608] {strides = array<i32>} : memref<32x1024xf32, #tpu.memory_space<vmem>>, vector<1x16xf32>,
      %get3A_610 = vector.shape_cast %get3A_609 : vector<1x16xf32> to vector<16xf32>
      %get3A_611 = arith.index_cast %scan3A_75 : i32 to index
      %get3A_612 = arith.constant 608 : index
      %get3A_613 = tpu.vector_load %arg8[%get3A_611, %get3A_612] {strides = array<i32>} : memref<32x1024xf32, #tpu.memory_space<vmem>>, vector<1x16xf32>,
      %get3A_614 = vector.shape_cast %get3A_613 : vector<1x16xf32> to vector<16xf32>
      %add3A_615 = arith.addf %get3A_610, %get3A_614 : vector<16xf32>
      %swap3A_616 = arith.index_cast %scan3A_75 : i32 to index
      %swap3A_617 = arith.constant 608 : index
      %swap3A_618 = tpu.vector_load %arg9[%swap3A_616, %swap3A_617] {strides = array<i32>} : memref<32x1024xf32, #tpu.memory_space<vmem>>, vector<1x16xf32>,
      %swap3A_619 = vector.shape_cast %swap3A_618 : vector<1x16xf32> to vector<16xf32>
      %swap3A_620 = vector.shape_cast %add3A_615 : vector<16xf32> to vector<1x16xf32>
      tpu.vector_store %arg9[%swap3A_616, %swap3A_617], %swap3A_620 {strides = array<i32>} : memref<32x1024xf32, #tpu.memory_space<vmem>>, vector<1x16xf32>,
      %get3A_621 = arith.index_cast %scan3A_75 : i32 to index
      %get3A_622 = arith.constant 624 : index
      %get3A_623 = tpu.vector_load %arg9[%get3A_621, %get3A_622] {strides = array<i32>} : memref<32x1024xf32, #tpu.memory_space<vmem>>, vector<1x16xf32>,
      %get3A_624 = vector.shape_cast %get3A_623 : vector<1x16xf32> to vector<16xf32>
      %get3A_625 = arith.index_cast %scan3A_75 : i32 to index
      %get3A_626 = arith.constant 624 : index
      %get3A_627 = tpu.vector_load %arg8[%get3A_625, %get3A_626] {strides = array<i32>} : memref<32x1024xf32, #tpu.memory_space<vmem>>, vector<1x16xf32>,
      %get3A_628 = vector.shape_cast %get3A_627 : vector<1x16xf32> to vector<16xf32>
      %add3A_629 = arith.addf %get3A_624, %get3A_628 : vector<16xf32>
      %swap3A_630 = arith.index_cast %scan3A_75 : i32 to index
      %swap3A_631 = arith.constant 624 : index
      %swap3A_632 = tpu.vector_load %arg9[%swap3A_630, %swap3A_631] {strides = array<i32>} : memref<32x1024xf32, #tpu.memory_space<vmem>>, vector<1x16xf32>,
      %swap3A_633 = vector.shape_cast %swap3A_632 : vector<1x16xf32> to vector<16xf32>
      %swap3A_634 = vector.shape_cast %add3A_629 : vector<16xf32> to vector<1x16xf32>
      tpu.vector_store %arg9[%swap3A_630, %swap3A_631], %swap3A_634 {strides = array<i32>} : memref<32x1024xf32, #tpu.memory_space<vmem>>, vector<1x16xf32>,
      %get3A_635 = arith.index_cast %scan3A_75 : i32 to index
      %get3A_636 = arith.constant 640 : index
      %get3A_637 = tpu.vector_load %arg9[%get3A_635, %get3A_636] {strides = array<i32>} : memref<32x1024xf32, #tpu.memory_space<vmem>>, vector<1x16xf32>,
      %get3A_638 = vector.shape_cast %get3A_637 : vector<1x16xf32> to vector<16xf32>
      %get3A_639 = arith.index_cast %scan3A_75 : i32 to index
      %get3A_640 = arith.constant 640 : index
      %get3A_641 = tpu.vector_load %arg8[%get3A_639, %get3A_640] {strides = array<i32>} : memref<32x1024xf32, #tpu.memory_space<vmem>>, vector<1x16xf32>,
      %get3A_642 = vector.shape_cast %get3A_641 : vector<1x16xf32> to vector<16xf32>
      %add3A_643 = arith.addf %get3A_638, %get3A_642 : vector<16xf32>
      %swap3A_644 = arith.index_cast %scan3A_75 : i32 to index
      %swap3A_645 = arith.constant 640 : index
      %swap3A_646 = tpu.vector_load %arg9[%swap3A_644, %swap3A_645] {strides = array<i32>} : memref<32x1024xf32, #tpu.memory_space<vmem>>, vector<1x16xf32>,
      %swap3A_647 = vector.shape_cast %swap3A_646 : vector<1x16xf32> to vector<16xf32>
      %swap3A_648 = vector.shape_cast %add3A_643 : vector<16xf32> to vector<1x16xf32>
      tpu.vector_store %arg9[%swap3A_644, %swap3A_645], %swap3A_648 {strides = array<i32>} : memref<32x1024xf32, #tpu.memory_space<vmem>>, vector<1x16xf32>,
      %get3A_649 = arith.index_cast %scan3A_75 : i32 to index
      %get3A_650 = arith.constant 656 : index
      %get3A_651 = tpu.vector_load %arg9[%get3A_649, %get3A_650] {strides = array<i32>} : memref<32x1024xf32, #tpu.memory_space<vmem>>, vector<1x16xf32>,
      %get3A_652 = vector.shape_cast %get3A_651 : vector<1x16xf32> to vector<16xf32>
      %get3A_653 = arith.index_cast %scan3A_75 : i32 to index
      %get3A_654 = arith.constant 656 : index
      %get3A_655 = tpu.vector_load %arg8[%get3A_653, %get3A_654] {strides = array<i32>} : memref<32x1024xf32, #tpu.memory_space<vmem>>, vector<1x16xf32>,
      %get3A_656 = vector.shape_cast %get3A_655 : vector<1x16xf32> to vector<16xf32>
      %add3A_657 = arith.addf %get3A_652, %get3A_656 : vector<16xf32>
      %swap3A_658 = arith.index_cast %scan3A_75 : i32 to index
      %swap3A_659 = arith.constant 656 : index
      %swap3A_660 = tpu.vector_load %arg9[%swap3A_658, %swap3A_659] {strides = array<i32>} : memref<32x1024xf32, #tpu.memory_space<vmem>>, vector<1x16xf32>,
      %swap3A_661 = vector.shape_cast %swap3A_660 : vector<1x16xf32> to vector<16xf32>
      %swap3A_662 = vector.shape_cast %add3A_657 : vector<16xf32> to vector<1x16xf32>
      tpu.vector_store %arg9[%swap3A_658, %swap3A_659], %swap3A_662 {strides = array<i32>} : memref<32x1024xf32, #tpu.memory_space<vmem>>, vector<1x16xf32>,
      %get3A_663 = arith.index_cast %scan3A_75 : i32 to index
      %get3A_664 = arith.constant 672 : index
      %get3A_665 = tpu.vector_load %arg9[%get3A_663, %get3A_664] {strides = array<i32>} : memref<32x1024xf32, #tpu.memory_space<vmem>>, vector<1x16xf32>,
      %get3A_666 = vector.shape_cast %get3A_665 : vector<1x16xf32> to vector<16xf32>
      %get3A_667 = arith.index_cast %scan3A_75 : i32 to index
      %get3A_668 = arith.constant 672 : index
      %get3A_669 = tpu.vector_load %arg8[%get3A_667, %get3A_668] {strides = array<i32>} : memref<32x1024xf32, #tpu.memory_space<vmem>>, vector<1x16xf32>,
      %get3A_670 = vector.shape_cast %get3A_669 : vector<1x16xf32> to vector<16xf32>
      %add3A_671 = arith.addf %get3A_666, %get3A_670 : vector<16xf32>
      %swap3A_672 = arith.index_cast %scan3A_75 : i32 to index
      %swap3A_673 = arith.constant 672 : index
      %swap3A_674 = tpu.vector_load %arg9[%swap3A_672, %swap3A_673] {strides = array<i32>} : memref<32x1024xf32, #tpu.memory_space<vmem>>, vector<1x16xf32>,
      %swap3A_675 = vector.shape_cast %swap3A_674 : vector<1x16xf32> to vector<16xf32>
      %swap3A_676 = vector.shape_cast %add3A_671 : vector<16xf32> to vector<1x16xf32>
      tpu.vector_store %arg9[%swap3A_672, %swap3A_673], %swap3A_676 {strides = array<i32>} : memref<32x1024xf32, #tpu.memory_space<vmem>>, vector<1x16xf32>,
      %get3A_677 = arith.index_cast %scan3A_75 : i32 to index
      %get3A_678 = arith.constant 688 : index
      %get3A_679 = tpu.vector_load %arg9[%get3A_677, %get3A_678] {strides = array<i32>} : memref<32x1024xf32, #tpu.memory_space<vmem>>, vector<1x16xf32>,
      %get3A_680 = vector.shape_cast %get3A_679 : vector<1x16xf32> to vector<16xf32>
      %get3A_681 = arith.index_cast %scan3A_75 : i32 to index
      %get3A_682 = arith.constant 688 : index
      %get3A_683 = tpu.vector_load %arg8[%get3A_681, %get3A_682] {strides = array<i32>} : memref<32x1024xf32, #tpu.memory_space<vmem>>, vector<1x16xf32>,
      %get3A_684 = vector.shape_cast %get3A_683 : vector<1x16xf32> to vector<16xf32>
      %add3A_685 = arith.addf %get3A_680, %get3A_684 : vector<16xf32>
      %swap3A_686 = arith.index_cast %scan3A_75 : i32 to index
      %swap3A_687 = arith.constant 688 : index
      %swap3A_688 = tpu.vector_load %arg9[%swap3A_686, %swap3A_687] {strides = array<i32>} : memref<32x1024xf32, #tpu.memory_space<vmem>>, vector<1x16xf32>,
      %swap3A_689 = vector.shape_cast %swap3A_688 : vector<1x16xf32> to vector<16xf32>
      %swap3A_690 = vector.shape_cast %add3A_685 : vector<16xf32> to vector<1x16xf32>
      tpu.vector_store %arg9[%swap3A_686, %swap3A_687], %swap3A_690 {strides = array<i32>} : memref<32x1024xf32, #tpu.memory_space<vmem>>, vector<1x16xf32>,
      %get3A_691 = arith.index_cast %scan3A_75 : i32 to index
      %get3A_692 = arith.constant 704 : index
      %get3A_693 = tpu.vector_load %arg9[%get3A_691, %get3A_692] {strides = array<i32>} : memref<32x1024xf32, #tpu.memory_space<vmem>>, vector<1x16xf32>,
      %get3A_694 = vector.shape_cast %get3A_693 : vector<1x16xf32> to vector<16xf32>
      %get3A_695 = arith.index_cast %scan3A_75 : i32 to index
      %get3A_696 = arith.constant 704 : index
      %get3A_697 = tpu.vector_load %arg8[%get3A_695, %get3A_696] {strides = array<i32>} : memref<32x1024xf32, #tpu.memory_space<vmem>>, vector<1x16xf32>,
      %get3A_698 = vector.shape_cast %get3A_697 : vector<1x16xf32> to vector<16xf32>
      %add3A_699 = arith.addf %get3A_694, %get3A_698 : vector<16xf32>
      %swap3A_700 = arith.index_cast %scan3A_75 : i32 to index
      %swap3A_701 = arith.constant 704 : index
      %swap3A_702 = tpu.vector_load %arg9[%swap3A_700, %swap3A_701] {strides = array<i32>} : memref<32x1024xf32, #tpu.memory_space<vmem>>, vector<1x16xf32>,
      %swap3A_703 = vector.shape_cast %swap3A_702 : vector<1x16xf32> to vector<16xf32>
      %swap3A_704 = vector.shape_cast %add3A_699 : vector<16xf32> to vector<1x16xf32>
      tpu.vector_store %arg9[%swap3A_700, %swap3A_701], %swap3A_704 {strides = array<i32>} : memref<32x1024xf32, #tpu.memory_space<vmem>>, vector<1x16xf32>,
      %get3A_705 = arith.index_cast %scan3A_75 : i32 to index
      %get3A_706 = arith.constant 720 : index
      %get3A_707 = tpu.vector_load %arg9[%get3A_705, %get3A_706] {strides = array<i32>} : memref<32x1024xf32, #tpu.memory_space<vmem>>, vector<1x16xf32>,
      %get3A_708 = vector.shape_cast %get3A_707 : vector<1x16xf32> to vector<16xf32>
      %get3A_709 = arith.index_cast %scan3A_75 : i32 to index
      %get3A_710 = arith.constant 720 : index
      %get3A_711 = tpu.vector_load %arg8[%get3A_709, %get3A_710] {strides = array<i32>} : memref<32x1024xf32, #tpu.memory_space<vmem>>, vector<1x16xf32>,
      %get3A_712 = vector.shape_cast %get3A_711 : vector<1x16xf32> to vector<16xf32>
      %add3A_713 = arith.addf %get3A_708, %get3A_712 : vector<16xf32>
      %swap3A_714 = arith.index_cast %scan3A_75 : i32 to index
      %swap3A_715 = arith.constant 720 : index
      %swap3A_716 = tpu.vector_load %arg9[%swap3A_714, %swap3A_715] {strides = array<i32>} : memref<32x1024xf32, #tpu.memory_space<vmem>>, vector<1x16xf32>,
      %swap3A_717 = vector.shape_cast %swap3A_716 : vector<1x16xf32> to vector<16xf32>
      %swap3A_718 = vector.shape_cast %add3A_713 : vector<16xf32> to vector<1x16xf32>
      tpu.vector_store %arg9[%swap3A_714, %swap3A_715], %swap3A_718 {strides = array<i32>} : memref<32x1024xf32, #tpu.memory_space<vmem>>, vector<1x16xf32>,
      %get3A_719 = arith.index_cast %scan3A_75 : i32 to index
      %get3A_720 = arith.constant 736 : index
      %get3A_721 = tpu.vector_load %arg9[%get3A_719, %get3A_720] {strides = array<i32>} : memref<32x1024xf32, #tpu.memory_space<vmem>>, vector<1x16xf32>,
      %get3A_722 = vector.shape_cast %get3A_721 : vector<1x16xf32> to vector<16xf32>
      %get3A_723 = arith.index_cast %scan3A_75 : i32 to index
      %get3A_724 = arith.constant 736 : index
      %get3A_725 = tpu.vector_load %arg8[%get3A_723, %get3A_724] {strides = array<i32>} : memref<32x1024xf32, #tpu.memory_space<vmem>>, vector<1x16xf32>,
      %get3A_726 = vector.shape_cast %get3A_725 : vector<1x16xf32> to vector<16xf32>
      %add3A_727 = arith.addf %get3A_722, %get3A_726 : vector<16xf32>
      %swap3A_728 = arith.index_cast %scan3A_75 : i32 to index
      %swap3A_729 = arith.constant 736 : index
      %swap3A_730 = tpu.vector_load %arg9[%swap3A_728, %swap3A_729] {strides = array<i32>} : memref<32x1024xf32, #tpu.memory_space<vmem>>, vector<1x16xf32>,
      %swap3A_731 = vector.shape_cast %swap3A_730 : vector<1x16xf32> to vector<16xf32>
      %swap3A_732 = vector.shape_cast %add3A_727 : vector<16xf32> to vector<1x16xf32>
      tpu.vector_store %arg9[%swap3A_728, %swap3A_729], %swap3A_732 {strides = array<i32>} : memref<32x1024xf32, #tpu.memory_space<vmem>>, vector<1x16xf32>,
      %get3A_733 = arith.index_cast %scan3A_75 : i32 to index
      %get3A_734 = arith.constant 752 : index
      %get3A_735 = tpu.vector_load %arg9[%get3A_733, %get3A_734] {strides = array<i32>} : memref<32x1024xf32, #tpu.memory_space<vmem>>, vector<1x16xf32>,
      %get3A_736 = vector.shape_cast %get3A_735 : vector<1x16xf32> to vector<16xf32>
      %get3A_737 = arith.index_cast %scan3A_75 : i32 to index
      %get3A_738 = arith.constant 752 : index
      %get3A_739 = tpu.vector_load %arg8[%get3A_737, %get3A_738] {strides = array<i32>} : memref<32x1024xf32, #tpu.memory_space<vmem>>, vector<1x16xf32>,
      %get3A_740 = vector.shape_cast %get3A_739 : vector<1x16xf32> to vector<16xf32>
      %add3A_741 = arith.addf %get3A_736, %get3A_740 : vector<16xf32>
      %swap3A_742 = arith.index_cast %scan3A_75 : i32 to index
      %swap3A_743 = arith.constant 752 : index
      %swap3A_744 = tpu.vector_load %arg9[%swap3A_742, %swap3A_743] {strides = array<i32>} : memref<32x1024xf32, #tpu.memory_space<vmem>>, vector<1x16xf32>,
      %swap3A_745 = vector.shape_cast %swap3A_744 : vector<1x16xf32> to vector<16xf32>
      %swap3A_746 = vector.shape_cast %add3A_741 : vector<16xf32> to vector<1x16xf32>
      tpu.vector_store %arg9[%swap3A_742, %swap3A_743], %swap3A_746 {strides = array<i32>} : memref<32x1024xf32, #tpu.memory_space<vmem>>, vector<1x16xf32>,
      %get3A_747 = arith.index_cast %scan3A_75 : i32 to index
      %get3A_748 = arith.constant 768 : index
      %get3A_749 = tpu.vector_load %arg9[%get3A_747, %get3A_748] {strides = array<i32>} : memref<32x1024xf32, #tpu.memory_space<vmem>>, vector<1x16xf32>,
      %get3A_750 = vector.shape_cast %get3A_749 : vector<1x16xf32> to vector<16xf32>
      %get3A_751 = arith.index_cast %scan3A_75 : i32 to index
      %get3A_752 = arith.constant 768 : index
      %get3A_753 = tpu.vector_load %arg8[%get3A_751, %get3A_752] {strides = array<i32>} : memref<32x1024xf32, #tpu.memory_space<vmem>>, vector<1x16xf32>,
      %get3A_754 = vector.shape_cast %get3A_753 : vector<1x16xf32> to vector<16xf32>
      %add3A_755 = arith.addf %get3A_750, %get3A_754 : vector<16xf32>
      %swap3A_756 = arith.index_cast %scan3A_75 : i32 to index
      %swap3A_757 = arith.constant 768 : index
      %swap3A_758 = tpu.vector_load %arg9[%swap3A_756, %swap3A_757] {strides = array<i32>} : memref<32x1024xf32, #tpu.memory_space<vmem>>, vector<1x16xf32>,
      %swap3A_759 = vector.shape_cast %swap3A_758 : vector<1x16xf32> to vector<16xf32>
      %swap3A_760 = vector.shape_cast %add3A_755 : vector<16xf32> to vector<1x16xf32>
      tpu.vector_store %arg9[%swap3A_756, %swap3A_757], %swap3A_760 {strides = array<i32>} : memref<32x1024xf32, #tpu.memory_space<vmem>>, vector<1x16xf32>,
      %get3A_761 = arith.index_cast %scan3A_75 : i32 to index
      %get3A_762 = arith.constant 784 : index
      %get3A_763 = tpu.vector_load %arg9[%get3A_761, %get3A_762] {strides = array<i32>} : memref<32x1024xf32, #tpu.memory_space<vmem>>, vector<1x16xf32>,
      %get3A_764 = vector.shape_cast %get3A_763 : vector<1x16xf32> to vector<16xf32>
      %get3A_765 = arith.index_cast %scan3A_75 : i32 to index
      %get3A_766 = arith.constant 784 : index
      %get3A_767 = tpu.vector_load %arg8[%get3A_765, %get3A_766] {strides = array<i32>} : memref<32x1024xf32, #tpu.memory_space<vmem>>, vector<1x16xf32>,
      %get3A_768 = vector.shape_cast %get3A_767 : vector<1x16xf32> to vector<16xf32>
      %add3A_769 = arith.addf %get3A_764, %get3A_768 : vector<16xf32>
      %swap3A_770 = arith.index_cast %scan3A_75 : i32 to index
      %swap3A_771 = arith.constant 784 : index
      %swap3A_772 = tpu.vector_load %arg9[%swap3A_770, %swap3A_771] {strides = array<i32>} : memref<32x1024xf32, #tpu.memory_space<vmem>>, vector<1x16xf32>,
      %swap3A_773 = vector.shape_cast %swap3A_772 : vector<1x16xf32> to vector<16xf32>
      %swap3A_774 = vector.shape_cast %add3A_769 : vector<16xf32> to vector<1x16xf32>
      tpu.vector_store %arg9[%swap3A_770, %swap3A_771], %swap3A_774 {strides = array<i32>} : memref<32x1024xf32, #tpu.memory_space<vmem>>, vector<1x16xf32>,
      %get3A_775 = arith.index_cast %scan3A_75 : i32 to index
      %get3A_776 = arith.constant 800 : index
      %get3A_777 = tpu.vector_load %arg9[%get3A_775, %get3A_776] {strides = array<i32>} : memref<32x1024xf32, #tpu.memory_space<vmem>>, vector<1x16xf32>,
      %get3A_778 = vector.shape_cast %get3A_777 : vector<1x16xf32> to vector<16xf32>
      %get3A_779 = arith.index_cast %scan3A_75 : i32 to index
      %get3A_780 = arith.constant 800 : index
      %get3A_781 = tpu.vector_load %arg8[%get3A_779, %get3A_780] {strides = array<i32>} : memref<32x1024xf32, #tpu.memory_space<vmem>>, vector<1x16xf32>,
      %get3A_782 = vector.shape_cast %get3A_781 : vector<1x16xf32> to vector<16xf32>
      %add3A_783 = arith.addf %get3A_778, %get3A_782 : vector<16xf32>
      %swap3A_784 = arith.index_cast %scan3A_75 : i32 to index
      %swap3A_785 = arith.constant 800 : index
      %swap3A_786 = tpu.vector_load %arg9[%swap3A_784, %swap3A_785] {strides = array<i32>} : memref<32x1024xf32, #tpu.memory_space<vmem>>, vector<1x16xf32>,
      %swap3A_787 = vector.shape_cast %swap3A_786 : vector<1x16xf32> to vector<16xf32>
      %swap3A_788 = vector.shape_cast %add3A_783 : vector<16xf32> to vector<1x16xf32>
      tpu.vector_store %arg9[%swap3A_784, %swap3A_785], %swap3A_788 {strides = array<i32>} : memref<32x1024xf32, #tpu.memory_space<vmem>>, vector<1x16xf32>,
      %get3A_789 = arith.index_cast %scan3A_75 : i32 to index
      %get3A_790 = arith.constant 816 : index
      %get3A_791 = tpu.vector_load %arg9[%get3A_789, %get3A_790] {strides = array<i32>} : memref<32x1024xf32, #tpu.memory_space<vmem>>, vector<1x16xf32>,
      %get3A_792 = vector.shape_cast %get3A_791 : vector<1x16xf32> to vector<16xf32>
      %get3A_793 = arith.index_cast %scan3A_75 : i32 to index
      %get3A_794 = arith.constant 816 : index
      %get3A_795 = tpu.vector_load %arg8[%get3A_793, %get3A_794] {strides = array<i32>} : memref<32x1024xf32, #tpu.memory_space<vmem>>, vector<1x16xf32>,
      %get3A_796 = vector.shape_cast %get3A_795 : vector<1x16xf32> to vector<16xf32>
      %add3A_797 = arith.addf %get3A_792, %get3A_796 : vector<16xf32>
      %swap3A_798 = arith.index_cast %scan3A_75 : i32 to index
      %swap3A_799 = arith.constant 816 : index
      %swap3A_800 = tpu.vector_load %arg9[%swap3A_798, %swap3A_799] {strides = array<i32>} : memref<32x1024xf32, #tpu.memory_space<vmem>>, vector<1x16xf32>,
      %swap3A_801 = vector.shape_cast %swap3A_800 : vector<1x16xf32> to vector<16xf32>
      %swap3A_802 = vector.shape_cast %add3A_797 : vector<16xf32> to vector<1x16xf32>
      tpu.vector_store %arg9[%swap3A_798, %swap3A_799], %swap3A_802 {strides = array<i32>} : memref<32x1024xf32, #tpu.memory_space<vmem>>, vector<1x16xf32>,
      %get3A_803 = arith.index_cast %scan3A_75 : i32 to index
      %get3A_804 = arith.constant 832 : index
      %get3A_805 = tpu.vector_load %arg9[%get3A_803, %get3A_804] {strides = array<i32>} : memref<32x1024xf32, #tpu.memory_space<vmem>>, vector<1x16xf32>,
      %get3A_806 = vector.shape_cast %get3A_805 : vector<1x16xf32> to vector<16xf32>
      %get3A_807 = arith.index_cast %scan3A_75 : i32 to index
      %get3A_808 = arith.constant 832 : index
      %get3A_809 = tpu.vector_load %arg8[%get3A_807, %get3A_808] {strides = array<i32>} : memref<32x1024xf32, #tpu.memory_space<vmem>>, vector<1x16xf32>,
      %get3A_810 = vector.shape_cast %get3A_809 : vector<1x16xf32> to vector<16xf32>
      %add3A_811 = arith.addf %get3A_806, %get3A_810 : vector<16xf32>
      %swap3A_812 = arith.index_cast %scan3A_75 : i32 to index
      %swap3A_813 = arith.constant 832 : index
      %swap3A_814 = tpu.vector_load %arg9[%swap3A_812, %swap3A_813] {strides = array<i32>} : memref<32x1024xf32, #tpu.memory_space<vmem>>, vector<1x16xf32>,
      %swap3A_815 = vector.shape_cast %swap3A_814 : vector<1x16xf32> to vector<16xf32>
      %swap3A_816 = vector.shape_cast %add3A_811 : vector<16xf32> to vector<1x16xf32>
      tpu.vector_store %arg9[%swap3A_812, %swap3A_813], %swap3A_816 {strides = array<i32>} : memref<32x1024xf32, #tpu.memory_space<vmem>>, vector<1x16xf32>,
      %get3A_817 = arith.index_cast %scan3A_75 : i32 to index
      %get3A_818 = arith.constant 848 : index
      %get3A_819 = tpu.vector_load %arg9[%get3A_817, %get3A_818] {strides = array<i32>} : memref<32x1024xf32, #tpu.memory_space<vmem>>, vector<1x16xf32>,
      %get3A_820 = vector.shape_cast %get3A_819 : vector<1x16xf32> to vector<16xf32>
      %get3A_821 = arith.index_cast %scan3A_75 : i32 to index
      %get3A_822 = arith.constant 848 : index
      %get3A_823 = tpu.vector_load %arg8[%get3A_821, %get3A_822] {strides = array<i32>} : memref<32x1024xf32, #tpu.memory_space<vmem>>, vector<1x16xf32>,
      %get3A_824 = vector.shape_cast %get3A_823 : vector<1x16xf32> to vector<16xf32>
      %add3A_825 = arith.addf %get3A_820, %get3A_824 : vector<16xf32>
      %swap3A_826 = arith.index_cast %scan3A_75 : i32 to index
      %swap3A_827 = arith.constant 848 : index
      %swap3A_828 = tpu.vector_load %arg9[%swap3A_826, %swap3A_827] {strides = array<i32>} : memref<32x1024xf32, #tpu.memory_space<vmem>>, vector<1x16xf32>,
      %swap3A_829 = vector.shape_cast %swap3A_828 : vector<1x16xf32> to vector<16xf32>
      %swap3A_830 = vector.shape_cast %add3A_825 : vector<16xf32> to vector<1x16xf32>
      tpu.vector_store %arg9[%swap3A_826, %swap3A_827], %swap3A_830 {strides = array<i32>} : memref<32x1024xf32, #tpu.memory_space<vmem>>, vector<1x16xf32>,
      %get3A_831 = arith.index_cast %scan3A_75 : i32 to index
      %get3A_832 = arith.constant 864 : index
      %get3A_833 = tpu.vector_load %arg9[%get3A_831, %get3A_832] {strides = array<i32>} : memref<32x1024xf32, #tpu.memory_space<vmem>>, vector<1x16xf32>,
      %get3A_834 = vector.shape_cast %get3A_833 : vector<1x16xf32> to vector<16xf32>
      %get3A_835 = arith.index_cast %scan3A_75 : i32 to index
      %get3A_836 = arith.constant 864 : index
      %get3A_837 = tpu.vector_load %arg8[%get3A_835, %get3A_836] {strides = array<i32>} : memref<32x1024xf32, #tpu.memory_space<vmem>>, vector<1x16xf32>,
      %get3A_838 = vector.shape_cast %get3A_837 : vector<1x16xf32> to vector<16xf32>
      %add3A_839 = arith.addf %get3A_834, %get3A_838 : vector<16xf32>
      %swap3A_840 = arith.index_cast %scan3A_75 : i32 to index
      %swap3A_841 = arith.constant 864 : index
      %swap3A_842 = tpu.vector_load %arg9[%swap3A_840, %swap3A_841] {strides = array<i32>} : memref<32x1024xf32, #tpu.memory_space<vmem>>, vector<1x16xf32>,
      %swap3A_843 = vector.shape_cast %swap3A_842 : vector<1x16xf32> to vector<16xf32>
      %swap3A_844 = vector.shape_cast %add3A_839 : vector<16xf32> to vector<1x16xf32>
      tpu.vector_store %arg9[%swap3A_840, %swap3A_841], %swap3A_844 {strides = array<i32>} : memref<32x1024xf32, #tpu.memory_space<vmem>>, vector<1x16xf32>,
      %get3A_845 = arith.index_cast %scan3A_75 : i32 to index
      %get3A_846 = arith.constant 880 : index
      %get3A_847 = tpu.vector_load %arg9[%get3A_845, %get3A_846] {strides = array<i32>} : memref<32x1024xf32, #tpu.memory_space<vmem>>, vector<1x16xf32>,
      %get3A_848 = vector.shape_cast %get3A_847 : vector<1x16xf32> to vector<16xf32>
      %get3A_849 = arith.index_cast %scan3A_75 : i32 to index
      %get3A_850 = arith.constant 880 : index
      %get3A_851 = tpu.vector_load %arg8[%get3A_849, %get3A_850] {strides = array<i32>} : memref<32x1024xf32, #tpu.memory_space<vmem>>, vector<1x16xf32>,
      %get3A_852 = vector.shape_cast %get3A_851 : vector<1x16xf32> to vector<16xf32>
      %add3A_853 = arith.addf %get3A_848, %get3A_852 : vector<16xf32>
      %swap3A_854 = arith.index_cast %scan3A_75 : i32 to index
      %swap3A_855 = arith.constant 880 : index
      %swap3A_856 = tpu.vector_load %arg9[%swap3A_854, %swap3A_855] {strides = array<i32>} : memref<32x1024xf32, #tpu.memory_space<vmem>>, vector<1x16xf32>,
      %swap3A_857 = vector.shape_cast %swap3A_856 : vector<1x16xf32> to vector<16xf32>
      %swap3A_858 = vector.shape_cast %add3A_853 : vector<16xf32> to vector<1x16xf32>
      tpu.vector_store %arg9[%swap3A_854, %swap3A_855], %swap3A_858 {strides = array<i32>} : memref<32x1024xf32, #tpu.memory_space<vmem>>, vector<1x16xf32>,
      %get3A_859 = arith.index_cast %scan3A_75 : i32 to index
      %get3A_860 = arith.constant 896 : index
      %get3A_861 = tpu.vector_load %arg9[%get3A_859, %get3A_860] {strides = array<i32>} : memref<32x1024xf32, #tpu.memory_space<vmem>>, vector<1x16xf32>,
      %get3A_862 = vector.shape_cast %get3A_861 : vector<1x16xf32> to vector<16xf32>
      %get3A_863 = arith.index_cast %scan3A_75 : i32 to index
      %get3A_864 = arith.constant 896 : index
      %get3A_865 = tpu.vector_load %arg8[%get3A_863, %get3A_864] {strides = array<i32>} : memref<32x1024xf32, #tpu.memory_space<vmem>>, vector<1x16xf32>,
      %get3A_866 = vector.shape_cast %get3A_865 : vector<1x16xf32> to vector<16xf32>
      %add3A_867 = arith.addf %get3A_862, %get3A_866 : vector<16xf32>
      %swap3A_868 = arith.index_cast %scan3A_75 : i32 to index
      %swap3A_869 = arith.constant 896 : index
      %swap3A_870 = tpu.vector_load %arg9[%swap3A_868, %swap3A_869] {strides = array<i32>} : memref<32x1024xf32, #tpu.memory_space<vmem>>, vector<1x16xf32>,
      %swap3A_871 = vector.shape_cast %swap3A_870 : vector<1x16xf32> to vector<16xf32>
      %swap3A_872 = vector.shape_cast %add3A_867 : vector<16xf32> to vector<1x16xf32>
      tpu.vector_store %arg9[%swap3A_868, %swap3A_869], %swap3A_872 {strides = array<i32>} : memref<32x1024xf32, #tpu.memory_space<vmem>>, vector<1x16xf32>,
      %get3A_873 = arith.index_cast %scan3A_75 : i32 to index
      %get3A_874 = arith.constant 912 : index
      %get3A_875 = tpu.vector_load %arg9[%get3A_873, %get3A_874] {strides = array<i32>} : memref<32x1024xf32, #tpu.memory_space<vmem>>, vector<1x16xf32>,
      %get3A_876 = vector.shape_cast %get3A_875 : vector<1x16xf32> to vector<16xf32>
      %get3A_877 = arith.index_cast %scan3A_75 : i32 to index
      %get3A_878 = arith.constant 912 : index
      %get3A_879 = tpu.vector_load %arg8[%get3A_877, %get3A_878] {strides = array<i32>} : memref<32x1024xf32, #tpu.memory_space<vmem>>, vector<1x16xf32>,
      %get3A_880 = vector.shape_cast %get3A_879 : vector<1x16xf32> to vector<16xf32>
      %add3A_881 = arith.addf %get3A_876, %get3A_880 : vector<16xf32>
      %swap3A_882 = arith.index_cast %scan3A_75 : i32 to index
      %swap3A_883 = arith.constant 912 : index
      %swap3A_884 = tpu.vector_load %arg9[%swap3A_882, %swap3A_883] {strides = array<i32>} : memref<32x1024xf32, #tpu.memory_space<vmem>>, vector<1x16xf32>,
      %swap3A_885 = vector.shape_cast %swap3A_884 : vector<1x16xf32> to vector<16xf32>
      %swap3A_886 = vector.shape_cast %add3A_881 : vector<16xf32> to vector<1x16xf32>
      tpu.vector_store %arg9[%swap3A_882, %swap3A_883], %swap3A_886 {strides = array<i32>} : memref<32x1024xf32, #tpu.memory_space<vmem>>, vector<1x16xf32>,
      %get3A_887 = arith.index_cast %scan3A_75 : i32 to index
      %get3A_888 = arith.constant 928 : index
      %get3A_889 = tpu.vector_load %arg9[%get3A_887, %get3A_888] {strides = array<i32>} : memref<32x1024xf32, #tpu.memory_space<vmem>>, vector<1x16xf32>,
      %get3A_890 = vector.shape_cast %get3A_889 : vector<1x16xf32> to vector<16xf32>
      %get3A_891 = arith.index_cast %scan3A_75 : i32 to index
      %get3A_892 = arith.constant 928 : index
      %get3A_893 = tpu.vector_load %arg8[%get3A_891, %get3A_892] {strides = array<i32>} : memref<32x1024xf32, #tpu.memory_space<vmem>>, vector<1x16xf32>,
      %get3A_894 = vector.shape_cast %get3A_893 : vector<1x16xf32> to vector<16xf32>
      %add3A_895 = arith.addf %get3A_890, %get3A_894 : vector<16xf32>
      %swap3A_896 = arith.index_cast %scan3A_75 : i32 to index
      %swap3A_897 = arith.constant 928 : index
      %swap3A_898 = tpu.vector_load %arg9[%swap3A_896, %swap3A_897] {strides = array<i32>} : memref<32x1024xf32, #tpu.memory_space<vmem>>, vector<1x16xf32>,
      %swap3A_899 = vector.shape_cast %swap3A_898 : vector<1x16xf32> to vector<16xf32>
      %swap3A_900 = vector.shape_cast %add3A_895 : vector<16xf32> to vector<1x16xf32>
      tpu.vector_store %arg9[%swap3A_896, %swap3A_897], %swap3A_900 {strides = array<i32>} : memref<32x1024xf32, #tpu.memory_space<vmem>>, vector<1x16xf32>,
      %get3A_901 = arith.index_cast %scan3A_75 : i32 to index
      %get3A_902 = arith.constant 944 : index
      %get3A_903 = tpu.vector_load %arg9[%get3A_901, %get3A_902] {strides = array<i32>} : memref<32x1024xf32, #tpu.memory_space<vmem>>, vector<1x16xf32>,
      %get3A_904 = vector.shape_cast %get3A_903 : vector<1x16xf32> to vector<16xf32>
      %get3A_905 = arith.index_cast %scan3A_75 : i32 to index
      %get3A_906 = arith.constant 944 : index
      %get3A_907 = tpu.vector_load %arg8[%get3A_905, %get3A_906] {strides = array<i32>} : memref<32x1024xf32, #tpu.memory_space<vmem>>, vector<1x16xf32>,
      %get3A_908 = vector.shape_cast %get3A_907 : vector<1x16xf32> to vector<16xf32>
      %add3A_909 = arith.addf %get3A_904, %get3A_908 : vector<16xf32>
      %swap3A_910 = arith.index_cast %scan3A_75 : i32 to index
      %swap3A_911 = arith.constant 944 : index
      %swap3A_912 = tpu.vector_load %arg9[%swap3A_910, %swap3A_911] {strides = array<i32>} : memref<32x1024xf32, #tpu.memory_space<vmem>>, vector<1x16xf32>,
      %swap3A_913 = vector.shape_cast %swap3A_912 : vector<1x16xf32> to vector<16xf32>
      %swap3A_914 = vector.shape_cast %add3A_909 : vector<16xf32> to vector<1x16xf32>
      tpu.vector_store %arg9[%swap3A_910, %swap3A_911], %swap3A_914 {strides = array<i32>} : memref<32x1024xf32, #tpu.memory_space<vmem>>, vector<1x16xf32>,
      %get3A_915 = arith.index_cast %scan3A_75 : i32 to index
      %get3A_916 = arith.constant 960 : index
      %get3A_917 = tpu.vector_load %arg9[%get3A_915, %get3A_916] {strides = array<i32>} : memref<32x1024xf32, #tpu.memory_space<vmem>>, vector<1x16xf32>,
      %get3A_918 = vector.shape_cast %get3A_917 : vector<1x16xf32> to vector<16xf32>
      %get3A_919 = arith.index_cast %scan3A_75 : i32 to index
      %get3A_920 = arith.constant 960 : index
      %get3A_921 = tpu.vector_load %arg8[%get3A_919, %get3A_920] {strides = array<i32>} : memref<32x1024xf32, #tpu.memory_space<vmem>>, vector<1x16xf32>,
      %get3A_922 = vector.shape_cast %get3A_921 : vector<1x16xf32> to vector<16xf32>
      %add3A_923 = arith.addf %get3A_918, %get3A_922 : vector<16xf32>
      %swap3A_924 = arith.index_cast %scan3A_75 : i32 to index
      %swap3A_925 = arith.constant 960 : index
      %swap3A_926 = tpu.vector_load %arg9[%swap3A_924, %swap3A_925] {strides = array<i32>} : memref<32x1024xf32, #tpu.memory_space<vmem>>, vector<1x16xf32>,
      %swap3A_927 = vector.shape_cast %swap3A_926 : vector<1x16xf32> to vector<16xf32>
      %swap3A_928 = vector.shape_cast %add3A_923 : vector<16xf32> to vector<1x16xf32>
      tpu.vector_store %arg9[%swap3A_924, %swap3A_925], %swap3A_928 {strides = array<i32>} : memref<32x1024xf32, #tpu.memory_space<vmem>>, vector<1x16xf32>,
      %get3A_929 = arith.index_cast %scan3A_75 : i32 to index
      %get3A_930 = arith.constant 976 : index
      %get3A_931 = tpu.vector_load %arg9[%get3A_929, %get3A_930] {strides = array<i32>} : memref<32x1024xf32, #tpu.memory_space<vmem>>, vector<1x16xf32>,
      %get3A_932 = vector.shape_cast %get3A_931 : vector<1x16xf32> to vector<16xf32>
      %get3A_933 = arith.index_cast %scan3A_75 : i32 to index
      %get3A_934 = arith.constant 976 : index
      %get3A_935 = tpu.vector_load %arg8[%get3A_933, %get3A_934] {strides = array<i32>} : memref<32x1024xf32, #tpu.memory_space<vmem>>, vector<1x16xf32>,
      %get3A_936 = vector.shape_cast %get3A_935 : vector<1x16xf32> to vector<16xf32>
      %add3A_937 = arith.addf %get3A_932, %get3A_936 : vector<16xf32>
      %swap3A_938 = arith.index_cast %scan3A_75 : i32 to index
      %swap3A_939 = arith.constant 976 : index
      %swap3A_940 = tpu.vector_load %arg9[%swap3A_938, %swap3A_939] {strides = array<i32>} : memref<32x1024xf32, #tpu.memory_space<vmem>>, vector<1x16xf32>,
      %swap3A_941 = vector.shape_cast %swap3A_940 : vector<1x16xf32> to vector<16xf32>
      %swap3A_942 = vector.shape_cast %add3A_937 : vector<16xf32> to vector<1x16xf32>
      tpu.vector_store %arg9[%swap3A_938, %swap3A_939], %swap3A_942 {strides = array<i32>} : memref<32x1024xf32, #tpu.memory_space<vmem>>, vector<1x16xf32>,
      %get3A_943 = arith.index_cast %scan3A_75 : i32 to index
      %get3A_944 = arith.constant 992 : index
      %get3A_945 = tpu.vector_load %arg9[%get3A_943, %get3A_944] {strides = array<i32>} : memref<32x1024xf32, #tpu.memory_space<vmem>>, vector<1x16xf32>,
      %get3A_946 = vector.shape_cast %get3A_945 : vector<1x16xf32> to vector<16xf32>
      %get3A_947 = arith.index_cast %scan3A_75 : i32 to index
      %get3A_948 = arith.constant 992 : index
      %get3A_949 = tpu.vector_load %arg8[%get3A_947, %get3A_948] {strides = array<i32>} : memref<32x1024xf32, #tpu.memory_space<vmem>>, vector<1x16xf32>,
      %get3A_950 = vector.shape_cast %get3A_949 : vector<1x16xf32> to vector<16xf32>
      %add3A_951 = arith.addf %get3A_946, %get3A_950 : vector<16xf32>
      %swap3A_952 = arith.index_cast %scan3A_75 : i32 to index
      %swap3A_953 = arith.constant 992 : index
      %swap3A_954 = tpu.vector_load %arg9[%swap3A_952, %swap3A_953] {strides = array<i32>} : memref<32x1024xf32, #tpu.memory_space<vmem>>, vector<1x16xf32>,
      %swap3A_955 = vector.shape_cast %swap3A_954 : vector<1x16xf32> to vector<16xf32>
      %swap3A_956 = vector.shape_cast %add3A_951 : vector<16xf32> to vector<1x16xf32>
      tpu.vector_store %arg9[%swap3A_952, %swap3A_953], %swap3A_956 {strides = array<i32>} : memref<32x1024xf32, #tpu.memory_space<vmem>>, vector<1x16xf32>,
      %get3A_957 = arith.index_cast %scan3A_75 : i32 to index
      %get3A_958 = arith.constant 1008 : index
      %get3A_959 = tpu.vector_load %arg9[%get3A_957, %get3A_958] {strides = array<i32>} : memref<32x1024xf32, #tpu.memory_space<vmem>>, vector<1x16xf32>,
      %get3A_960 = vector.shape_cast %get3A_959 : vector<1x16xf32> to vector<16xf32>
      %get3A_961 = arith.index_cast %scan3A_75 : i32 to index
      %get3A_962 = arith.constant 1008 : index
      %get3A_963 = tpu.vector_load %arg8[%get3A_961, %get3A_962] {strides = array<i32>} : memref<32x1024xf32, #tpu.memory_space<vmem>>, vector<1x16xf32>,
      %get3A_964 = vector.shape_cast %get3A_963 : vector<1x16xf32> to vector<16xf32>
      %add3A_965 = arith.addf %get3A_960, %get3A_964 : vector<16xf32>
      %swap3A_966 = arith.index_cast %scan3A_75 : i32 to index
      %swap3A_967 = arith.constant 1008 : index
      %swap3A_968 = tpu.vector_load %arg9[%swap3A_966, %swap3A_967] {strides = array<i32>} : memref<32x1024xf32, #tpu.memory_space<vmem>>, vector<1x16xf32>,
      %swap3A_969 = vector.shape_cast %swap3A_968 : vector<1x16xf32> to vector<16xf32>
      %swap3A_970 = vector.shape_cast %add3A_965 : vector<16xf32> to vector<1x16xf32>
      tpu.vector_store %arg9[%swap3A_966, %swap3A_967], %swap3A_970 {strides = array<i32>} : memref<32x1024xf32, #tpu.memory_space<vmem>>, vector<1x16xf32>,
      %scan3A_971 = arith.constant 0 : i32
      scf.yield %scan3A_971 : i32
    }
    %scan3A_60 = arith.constant 32 : i32
    %add3A_61 = arith.constant 32 : i32
    %add3A_62 = arith.addi %mul3A_2, %add3A_61 : i32
    %dma_start3A_63 = arith.constant 0 : i32
    %dma_start3A_64 = tpu.memref_slice %arg4[%add3A_62, %dma_start3A_63] : memref<2048x1024xf32, #tpu.memory_space<hbm>> -> memref<32x1024xf32, #tpu.memory_space<hbm>>
    %dma_start3A_65 = arith.constant 0 : i32
    %dma_start3A_66 = tpu.memref_slice %arg4[%add3A_62, %dma_start3A_65] : memref<2048x1024xf32, #tpu.memory_space<hbm>> -> memref<32x1024xf32, #tpu.memory_space<hbm>>
    tpu.enqueue_dma source(%arg9 : memref<32x1024xf32, #tpu.memory_space<vmem>>) target(%dma_start3A_66 : memref<32x1024xf32, #tpu.memory_space<hbm>>) target_semaphore(%arg12 : memref<!tpu.dma_semaphore, #tpu.memory_space<semaphore_mem>>)
    %dma_wait3A_67 = arith.constant 0 : i32
    %dma_wait3A_68 = tpu.memref_slice %arg4[%add3A_29, %dma_wait3A_67] : memref<2048x1024xf32, #tpu.memory_space<hbm>> -> memref<32x1024xf32, #tpu.memory_space<hbm>>
    %dma_wait3A_69 = arith.constant 0 : i32
    %dma_wait3A_70 = tpu.memref_slice %arg4[%add3A_29, %dma_wait3A_69] : memref<2048x1024xf32, #tpu.memory_space<hbm>> -> memref<32x1024xf32, #tpu.memory_space<hbm>>
    tpu.wait_dma2 semaphore(%arg12 : memref<!tpu.dma_semaphore, #tpu.memory_space<semaphore_mem>>) src(%arg7 : memref<32x1024xf32, #tpu.memory_space<vmem>>) dst(%dma_wait3A_70 : memref<32x1024xf32, #tpu.memory_space<hbm>>)
    %dma_wait3A_71 = arith.constant 0 : i32
    %dma_wait3A_72 = tpu.memref_slice %arg4[%add3A_62, %dma_wait3A_71] : memref<2048x1024xf32, #tpu.memory_space<hbm>> -> memref<32x1024xf32, #tpu.memory_space<hbm>>
    %dma_wait3A_73 = arith.constant 0 : i32
    %dma_wait3A_74 = tpu.memref_slice %arg4[%add3A_62, %dma_wait3A_73] : memref<2048x1024xf32, #tpu.memory_space<hbm>> -> memref<32x1024xf32, #tpu.memory_space<hbm>>
    tpu.wait_dma2 semaphore(%arg12 : memref<!tpu.dma_semaphore, #tpu.memory_space<semaphore_mem>>) src(%arg9 : memref<32x1024xf32, #tpu.memory_space<vmem>>) dst(%dma_wait3A_74 : memref<32x1024xf32, #tpu.memory_space<hbm>>)
    return
  }
}

#map = affine_map<(d0, d1) -> (0, 0)>
module attributes {stable_mosaic.version = 14 : i64} {
  func.func @dispatch(%arg0: i32, %arg1: i32, %arg2: memref<2048x512xf32, #tpu.memory_space<hbm>>, %arg3: memref<4x2048xi32, #tpu.memory_space<hbm>>, %arg4: memref<5280x512xf32, #tpu.memory_space<hbm>>, %arg5: memref<64xi32, #tpu.memory_space<vmem>>, %arg6: memref<64xi32, #tpu.memory_space<vmem>>, %arg7: memref<64x512xf32, #tpu.memory_space<vmem>>, %arg8: memref<!tpu.dma_semaphore, #tpu.memory_space<semaphore_mem>>, %arg9: memref<!tpu.dma_semaphore, #tpu.memory_space<semaphore_mem>>, %arg10: memref<!tpu.dma_semaphore, #tpu.memory_space<semaphore_mem>>) attributes {dimension_semantics = [#tpu.dimension_semantics<core_parallel>, #tpu.dimension_semantics<subcore_parallel>], iteration_bounds = array<i64: 2, 16>, scalar_prefetch = 0 : i64, scratch_operands = 6 : i64, tpu.core_type = #tpu.core_type<sc_vector_subcore>, window_params = [{transform_indices = #map}, {transform_indices = #map}, {transform_indices = #map}]} {
    %mul3A = arith.constant 2 : i32
    %mul3A_0 = arith.muli %arg1, %mul3A : i32
    %add3A = arith.addi %mul3A_0, %arg0 : i32
    %mul3A_1 = arith.constant 64 : i32
    %mul3A_2 = arith.muli %add3A, %mul3A_1 : i32
    %dma_start3A = arith.constant 0 : i32
    %dma_start3A_3 = tpu.memref_slice %arg2[%mul3A_2, %dma_start3A] : memref<2048x512xf32, #tpu.memory_space<hbm>> -> memref<64x512xf32, #tpu.memory_space<hbm>>
    %dma_start3A_4 = arith.constant 0 : i32
    %dma_start3A_5 = tpu.memref_slice %arg2[%mul3A_2, %dma_start3A_4] : memref<2048x512xf32, #tpu.memory_space<hbm>> -> memref<64x512xf32, #tpu.memory_space<hbm>>
    tpu.enqueue_dma source(%dma_start3A_5 : memref<64x512xf32, #tpu.memory_space<hbm>>) target(%arg7 : memref<64x512xf32, #tpu.memory_space<vmem>>) target_semaphore(%arg8 : memref<!tpu.dma_semaphore, #tpu.memory_space<semaphore_mem>>)
    %run_scoped3A = arith.constant 0 : i32
    "tpu.region"() ({
      %run_scoped3A_22 = tpu.sem_alloc : memref<!tpu.dma_semaphore, #tpu.memory_space<semaphore_mem>>
      %dma_start3A_23 = tpu.memref_slice %arg3[%run_scoped3A, %mul3A_2] : memref<4x2048xi32, #tpu.memory_space<hbm>> -> memref<1x64xi32, #tpu.memory_space<hbm>>
      %dma_start3A_24 = tpu.memref_squeeze %dma_start3A_23 : memref<1x64xi32, #tpu.memory_space<hbm>> -> memref<64xi32, #tpu.memory_space<hbm>>
      %dma_start3A_25 = tpu.memref_slice %arg3[%run_scoped3A, %mul3A_2] : memref<4x2048xi32, #tpu.memory_space<hbm>> -> memref<1x64xi32, #tpu.memory_space<hbm>>
      %dma_start3A_26 = tpu.memref_squeeze %dma_start3A_25 : memref<1x64xi32, #tpu.memory_space<hbm>> -> memref<64xi32, #tpu.memory_space<hbm>>
      tpu.enqueue_dma source(%dma_start3A_26 : memref<64xi32, #tpu.memory_space<hbm>>) target(%arg5 : memref<64xi32, #tpu.memory_space<vmem>>) target_semaphore(%run_scoped3A_22 : memref<!tpu.dma_semaphore, #tpu.memory_space<semaphore_mem>>)
      %dma_wait3A_27 = tpu.memref_slice %arg3[%run_scoped3A, %mul3A_2] : memref<4x2048xi32, #tpu.memory_space<hbm>> -> memref<1x64xi32, #tpu.memory_space<hbm>>
      %dma_wait3A_28 = tpu.memref_squeeze %dma_wait3A_27 : memref<1x64xi32, #tpu.memory_space<hbm>> -> memref<64xi32, #tpu.memory_space<hbm>>
      %dma_wait3A_29 = tpu.memref_slice %arg3[%run_scoped3A, %mul3A_2] : memref<4x2048xi32, #tpu.memory_space<hbm>> -> memref<1x64xi32, #tpu.memory_space<hbm>>
      %dma_wait3A_30 = tpu.memref_squeeze %dma_wait3A_29 : memref<1x64xi32, #tpu.memory_space<hbm>> -> memref<64xi32, #tpu.memory_space<hbm>>
      tpu.wait_dma2 semaphore(%run_scoped3A_22 : memref<!tpu.dma_semaphore, #tpu.memory_space<semaphore_mem>>) src(%dma_wait3A_30 : memref<64xi32, #tpu.memory_space<hbm>>) dst(%arg5 : memref<64xi32, #tpu.memory_space<vmem>>)
      tpu.yield
    }) : () -> ()
    %run_scoped3A_6 = arith.constant 1 : i32
    "tpu.region"() ({
      %run_scoped3A_22 = tpu.sem_alloc : memref<!tpu.dma_semaphore, #tpu.memory_space<semaphore_mem>>
      %dma_start3A_23 = tpu.memref_slice %arg3[%run_scoped3A_6, %mul3A_2] : memref<4x2048xi32, #tpu.memory_space<hbm>> -> memref<1x64xi32, #tpu.memory_space<hbm>>
      %dma_start3A_24 = tpu.memref_squeeze %dma_start3A_23 : memref<1x64xi32, #tpu.memory_space<hbm>> -> memref<64xi32, #tpu.memory_space<hbm>>
      %dma_start3A_25 = tpu.memref_slice %arg3[%run_scoped3A_6, %mul3A_2] : memref<4x2048xi32, #tpu.memory_space<hbm>> -> memref<1x64xi32, #tpu.memory_space<hbm>>
      %dma_start3A_26 = tpu.memref_squeeze %dma_start3A_25 : memref<1x64xi32, #tpu.memory_space<hbm>> -> memref<64xi32, #tpu.memory_space<hbm>>
      tpu.enqueue_dma source(%dma_start3A_26 : memref<64xi32, #tpu.memory_space<hbm>>) target(%arg6 : memref<64xi32, #tpu.memory_space<vmem>>) target_semaphore(%run_scoped3A_22 : memref<!tpu.dma_semaphore, #tpu.memory_space<semaphore_mem>>)
      %dma_wait3A_27 = tpu.memref_slice %arg3[%run_scoped3A_6, %mul3A_2] : memref<4x2048xi32, #tpu.memory_space<hbm>> -> memref<1x64xi32, #tpu.memory_space<hbm>>
      %dma_wait3A_28 = tpu.memref_squeeze %dma_wait3A_27 : memref<1x64xi32, #tpu.memory_space<hbm>> -> memref<64xi32, #tpu.memory_space<hbm>>
      %dma_wait3A_29 = tpu.memref_slice %arg3[%run_scoped3A_6, %mul3A_2] : memref<4x2048xi32, #tpu.memory_space<hbm>> -> memref<1x64xi32, #tpu.memory_space<hbm>>
      %dma_wait3A_30 = tpu.memref_squeeze %dma_wait3A_29 : memref<1x64xi32, #tpu.memory_space<hbm>> -> memref<64xi32, #tpu.memory_space<hbm>>
      tpu.wait_dma2 semaphore(%run_scoped3A_22 : memref<!tpu.dma_semaphore, #tpu.memory_space<semaphore_mem>>) src(%dma_wait3A_30 : memref<64xi32, #tpu.memory_space<hbm>>) dst(%arg6 : memref<64xi32, #tpu.memory_space<vmem>>)
      tpu.yield
    }) : () -> ()
    %dma_wait3A = arith.constant 0 : i32
    %dma_wait3A_7 = tpu.memref_slice %arg2[%mul3A_2, %dma_wait3A] : memref<2048x512xf32, #tpu.memory_space<hbm>> -> memref<64x512xf32, #tpu.memory_space<hbm>>
    %dma_wait3A_8 = arith.constant 0 : i32
    %dma_wait3A_9 = tpu.memref_slice %arg2[%mul3A_2, %dma_wait3A_8] : memref<2048x512xf32, #tpu.memory_space<hbm>> -> memref<64x512xf32, #tpu.memory_space<hbm>>
    tpu.wait_dma2 semaphore(%arg8 : memref<!tpu.dma_semaphore, #tpu.memory_space<semaphore_mem>>) src(%dma_wait3A_9 : memref<64x512xf32, #tpu.memory_space<hbm>>) dst(%arg7 : memref<64x512xf32, #tpu.memory_space<vmem>>)
    %dma_start3A_10 = arith.constant 0 : i32
    %dma_start3A_11 = arith.constant 0 : i32
    %dma_start3A_12 = tpu.memref_slice %arg4[%dma_start3A_10, %dma_start3A_11] : memref<5280x512xf32, #tpu.memory_space<hbm>> -> memref<5280x512xf32, #tpu.memory_space<hbm>>
    tpu.enqueue_indirect_dma source(%arg7 : memref<64x512xf32, #tpu.memory_space<vmem>>) target(%dma_start3A_12 : memref<5280x512xf32, #tpu.memory_space<hbm>>) offsets(%arg5 : memref<64xi32, #tpu.memory_space<vmem>>) semaphore(%arg9 : memref<!tpu.dma_semaphore, #tpu.memory_space<semaphore_mem>>)
    %dma_start3A_13 = arith.constant 0 : i32
    %dma_start3A_14 = arith.constant 0 : i32
    %dma_start3A_15 = tpu.memref_slice %arg4[%dma_start3A_13, %dma_start3A_14] : memref<5280x512xf32, #tpu.memory_space<hbm>> -> memref<5280x512xf32, #tpu.memory_space<hbm>>
    tpu.enqueue_indirect_dma source(%arg7 : memref<64x512xf32, #tpu.memory_space<vmem>>) target(%dma_start3A_15 : memref<5280x512xf32, #tpu.memory_space<hbm>>) offsets(%arg6 : memref<64xi32, #tpu.memory_space<vmem>>) semaphore(%arg10 : memref<!tpu.dma_semaphore, #tpu.memory_space<semaphore_mem>>)
    %dma_wait3A_16 = arith.constant 0 : i32
    %dma_wait3A_17 = arith.constant 0 : i32
    %dma_wait3A_18 = tpu.memref_slice %arg4[%dma_wait3A_16, %dma_wait3A_17] : memref<5280x512xf32, #tpu.memory_space<hbm>> -> memref<5280x512xf32, #tpu.memory_space<hbm>>
    tpu.wait_indirect_dma semaphore(%arg9 : memref<!tpu.dma_semaphore, #tpu.memory_space<semaphore_mem>>) src(%arg7 : memref<64x512xf32, #tpu.memory_space<vmem>>) dst(%dma_wait3A_18 : memref<5280x512xf32, #tpu.memory_space<hbm>>)
    %dma_wait3A_19 = arith.constant 0 : i32
    %dma_wait3A_20 = arith.constant 0 : i32
    %dma_wait3A_21 = tpu.memref_slice %arg4[%dma_wait3A_19, %dma_wait3A_20] : memref<5280x512xf32, #tpu.memory_space<hbm>> -> memref<5280x512xf32, #tpu.memory_space<hbm>>
    tpu.wait_indirect_dma semaphore(%arg10 : memref<!tpu.dma_semaphore, #tpu.memory_space<semaphore_mem>>) src(%arg7 : memref<64x512xf32, #tpu.memory_space<vmem>>) dst(%dma_wait3A_21 : memref<5280x512xf32, #tpu.memory_space<hbm>>)
    return
  }
}

module attributes {stable_mosaic.version = 14 : i64} {
  func.func @_ffn_body(%arg0: i32, %arg1: memref<160x512xf32, #tpu.memory_space<vmem>>, %arg2: memref<2x1024x512xf32, #tpu.memory_space<vmem>>, %arg3: memref<2x512x1024xf32, #tpu.memory_space<vmem>>, %arg4: memref<1x2x80xf32, #tpu.memory_space<vmem>>, %arg5: memref<160x1024xf32, #tpu.memory_space<vmem>>) attributes {dimension_semantics = [#tpu.dimension_semantics<arbitrary>], iteration_bounds = array<i64: 33>, scalar_prefetch = 0 : i64, scratch_operands = 0 : i64, tpu.core_type = #tpu.core_type<tc>, window_params = [{transform_indices = @transform_0, window_bounds = array<i64: 160, 512>}, {transform_indices = @transform_1, window_bounds = array<i64: 2, 1024, 512>}, {transform_indices = @transform_2, window_bounds = array<i64: 2, 512, 1024>}, {transform_indices = @transform_3, window_bounds = array<i64: 1, 2, 80>}, {transform_indices = @transform_4, window_bounds = array<i64: 160, 1024>}]} {
    %get3A = arith.constant 0 : index
    %get3A_0 = arith.constant 0 : index
    %get3A_1 = vector.load %arg1[%get3A, %get3A_0] : memref<160x512xf32, #tpu.memory_space<vmem>>, vector<80x512xf32>
    %bitcast_convert_type3A = tpu.bitcast %get3A_1 : vector<80x512xf32> -> vector<80x512xi32>
    %and3A = arith.constant 65535 : i32
    %and3A_2 = vector.broadcast %and3A : i32 to vector<80x512xi32>
    %and3A_3 = arith.andi %bitcast_convert_type3A, %and3A_2 : vector<80x512xi32>
    %convert_element_type3A = arith.trunci %and3A_3 : vector<80x512xi32> to vector<80x512xi16>
    %bitcast_convert_type3A_4 = tpu.bitcast %convert_element_type3A : vector<80x512xi16> -> vector<80x512xbf16>
    %shift_right_logical3A = arith.constant 16 : i32
    %shift_right_logical3A_5 = vector.broadcast %shift_right_logical3A : i32 to vector<80x512xi32>
    %shift_right_logical3A_6 = arith.shrui %bitcast_convert_type3A, %shift_right_logical3A_5 : vector<80x512xi32>
    %convert_element_type3A_7 = arith.trunci %shift_right_logical3A_6 : vector<80x512xi32> to vector<80x512xi16>
    %bitcast_convert_type3A_8 = tpu.bitcast %convert_element_type3A_7 : vector<80x512xi16> -> vector<80x512xbf16>
    %convert_element_type3A_9 = arith.extf %bitcast_convert_type3A_4 : vector<80x512xbf16> to vector<80x512xf32>
    %convert_element_type3A_10 = arith.extf %bitcast_convert_type3A_8 : vector<80x512xbf16> to vector<80x512xf32>
    %concatenate3A = tpu.concatenate %convert_element_type3A_9, %convert_element_type3A_10 in 1 : vector<80x512xf32>, vector<80x512xf32> -> vector<80x1024xf32>
    %abs3A = math.absf %concatenate3A : vector<80x1024xf32>
    %lt3A = arith.constant 1.000000e+30 : f32
    %lt3A_11 = vector.broadcast %lt3A : f32 to vector<80x1024xf32>
    %lt3A_12 = arith.cmpf olt, %abs3A, %lt3A_11 : vector<80x1024xf32>
    %jit3A = arith.constant 0.000000e+00 : f32
    %broadcast_in_dim3A = vector.broadcast %jit3A : f32 to vector<80x1024xf32>
    %select_n3A = arith.select %lt3A_12, %concatenate3A, %broadcast_in_dim3A : vector<80x1024xi1>, vector<80x1024xf32>
    %get3A_13 = arith.constant 0 : index
    %get3A_14 = arith.constant 0 : index
    %get3A_15 = arith.constant 0 : index
    %get3A_16 = vector.load %arg2[%get3A_13, %get3A_14, %get3A_15] : memref<2x1024x512xf32, #tpu.memory_space<vmem>>, vector<1x1024x512xf32>
    %get3A_17 = vector.shape_cast %get3A_16 : vector<1x1024x512xf32> to vector<1024x512xf32>
    %dot_general3A = arith.constant dense<0.000000e+00> : vector<80x512xf32>
    %dot_general3A_18 = tpu.matmul %select_n3A, %get3A_17, %dot_general3A {dimension_numbers = #tpu.dot_dimension_numbers<[1], [0], [0], [1], [0, 0, 1, 1], [], []>, transpose_lhs_hint = false} : vector<80x1024xf32>, vector<1024x512xf32>, vector<80x512xf32> -> vector<80x512xf32>
    %logistic3A = arith.negf %dot_general3A_18 : vector<80x512xf32>
    %logistic3A_19 = math.exp %logistic3A : vector<80x512xf32>
    %logistic3A_20 = arith.constant 1.000000e+00 : f32
    %logistic3A_21 = vector.broadcast %logistic3A_20 : f32 to vector<80x512xf32>
    %logistic3A_22 = arith.addf %logistic3A_21, %logistic3A_19 : vector<80x512xf32>
    %logistic3A_23 = arith.divf %logistic3A_21, %logistic3A_22 : vector<80x512xf32>
    %mul3A = arith.mulf %dot_general3A_18, %logistic3A_23 : vector<80x512xf32>
    %get3A_24 = arith.constant 0 : index
    %get3A_25 = arith.constant 0 : index
    %get3A_26 = arith.constant 0 : index
    %get3A_27 = vector.load %arg3[%get3A_24, %get3A_25, %get3A_26] : memref<2x512x1024xf32, #tpu.memory_space<vmem>>, vector<1x512x1024xf32>
    %get3A_28 = vector.shape_cast %get3A_27 : vector<1x512x1024xf32> to vector<512x1024xf32>
    %dot_general3A_29 = arith.constant dense<0.000000e+00> : vector<80x1024xf32>
    %dot_general3A_30 = tpu.matmul %mul3A, %get3A_28, %dot_general3A_29 {dimension_numbers = #tpu.dot_dimension_numbers<[1], [0], [0], [1], [0, 0, 1, 1], [], []>, transpose_lhs_hint = false} : vector<80x512xf32>, vector<512x1024xf32>, vector<80x1024xf32> -> vector<80x1024xf32>
    %get3A_31 = arith.constant 0 : index
    %get3A_32 = arith.constant 0 : index
    %get3A_33 = arith.constant 0 : index
    %get3A_34 = vector.load %arg4[%get3A_31, %get3A_32, %get3A_33] : memref<1x2x80xf32, #tpu.memory_space<vmem>>, vector<1x1x80xf32>
    %get3A_35 = vector.shape_cast %get3A_34 : vector<1x1x80xf32> to vector<80xf32>
    %broadcast_in_dim3A_36 = vector.shape_cast %get3A_35 : vector<80xf32> to vector<80x1xf32>
    %mul3A_37 = vector.broadcast %broadcast_in_dim3A_36 : vector<80x1xf32> to vector<80x1024xf32>
    %mul3A_38 = arith.mulf %dot_general3A_30, %mul3A_37 : vector<80x1024xf32>
    %swap3A = arith.constant 0 : index
    %swap3A_39 = arith.constant 0 : index
    %swap3A_40 = vector.load %arg5[%swap3A, %swap3A_39] : memref<160x1024xf32, #tpu.memory_space<vmem>>, vector<80x1024xf32>
    tpu.vector_store %arg5[%swap3A, %swap3A_39], %mul3A_38 {strides = array<i32>} : memref<160x1024xf32, #tpu.memory_space<vmem>>, vector<80x1024xf32>,
    %get3A_41 = arith.constant 80 : index
    %get3A_42 = arith.constant 0 : index
    %get3A_43 = vector.load %arg1[%get3A_41, %get3A_42] : memref<160x512xf32, #tpu.memory_space<vmem>>, vector<80x512xf32>
    %bitcast_convert_type3A_44 = tpu.bitcast %get3A_43 : vector<80x512xf32> -> vector<80x512xi32>
    %and3A_45 = arith.constant 65535 : i32
    %and3A_46 = vector.broadcast %and3A_45 : i32 to vector<80x512xi32>
    %and3A_47 = arith.andi %bitcast_convert_type3A_44, %and3A_46 : vector<80x512xi32>
    %convert_element_type3A_48 = arith.trunci %and3A_47 : vector<80x512xi32> to vector<80x512xi16>
    %bitcast_convert_type3A_49 = tpu.bitcast %convert_element_type3A_48 : vector<80x512xi16> -> vector<80x512xbf16>
    %shift_right_logical3A_50 = arith.constant 16 : i32
    %shift_right_logical3A_51 = vector.broadcast %shift_right_logical3A_50 : i32 to vector<80x512xi32>
    %shift_right_logical3A_52 = arith.shrui %bitcast_convert_type3A_44, %shift_right_logical3A_51 : vector<80x512xi32>
    %convert_element_type3A_53 = arith.trunci %shift_right_logical3A_52 : vector<80x512xi32> to vector<80x512xi16>
    %bitcast_convert_type3A_54 = tpu.bitcast %convert_element_type3A_53 : vector<80x512xi16> -> vector<80x512xbf16>
    %convert_element_type3A_55 = arith.extf %bitcast_convert_type3A_49 : vector<80x512xbf16> to vector<80x512xf32>
    %convert_element_type3A_56 = arith.extf %bitcast_convert_type3A_54 : vector<80x512xbf16> to vector<80x512xf32>
    %concatenate3A_57 = tpu.concatenate %convert_element_type3A_55, %convert_element_type3A_56 in 1 : vector<80x512xf32>, vector<80x512xf32> -> vector<80x1024xf32>
    %abs3A_58 = math.absf %concatenate3A_57 : vector<80x1024xf32>
    %lt3A_59 = arith.constant 1.000000e+30 : f32
    %lt3A_60 = vector.broadcast %lt3A_59 : f32 to vector<80x1024xf32>
    %lt3A_61 = arith.cmpf olt, %abs3A_58, %lt3A_60 : vector<80x1024xf32>
    %jit3A_62 = arith.constant 0.000000e+00 : f32
    %broadcast_in_dim3A_63 = vector.broadcast %jit3A_62 : f32 to vector<80x1024xf32>
    %select_n3A_64 = arith.select %lt3A_61, %concatenate3A_57, %broadcast_in_dim3A_63 : vector<80x1024xi1>, vector<80x1024xf32>
    %get3A_65 = arith.constant 1 : index
    %get3A_66 = arith.constant 0 : index
    %get3A_67 = arith.constant 0 : index
    %get3A_68 = vector.load %arg2[%get3A_65, %get3A_66, %get3A_67] : memref<2x1024x512xf32, #tpu.memory_space<vmem>>, vector<1x1024x512xf32>
    %get3A_69 = vector.shape_cast %get3A_68 : vector<1x1024x512xf32> to vector<1024x512xf32>
    %dot_general3A_70 = arith.constant dense<0.000000e+00> : vector<80x512xf32>
    %dot_general3A_71 = tpu.matmul %select_n3A_64, %get3A_69, %dot_general3A_70 {dimension_numbers = #tpu.dot_dimension_numbers<[1], [0], [0], [1], [0, 0, 1, 1], [], []>, transpose_lhs_hint = false} : vector<80x1024xf32>, vector<1024x512xf32>, vector<80x512xf32> -> vector<80x512xf32>
    %logistic3A_72 = arith.negf %dot_general3A_71 : vector<80x512xf32>
    %logistic3A_73 = math.exp %logistic3A_72 : vector<80x512xf32>
    %logistic3A_74 = arith.constant 1.000000e+00 : f32
    %logistic3A_75 = vector.broadcast %logistic3A_74 : f32 to vector<80x512xf32>
    %logistic3A_76 = arith.addf %logistic3A_75, %logistic3A_73 : vector<80x512xf32>
    %logistic3A_77 = arith.divf %logistic3A_75, %logistic3A_76 : vector<80x512xf32>
    %mul3A_78 = arith.mulf %dot_general3A_71, %logistic3A_77 : vector<80x512xf32>
    %get3A_79 = arith.constant 1 : index
    %get3A_80 = arith.constant 0 : index
    %get3A_81 = arith.constant 0 : index
    %get3A_82 = vector.load %arg3[%get3A_79, %get3A_80, %get3A_81] : memref<2x512x1024xf32, #tpu.memory_space<vmem>>, vector<1x512x1024xf32>
    %get3A_83 = vector.shape_cast %get3A_82 : vector<1x512x1024xf32> to vector<512x1024xf32>
    %dot_general3A_84 = arith.constant dense<0.000000e+00> : vector<80x1024xf32>
    %dot_general3A_85 = tpu.matmul %mul3A_78, %get3A_83, %dot_general3A_84 {dimension_numbers = #tpu.dot_dimension_numbers<[1], [0], [0], [1], [0, 0, 1, 1], [], []>, transpose_lhs_hint = false} : vector<80x512xf32>, vector<512x1024xf32>, vector<80x1024xf32> -> vector<80x1024xf32>
    %get3A_86 = arith.constant 0 : index
    %get3A_87 = arith.constant 1 : index
    %get3A_88 = arith.constant 0 : index
    %get3A_89 = vector.load %arg4[%get3A_86, %get3A_87, %get3A_88] : memref<1x2x80xf32, #tpu.memory_space<vmem>>, vector<1x1x80xf32>
    %get3A_90 = vector.shape_cast %get3A_89 : vector<1x1x80xf32> to vector<80xf32>
    %broadcast_in_dim3A_91 = vector.shape_cast %get3A_90 : vector<80xf32> to vector<80x1xf32>
    %mul3A_92 = vector.broadcast %broadcast_in_dim3A_91 : vector<80x1xf32> to vector<80x1024xf32>
    %mul3A_93 = arith.mulf %dot_general3A_85, %mul3A_92 : vector<80x1024xf32>
    %swap3A_94 = arith.constant 80 : index
    %swap3A_95 = arith.constant 0 : index
    %swap3A_96 = vector.load %arg5[%swap3A_94, %swap3A_95] : memref<160x1024xf32, #tpu.memory_space<vmem>>, vector<80x1024xf32>
    tpu.vector_store %arg5[%swap3A_94, %swap3A_95], %mul3A_93 {strides = array<i32>} : memref<160x1024xf32, #tpu.memory_space<vmem>>, vector<80x1024xf32>,
    return
  }
  func.func @transform_0(%arg0: i32) -> (i32, i32) {
    %c0_i32 = arith.constant 0 : i32
    %c0_i32_0 = arith.constant 0 : i32
    return %arg0, %c0_i32 : i32, i32
  }
  func.func @transform_1(%arg0: i32) -> (i32, i32, i32) {
    %min3A = arith.constant 31 : i32
    %min3A_0 = arith.minsi %arg0, %min3A : i32
    %c0_i32 = arith.constant 0 : i32
    %c0_i32_1 = arith.constant 0 : i32
    %c0_i32_2 = arith.constant 0 : i32
    return %min3A_0, %c0_i32, %c0_i32_1 : i32, i32, i32
  }
  func.func @transform_2(%arg0: i32) -> (i32, i32, i32) {
    %min3A = arith.constant 31 : i32
    %min3A_0 = arith.minsi %arg0, %min3A : i32
    %c0_i32 = arith.constant 0 : i32
    %c0_i32_1 = arith.constant 0 : i32
    %c0_i32_2 = arith.constant 0 : i32
    return %min3A_0, %c0_i32, %c0_i32_1 : i32, i32, i32
  }
  func.func @transform_3(%arg0: i32) -> (i32, i32, i32) {
    %c0_i32 = arith.constant 0 : i32
    %c0_i32_0 = arith.constant 0 : i32
    %c0_i32_1 = arith.constant 0 : i32
    return %arg0, %c0_i32, %c0_i32_0 : i32, i32, i32
  }
  func.func @transform_4(%arg0: i32) -> (i32, i32) {
    %c0_i32 = arith.constant 0 : i32
    %c0_i32_0 = arith.constant 0 : i32
    return %arg0, %c0_i32 : i32, i32
  }
}

module attributes {stable_mosaic.version = 14 : i64} {
  func.func @_router_body(%arg0: memref<2048x1024xf32, #tpu.memory_space<vmem>>, %arg1: memref<1024x64xf32, #tpu.memory_space<vmem>>, %arg2: memref<4x2048xi32, #tpu.memory_space<vmem>>, %arg3: memref<33x2x80xf32, #tpu.memory_space<vmem>>, %arg4: memref<2048x512xf32, #tpu.memory_space<vmem>>) attributes {dimension_semantics = [], scalar_prefetch = 0 : i64, scratch_operands = 0 : i64, tpu.core_type = #tpu.core_type<tc>} {
    %get3A = arith.constant 0 : index
    %get3A_0 = arith.constant 0 : index
    %get3A_1 = vector.load %arg0[%get3A, %get3A_0] : memref<2048x1024xf32, #tpu.memory_space<vmem>>, vector<2048x1024xf32>
    %get3A_2 = arith.constant 0 : index
    %get3A_3 = arith.constant 0 : index
    %get3A_4 = vector.load %arg1[%get3A_2, %get3A_3] : memref<1024x64xf32, #tpu.memory_space<vmem>>, vector<1024x64xf32>
    %dot_general3A = arith.constant dense<0.000000e+00> : vector<2048x64xf32>
    %dot_general3A_5 = tpu.matmul %get3A_1, %get3A_4, %dot_general3A {dimension_numbers = #tpu.dot_dimension_numbers<[1], [0], [0], [1], [0, 0, 1, 1], [], []>, transpose_lhs_hint = false} : vector<2048x1024xf32>, vector<1024x64xf32>, vector<2048x64xf32> -> vector<2048x64xf32>
    %reduce_max3A = arith.constant dense<0xFF800000> : vector<2048xf32>
    %reduce_max3A_6 = vector.multi_reduction <maximumf>, %dot_general3A_5, %reduce_max3A [1] : vector<2048x64xf32> to vector<2048xf32>
    %broadcast_in_dim3A = vector.shape_cast %reduce_max3A_6 : vector<2048xf32> to vector<2048x1xf32>
    %sub3A = vector.broadcast %broadcast_in_dim3A : vector<2048x1xf32> to vector<2048x64xf32>
    %sub3A_7 = arith.subf %dot_general3A_5, %sub3A : vector<2048x64xf32>
    %exp3A = math.exp %sub3A_7 : vector<2048x64xf32>
    %reduce_sum3A = arith.constant dense<0.000000e+00> : vector<2048xf32>
    %reduce_sum3A_8 = vector.multi_reduction <add>, %exp3A, %reduce_sum3A [1] : vector<2048x64xf32> to vector<2048xf32>
    %broadcast_in_dim3A_9 = vector.shape_cast %reduce_sum3A_8 : vector<2048xf32> to vector<2048x1xf32>
    %div3A = vector.broadcast %broadcast_in_dim3A_9 : vector<2048x1xf32> to vector<2048x64xf32>
    %div3A_10 = arith.divf %exp3A, %div3A : vector<2048x64xf32>
    %iota3A = tpu.iota {dimensions = array<i32: 1>} : vector<2048x64xi32>
    %convert_element_type3A = arith.sitofp %iota3A : vector<2048x64xi32> to vector<2048x64xf32>
    %reduce_max3A_11 = arith.constant dense<0xFF800000> : vector<2048xf32>
    %reduce_max3A_12 = vector.multi_reduction <maximumf>, %div3A_10, %reduce_max3A_11 [1] : vector<2048x64xf32> to vector<2048xf32>
    %broadcast_in_dim3A_13 = vector.shape_cast %reduce_max3A_12 : vector<2048xf32> to vector<2048x1xf32>
    %eq3A = vector.broadcast %broadcast_in_dim3A_13 : vector<2048x1xf32> to vector<2048x64xf32>
    %eq3A_14 = arith.cmpf oeq, %div3A_10, %eq3A : vector<2048x64xf32>
    %jit3A = arith.constant 6.400000e+01 : f32
    %broadcast_in_dim3A_15 = vector.broadcast %jit3A : f32 to vector<2048x64xf32>
    %select_n3A = arith.select %eq3A_14, %convert_element_type3A, %broadcast_in_dim3A_15 : vector<2048x64xi1>, vector<2048x64xf32>
    %reduce_min3A = arith.constant dense<0x7F800000> : vector<2048xf32>
    %reduce_min3A_16 = vector.multi_reduction <minimumf>, %select_n3A, %reduce_min3A [1] : vector<2048x64xf32> to vector<2048xf32>
    %broadcast_in_dim3A_17 = vector.shape_cast %reduce_min3A_16 : vector<2048xf32> to vector<2048x1xf32>
    %eq3A_18 = vector.broadcast %broadcast_in_dim3A_17 : vector<2048x1xf32> to vector<2048x64xf32>
    %eq3A_19 = arith.cmpf oeq, %convert_element_type3A, %eq3A_18 : vector<2048x64xf32>
    %jit3A_20 = arith.constant -1.000000e+00 : f32
    %broadcast_in_dim3A_21 = vector.broadcast %jit3A_20 : f32 to vector<2048x64xf32>
    %select_n3A_22 = arith.select %eq3A_19, %broadcast_in_dim3A_21, %div3A_10 : vector<2048x64xi1>, vector<2048x64xf32>
    %reduce_max3A_23 = arith.constant dense<0xFF800000> : vector<2048xf32>
    %reduce_max3A_24 = vector.multi_reduction <maximumf>, %select_n3A_22, %reduce_max3A_23 [1] : vector<2048x64xf32> to vector<2048xf32>
    %broadcast_in_dim3A_25 = vector.shape_cast %reduce_max3A_24 : vector<2048xf32> to vector<2048x1xf32>
    %eq3A_26 = vector.broadcast %broadcast_in_dim3A_25 : vector<2048x1xf32> to vector<2048x64xf32>
    %eq3A_27 = arith.cmpf oeq, %select_n3A_22, %eq3A_26 : vector<2048x64xf32>
    %jit3A_28 = arith.constant 6.400000e+01 : f32
    %broadcast_in_dim3A_29 = vector.broadcast %jit3A_28 : f32 to vector<2048x64xf32>
    %select_n3A_30 = arith.select %eq3A_27, %convert_element_type3A, %broadcast_in_dim3A_29 : vector<2048x64xi1>, vector<2048x64xf32>
    %reduce_min3A_31 = arith.constant dense<0x7F800000> : vector<2048xf32>
    %reduce_min3A_32 = vector.multi_reduction <minimumf>, %select_n3A_30, %reduce_min3A_31 [1] : vector<2048x64xf32> to vector<2048xf32>
    %broadcast_in_dim3A_33 = vector.shape_cast %reduce_min3A_32 : vector<2048xf32> to vector<2048x1xf32>
    %add3A = arith.addf %broadcast_in_dim3A_13, %broadcast_in_dim3A_25 : vector<2048x1xf32>
    %div3A_34 = arith.divf %broadcast_in_dim3A_13, %add3A : vector<2048x1xf32>
    %div3A_35 = arith.divf %broadcast_in_dim3A_25, %add3A : vector<2048x1xf32>
    %eq3A_36 = vector.broadcast %broadcast_in_dim3A_17 : vector<2048x1xf32> to vector<2048x64xf32>
    %eq3A_37 = arith.cmpf oeq, %convert_element_type3A, %eq3A_36 : vector<2048x64xf32>
    %jit3A_38 = arith.constant 1.000000e+00 : f32
    %jit3A_39 = arith.constant 0.000000e+00 : f32
    %broadcast_in_dim3A_40 = vector.broadcast %jit3A_38 : f32 to vector<2048x64xf32>
    %broadcast_in_dim3A_41 = vector.broadcast %jit3A_39 : f32 to vector<2048x64xf32>
    %select_n3A_42 = arith.select %eq3A_37, %broadcast_in_dim3A_40, %broadcast_in_dim3A_41 : vector<2048x64xi1>, vector<2048x64xf32>
    %eq3A_43 = vector.broadcast %broadcast_in_dim3A_33 : vector<2048x1xf32> to vector<2048x64xf32>
    %eq3A_44 = arith.cmpf oeq, %convert_element_type3A, %eq3A_43 : vector<2048x64xf32>
    %jit3A_45 = arith.constant 1.000000e+00 : f32
    %jit3A_46 = arith.constant 0.000000e+00 : f32
    %broadcast_in_dim3A_47 = vector.broadcast %jit3A_45 : f32 to vector<2048x64xf32>
    %broadcast_in_dim3A_48 = vector.broadcast %jit3A_46 : f32 to vector<2048x64xf32>
    %select_n3A_49 = arith.select %eq3A_44, %broadcast_in_dim3A_47, %broadcast_in_dim3A_48 : vector<2048x64xi1>, vector<2048x64xf32>
    %add3A_50 = arith.addf %select_n3A_42, %select_n3A_49 : vector<2048x64xf32>
    %iota3A_51 = tpu.iota {dimensions = array<i32: 0>} : vector<256x256xi32>
    %iota3A_52 = tpu.iota {dimensions = array<i32: 1>} : vector<256x256xi32>
    %ge3A = arith.cmpi sge, %iota3A_51, %iota3A_52 : vector<256x256xi32>
    %jit3A_53 = arith.constant 1.000000e+00 : f32
    %jit3A_54 = arith.constant 0.000000e+00 : f32
    %broadcast_in_dim3A_55 = vector.broadcast %jit3A_53 : f32 to vector<256x256xf32>
    %broadcast_in_dim3A_56 = vector.broadcast %jit3A_54 : f32 to vector<256x256xf32>
    %select_n3A_57 = arith.select %ge3A, %broadcast_in_dim3A_55, %broadcast_in_dim3A_56 : vector<256x256xi1>, vector<256x256xf32>
    %broadcast_in_dim3A_58 = arith.constant 0.000000e+00 : f32
    %broadcast_in_dim3A_59 = vector.broadcast %broadcast_in_dim3A_58 : f32 to vector<1x64xf32>
    %slice3A = vector.extract_strided_slice %add3A_50 {offsets = [0, 0], sizes = [256, 64], strides = [1, 1]} : vector<2048x64xf32> to vector<256x64xf32>
    %dot_general3A_60 = arith.constant dense<0.000000e+00> : vector<256x64xf32>
    %dot_general3A_61 = tpu.matmul %select_n3A_57, %slice3A, %dot_general3A_60 {dimension_numbers = #tpu.dot_dimension_numbers<[1], [0], [0], [1], [0, 0, 1, 1], [], []>, transpose_lhs_hint = false} : vector<256x256xf32>, vector<256x64xf32>, vector<256x64xf32> -> vector<256x64xf32>
    %sub3A_62 = arith.subf %dot_general3A_61, %slice3A : vector<256x64xf32>
    %add3A_63 = vector.broadcast %broadcast_in_dim3A_59 : vector<1x64xf32> to vector<256x64xf32>
    %add3A_64 = arith.addf %sub3A_62, %add3A_63 : vector<256x64xf32>
    %slice3A_65 = vector.extract_strided_slice %dot_general3A_61 {offsets = [255, 0], sizes = [1, 64], strides = [1, 1]} : vector<256x64xf32> to vector<1x64xf32>
    %add3A_66 = arith.addf %broadcast_in_dim3A_59, %slice3A_65 : vector<1x64xf32>
    %slice3A_67 = vector.extract_strided_slice %add3A_50 {offsets = [256, 0], sizes = [256, 64], strides = [1, 1]} : vector<2048x64xf32> to vector<256x64xf32>
    %dot_general3A_68 = arith.constant dense<0.000000e+00> : vector<256x64xf32>
    %dot_general3A_69 = tpu.matmul %select_n3A_57, %slice3A_67, %dot_general3A_68 {dimension_numbers = #tpu.dot_dimension_numbers<[1], [0], [0], [1], [0, 0, 1, 1], [], []>, transpose_lhs_hint = false} : vector<256x256xf32>, vector<256x64xf32>, vector<256x64xf32> -> vector<256x64xf32>
    %sub3A_70 = arith.subf %dot_general3A_69, %slice3A_67 : vector<256x64xf32>
    %add3A_71 = vector.broadcast %add3A_66 : vector<1x64xf32> to vector<256x64xf32>
    %add3A_72 = arith.addf %sub3A_70, %add3A_71 : vector<256x64xf32>
    %slice3A_73 = vector.extract_strided_slice %dot_general3A_69 {offsets = [255, 0], sizes = [1, 64], strides = [1, 1]} : vector<256x64xf32> to vector<1x64xf32>
    %add3A_74 = arith.addf %add3A_66, %slice3A_73 : vector<1x64xf32>
    %slice3A_75 = vector.extract_strided_slice %add3A_50 {offsets = [512, 0], sizes = [256, 64], strides = [1, 1]} : vector<2048x64xf32> to vector<256x64xf32>
    %dot_general3A_76 = arith.constant dense<0.000000e+00> : vector<256x64xf32>
    %dot_general3A_77 = tpu.matmul %select_n3A_57, %slice3A_75, %dot_general3A_76 {dimension_numbers = #tpu.dot_dimension_numbers<[1], [0], [0], [1], [0, 0, 1, 1], [], []>, transpose_lhs_hint = false} : vector<256x256xf32>, vector<256x64xf32>, vector<256x64xf32> -> vector<256x64xf32>
    %sub3A_78 = arith.subf %dot_general3A_77, %slice3A_75 : vector<256x64xf32>
    %add3A_79 = vector.broadcast %add3A_74 : vector<1x64xf32> to vector<256x64xf32>
    %add3A_80 = arith.addf %sub3A_78, %add3A_79 : vector<256x64xf32>
    %slice3A_81 = vector.extract_strided_slice %dot_general3A_77 {offsets = [255, 0], sizes = [1, 64], strides = [1, 1]} : vector<256x64xf32> to vector<1x64xf32>
    %add3A_82 = arith.addf %add3A_74, %slice3A_81 : vector<1x64xf32>
    %slice3A_83 = vector.extract_strided_slice %add3A_50 {offsets = [768, 0], sizes = [256, 64], strides = [1, 1]} : vector<2048x64xf32> to vector<256x64xf32>
    %dot_general3A_84 = arith.constant dense<0.000000e+00> : vector<256x64xf32>
    %dot_general3A_85 = tpu.matmul %select_n3A_57, %slice3A_83, %dot_general3A_84 {dimension_numbers = #tpu.dot_dimension_numbers<[1], [0], [0], [1], [0, 0, 1, 1], [], []>, transpose_lhs_hint = false} : vector<256x256xf32>, vector<256x64xf32>, vector<256x64xf32> -> vector<256x64xf32>
    %sub3A_86 = arith.subf %dot_general3A_85, %slice3A_83 : vector<256x64xf32>
    %add3A_87 = vector.broadcast %add3A_82 : vector<1x64xf32> to vector<256x64xf32>
    %add3A_88 = arith.addf %sub3A_86, %add3A_87 : vector<256x64xf32>
    %slice3A_89 = vector.extract_strided_slice %dot_general3A_85 {offsets = [255, 0], sizes = [1, 64], strides = [1, 1]} : vector<256x64xf32> to vector<1x64xf32>
    %add3A_90 = arith.addf %add3A_82, %slice3A_89 : vector<1x64xf32>
    %slice3A_91 = vector.extract_strided_slice %add3A_50 {offsets = [1024, 0], sizes = [256, 64], strides = [1, 1]} : vector<2048x64xf32> to vector<256x64xf32>
    %dot_general3A_92 = arith.constant dense<0.000000e+00> : vector<256x64xf32>
    %dot_general3A_93 = tpu.matmul %select_n3A_57, %slice3A_91, %dot_general3A_92 {dimension_numbers = #tpu.dot_dimension_numbers<[1], [0], [0], [1], [0, 0, 1, 1], [], []>, transpose_lhs_hint = false} : vector<256x256xf32>, vector<256x64xf32>, vector<256x64xf32> -> vector<256x64xf32>
    %sub3A_94 = arith.subf %dot_general3A_93, %slice3A_91 : vector<256x64xf32>
    %add3A_95 = vector.broadcast %add3A_90 : vector<1x64xf32> to vector<256x64xf32>
    %add3A_96 = arith.addf %sub3A_94, %add3A_95 : vector<256x64xf32>
    %slice3A_97 = vector.extract_strided_slice %dot_general3A_93 {offsets = [255, 0], sizes = [1, 64], strides = [1, 1]} : vector<256x64xf32> to vector<1x64xf32>
    %add3A_98 = arith.addf %add3A_90, %slice3A_97 : vector<1x64xf32>
    %slice3A_99 = vector.extract_strided_slice %add3A_50 {offsets = [1280, 0], sizes = [256, 64], strides = [1, 1]} : vector<2048x64xf32> to vector<256x64xf32>
    %dot_general3A_100 = arith.constant dense<0.000000e+00> : vector<256x64xf32>
    %dot_general3A_101 = tpu.matmul %select_n3A_57, %slice3A_99, %dot_general3A_100 {dimension_numbers = #tpu.dot_dimension_numbers<[1], [0], [0], [1], [0, 0, 1, 1], [], []>, transpose_lhs_hint = false} : vector<256x256xf32>, vector<256x64xf32>, vector<256x64xf32> -> vector<256x64xf32>
    %sub3A_102 = arith.subf %dot_general3A_101, %slice3A_99 : vector<256x64xf32>
    %add3A_103 = vector.broadcast %add3A_98 : vector<1x64xf32> to vector<256x64xf32>
    %add3A_104 = arith.addf %sub3A_102, %add3A_103 : vector<256x64xf32>
    %slice3A_105 = vector.extract_strided_slice %dot_general3A_101 {offsets = [255, 0], sizes = [1, 64], strides = [1, 1]} : vector<256x64xf32> to vector<1x64xf32>
    %add3A_106 = arith.addf %add3A_98, %slice3A_105 : vector<1x64xf32>
    %slice3A_107 = vector.extract_strided_slice %add3A_50 {offsets = [1536, 0], sizes = [256, 64], strides = [1, 1]} : vector<2048x64xf32> to vector<256x64xf32>
    %dot_general3A_108 = arith.constant dense<0.000000e+00> : vector<256x64xf32>
    %dot_general3A_109 = tpu.matmul %select_n3A_57, %slice3A_107, %dot_general3A_108 {dimension_numbers = #tpu.dot_dimension_numbers<[1], [0], [0], [1], [0, 0, 1, 1], [], []>, transpose_lhs_hint = false} : vector<256x256xf32>, vector<256x64xf32>, vector<256x64xf32> -> vector<256x64xf32>
    %sub3A_110 = arith.subf %dot_general3A_109, %slice3A_107 : vector<256x64xf32>
    %add3A_111 = vector.broadcast %add3A_106 : vector<1x64xf32> to vector<256x64xf32>
    %add3A_112 = arith.addf %sub3A_110, %add3A_111 : vector<256x64xf32>
    %slice3A_113 = vector.extract_strided_slice %dot_general3A_109 {offsets = [255, 0], sizes = [1, 64], strides = [1, 1]} : vector<256x64xf32> to vector<1x64xf32>
    %add3A_114 = arith.addf %add3A_106, %slice3A_113 : vector<1x64xf32>
    %slice3A_115 = vector.extract_strided_slice %add3A_50 {offsets = [1792, 0], sizes = [256, 64], strides = [1, 1]} : vector<2048x64xf32> to vector<256x64xf32>
    %dot_general3A_116 = arith.constant dense<0.000000e+00> : vector<256x64xf32>
    %dot_general3A_117 = tpu.matmul %select_n3A_57, %slice3A_115, %dot_general3A_116 {dimension_numbers = #tpu.dot_dimension_numbers<[1], [0], [0], [1], [0, 0, 1, 1], [], []>, transpose_lhs_hint = false} : vector<256x256xf32>, vector<256x64xf32>, vector<256x64xf32> -> vector<256x64xf32>
    %sub3A_118 = arith.subf %dot_general3A_117, %slice3A_115 : vector<256x64xf32>
    %add3A_119 = vector.broadcast %add3A_114 : vector<1x64xf32> to vector<256x64xf32>
    %add3A_120 = arith.addf %sub3A_118, %add3A_119 : vector<256x64xf32>
    %concatenate3A = tpu.concatenate %add3A_64, %add3A_72, %add3A_80, %add3A_88, %add3A_96, %add3A_104, %add3A_112, %add3A_120 in 0 : vector<256x64xf32>, vector<256x64xf32>, vector<256x64xf32>, vector<256x64xf32>, vector<256x64xf32>, vector<256x64xf32>, vector<256x64xf32>, vector<256x64xf32> -> vector<2048x64xf32>
    %mul3A = arith.mulf %concatenate3A, %select_n3A_42 : vector<2048x64xf32>
    %reduce_sum3A_121 = arith.constant dense<0.000000e+00> : vector<2048xf32>
    %reduce_sum3A_122 = vector.multi_reduction <add>, %mul3A, %reduce_sum3A_121 [1] : vector<2048x64xf32> to vector<2048xf32>
    %broadcast_in_dim3A_123 = vector.shape_cast %reduce_sum3A_122 : vector<2048xf32> to vector<2048x1xf32>
    %add3A_124 = arith.addf %concatenate3A, %select_n3A_42 : vector<2048x64xf32>
    %mul3A_125 = arith.mulf %add3A_124, %select_n3A_49 : vector<2048x64xf32>
    %reduce_sum3A_126 = arith.constant dense<0.000000e+00> : vector<2048xf32>
    %reduce_sum3A_127 = vector.multi_reduction <add>, %mul3A_125, %reduce_sum3A_126 [1] : vector<2048x64xf32> to vector<2048xf32>
    %broadcast_in_dim3A_128 = vector.shape_cast %reduce_sum3A_127 : vector<2048xf32> to vector<2048x1xf32>
    %lt3A = arith.constant 8.000000e+01 : f32
    %lt3A_129 = vector.broadcast %lt3A : f32 to vector<2048x1xf32>
    %lt3A_130 = arith.cmpf olt, %broadcast_in_dim3A_123, %lt3A_129 : vector<2048x1xf32>
    %lt3A_131 = arith.constant 8.000000e+01 : f32
    %lt3A_132 = vector.broadcast %lt3A_131 : f32 to vector<2048x1xf32>
    %lt3A_133 = arith.cmpf olt, %broadcast_in_dim3A_128, %lt3A_132 : vector<2048x1xf32>
    %mul3A_134 = arith.constant 8.000000e+01 : f32
    %mul3A_135 = vector.broadcast %mul3A_134 : f32 to vector<2048x1xf32>
    %mul3A_136 = arith.mulf %broadcast_in_dim3A_17, %mul3A_135 : vector<2048x1xf32>
    %add3A_137 = arith.addf %mul3A_136, %broadcast_in_dim3A_123 : vector<2048x1xf32>
    %mul3A_138 = arith.constant 8.000000e+01 : f32
    %mul3A_139 = vector.broadcast %mul3A_138 : f32 to vector<2048x1xf32>
    %mul3A_140 = arith.mulf %broadcast_in_dim3A_33, %mul3A_139 : vector<2048x1xf32>
    %add3A_141 = arith.addf %mul3A_140, %broadcast_in_dim3A_128 : vector<2048x1xf32>
    %jit3A_142 = arith.constant 5.120000e+03 : f32
    %broadcast_in_dim3A_143 = vector.broadcast %jit3A_142 : f32 to vector<2048x1xf32>
    %select_n3A_144 = arith.select %lt3A_130, %add3A_137, %broadcast_in_dim3A_143 : vector<2048x1xi1>, vector<2048x1xf32>
    %jit3A_145 = arith.constant 5.120000e+03 : f32
    %broadcast_in_dim3A_146 = vector.broadcast %jit3A_145 : f32 to vector<2048x1xf32>
    %select_n3A_147 = arith.select %lt3A_133, %add3A_141, %broadcast_in_dim3A_146 : vector<2048x1xi1>, vector<2048x1xf32>
    %jit3A_148 = arith.constant 5.120000e+03 : f32
    %broadcast_in_dim3A_149 = vector.broadcast %jit3A_148 : f32 to vector<2048x1xf32>
    %select_n3A_150 = arith.select %lt3A_130, %add3A_137, %broadcast_in_dim3A_149 : vector<2048x1xi1>, vector<2048x1xf32>
    %jit3A_151 = arith.constant 5.120000e+03 : f32
    %broadcast_in_dim3A_152 = vector.broadcast %jit3A_151 : f32 to vector<2048x1xf32>
    %select_n3A_153 = arith.select %lt3A_133, %add3A_141, %broadcast_in_dim3A_152 : vector<2048x1xi1>, vector<2048x1xf32>
    %concatenate3A_154 = tpu.concatenate %select_n3A_144, %select_n3A_147, %select_n3A_150, %select_n3A_153 in 1 : vector<2048x1xf32>, vector<2048x1xf32>, vector<2048x1xf32>, vector<2048x1xf32> -> vector<2048x4xf32>
    %transpose3A = tpu.transpose %concatenate3A_154, [1, 0] : vector<2048x4xf32> -> vector<4x2048xf32>
    %convert_element_type3A_155 = arith.fptosi %transpose3A : vector<4x2048xf32> to vector<4x2048xi32>
    %swap3A = arith.constant 0 : index
    %swap3A_156 = arith.constant 0 : index
    %swap3A_157 = vector.load %arg2[%swap3A, %swap3A_156] : memref<4x2048xi32, #tpu.memory_space<vmem>>, vector<4x2048xi32>
    tpu.vector_store %arg2[%swap3A, %swap3A_156], %convert_element_type3A_155 {strides = array<i32>} : memref<4x2048xi32, #tpu.memory_space<vmem>>, vector<4x2048xi32>,
    %iota3A_158 = tpu.iota {dimensions = array<i32: 1>} : vector<2048x80xi32>
    %convert_element_type3A_159 = arith.sitofp %iota3A_158 : vector<2048x80xi32> to vector<2048x80xf32>
    %eq3A_160 = vector.broadcast %broadcast_in_dim3A_123 : vector<2048x1xf32> to vector<2048x80xf32>
    %eq3A_161 = arith.cmpf oeq, %convert_element_type3A_159, %eq3A_160 : vector<2048x80xf32>
    %jit3A_162 = arith.constant 1.000000e+00 : f32
    %jit3A_163 = arith.constant 0.000000e+00 : f32
    %broadcast_in_dim3A_164 = vector.broadcast %jit3A_162 : f32 to vector<2048x80xf32>
    %broadcast_in_dim3A_165 = vector.broadcast %jit3A_163 : f32 to vector<2048x80xf32>
    %select_n3A_166 = arith.select %eq3A_161, %broadcast_in_dim3A_164, %broadcast_in_dim3A_165 : vector<2048x80xi1>, vector<2048x80xf32>
    %eq3A_167 = vector.broadcast %broadcast_in_dim3A_128 : vector<2048x1xf32> to vector<2048x80xf32>
    %eq3A_168 = arith.cmpf oeq, %convert_element_type3A_159, %eq3A_167 : vector<2048x80xf32>
    %jit3A_169 = arith.constant 1.000000e+00 : f32
    %jit3A_170 = arith.constant 0.000000e+00 : f32
    %broadcast_in_dim3A_171 = vector.broadcast %jit3A_169 : f32 to vector<2048x80xf32>
    %broadcast_in_dim3A_172 = vector.broadcast %jit3A_170 : f32 to vector<2048x80xf32>
    %select_n3A_173 = arith.select %eq3A_168, %broadcast_in_dim3A_171, %broadcast_in_dim3A_172 : vector<2048x80xi1>, vector<2048x80xf32>
    %jit3A_174 = arith.constant 0.000000e+00 : f32
    %broadcast_in_dim3A_175 = vector.broadcast %jit3A_174 : f32 to vector<2048x1xf32>
    %select_n3A_176 = arith.select %lt3A_130, %div3A_34, %broadcast_in_dim3A_175 : vector<2048x1xi1>, vector<2048x1xf32>
    %mul3A_177 = vector.broadcast %select_n3A_176 : vector<2048x1xf32> to vector<2048x64xf32>
    %mul3A_178 = arith.mulf %select_n3A_42, %mul3A_177 : vector<2048x64xf32>
    %jit3A_179 = arith.constant 0.000000e+00 : f32
    %broadcast_in_dim3A_180 = vector.broadcast %jit3A_179 : f32 to vector<2048x1xf32>
    %select_n3A_181 = arith.select %lt3A_133, %div3A_35, %broadcast_in_dim3A_180 : vector<2048x1xi1>, vector<2048x1xf32>
    %mul3A_182 = vector.broadcast %select_n3A_181 : vector<2048x1xf32> to vector<2048x64xf32>
    %mul3A_183 = arith.mulf %select_n3A_49, %mul3A_182 : vector<2048x64xf32>
    %concatenate3A_184 = tpu.concatenate %mul3A_178, %mul3A_183 in 0 : vector<2048x64xf32>, vector<2048x64xf32> -> vector<4096x64xf32>
    %concatenate3A_185 = tpu.concatenate %select_n3A_166, %select_n3A_173 in 0 : vector<2048x80xf32>, vector<2048x80xf32> -> vector<4096x80xf32>
    %dot_general3A_186 = arith.constant dense<0.000000e+00> : vector<64x80xf32>
    %dot_general3A_187 = tpu.matmul %concatenate3A_184, %concatenate3A_185, %dot_general3A_186 {dimension_numbers = #tpu.dot_dimension_numbers<[0], [0], [1], [1], [0, 1, 1, 1], [], []>, precision = #tpu.contract_precision<fp32>, transpose_lhs_hint = false} : vector<4096x64xf32>, vector<4096x80xf32>, vector<64x80xf32> -> vector<64x80xf32>
    %broadcast_in_dim3A_188 = arith.constant 0.000000e+00 : f32
    %broadcast_in_dim3A_189 = vector.broadcast %broadcast_in_dim3A_188 : f32 to vector<2x80xf32>
    %concatenate3A_190 = tpu.concatenate %dot_general3A_187, %broadcast_in_dim3A_189 in 0 : vector<64x80xf32>, vector<2x80xf32> -> vector<66x80xf32>
    %reshape3A = vector.shape_cast %concatenate3A_190 : vector<66x80xf32> to vector<33x2x80xf32>
    %swap3A_191 = arith.constant 0 : index
    %swap3A_192 = arith.constant 0 : index
    %swap3A_193 = arith.constant 0 : index
    %swap3A_194 = vector.load %arg3[%swap3A_191, %swap3A_192, %swap3A_193] : memref<33x2x80xf32, #tpu.memory_space<vmem>>, vector<33x2x80xf32>
    tpu.vector_store %arg3[%swap3A_191, %swap3A_192, %swap3A_193], %reshape3A {strides = array<i32>} : memref<33x2x80xf32, #tpu.memory_space<vmem>>, vector<33x2x80xf32>,
    %slice3A_195 = vector.extract_strided_slice %get3A_1 {offsets = [0, 0], sizes = [2048, 512], strides = [1, 1]} : vector<2048x1024xf32> to vector<2048x512xf32>
    %convert_element_type3A_196 = arith.truncf %slice3A_195 : vector<2048x512xf32> to vector<2048x512xbf16>
    %bitcast_convert_type3A = tpu.bitcast %convert_element_type3A_196 : vector<2048x512xbf16> -> vector<2048x512xi16>
    %convert_element_type3A_197 = arith.extui %bitcast_convert_type3A : vector<2048x512xi16> to vector<2048x512xi32>
    %slice3A_198 = vector.extract_strided_slice %get3A_1 {offsets = [0, 512], sizes = [2048, 512], strides = [1, 1]} : vector<2048x1024xf32> to vector<2048x512xf32>
    %convert_element_type3A_199 = arith.truncf %slice3A_198 : vector<2048x512xf32> to vector<2048x512xbf16>
    %bitcast_convert_type3A_200 = tpu.bitcast %convert_element_type3A_199 : vector<2048x512xbf16> -> vector<2048x512xi16>
    %convert_element_type3A_201 = arith.extui %bitcast_convert_type3A_200 : vector<2048x512xi16> to vector<2048x512xi32>
    %shift_left3A = arith.constant 16 : i32
    %shift_left3A_202 = vector.broadcast %shift_left3A : i32 to vector<2048x512xi32>
    %shift_left3A_203 = arith.shli %convert_element_type3A_201, %shift_left3A_202 : vector<2048x512xi32>
    %or3A = arith.ori %convert_element_type3A_197, %shift_left3A_203 : vector<2048x512xi32>
    %bitcast_convert_type3A_204 = tpu.bitcast %or3A : vector<2048x512xi32> -> vector<2048x512xf32>
    %swap3A_205 = arith.constant 0 : index
    %swap3A_206 = arith.constant 0 : index
    %swap3A_207 = vector.load %arg4[%swap3A_205, %swap3A_206] : memref<2048x512xf32, #tpu.memory_space<vmem>>, vector<2048x512xf32>
    tpu.vector_store %arg4[%swap3A_205, %swap3A_206], %bitcast_convert_type3A_204 {strides = array<i32>} : memref<2048x512xf32, #tpu.memory_space<vmem>>, vector<2048x512xf32>,
    return
  }
}

</mosaic_0001>

<sc_bundles>
// kernel: kernel.6.cloned.1.call-start
scs
__scs_entry_jumppad:
0x0: {  	(pc) =	sbr.rel $0x88, $3  }
0x1: {  	(tag) =	ssettag $0x0;
	lr =	simm.s32 $0x1  }
0x2: {  	[smem:$0x3F9D] =	sst lr;
	_ =	strace $0xD0000000  }
0x3: {  	_ = 	snop  }
0x4: {  	_ = 	snop  }
0x5: {  	_ = 	snop  }
0x6: {  	_ = 	snop  }
0x7: {  	_ = 	snop  }
__scs_overlays_trampoline_lowered:
0x8: {  	[smem:$0x3FAC] =	sst s0  }
0x9: {  	[smem:$0x3FAD] =	sst s1  }
0xa: {  	[smem:$0x3FAE] =	sst s2  }
0xb: {  	[smem:$0x3FAF] =	sst s3  }
0xc: {  	[smem:$0x3FB0] =	sst s4  }
0xd: {  	[smem:$0x3FB1] =	sst s5  }
0xe: {  	[smem:$0x3FB2] =	sst s6  }
0xf: {  	[smem:$0x3FB3] =	sst s7  }
0x10: {  	[smem:$0x3FB4] =	sst s8  }
0x11: {  	[smem:$0x3FB5] =	sst s9;
	s0 =	simm.s32 @!p0 $0x0  }
0x12: {  	s1 =	sld [smem:$0x3F9B];
	s0 =	simm.s32 @p0 $0x1  }
0x13: {  	[smem:$0x3FB6] =	sst s0;
	s0 =	simm.s32 @!p1 $0x0  }
0x14: {  	s2 =	sld [smem:$0x3F9A];
	s0 =	simm.s32 @p1 $0x1  }
0x15: {  	[smem:$0x3FB7] =	sst s0;
	s0 =	simm.s32 @!p2 $0x0  }
0x16: {  	s3 =	sld [smem:$0x3FDB];
	s0 =	simm.s32 @p2 $0x1  }
0x17: {  	s4 =	simm.s32 $0x1BF5;
	[smem:$0x3FB9] =	sst s0  }
0x18: {  	s0 =	sld [smem:$0x3F9C];
	_ =	swait.ge [sflag:s4], $0x0  }
0x19: {  	s7 =	sld [smem:$0x3F9D]  }
0x1a: {  	s8 =	sadd.s32 $0xFFFFE003, lr  }
0x1b: {  	s9 =	sadd.s32 $0xFFFFFEF7, lr;
	s5 =	simm.s32 $0xFFFFFFFF;
	p2 =	slt.u32 s8, $0xFFFFF086  }
0x1c: {  	p1 =	slt.u32 s9, $0xF7A;
	s5 =	simm.s32 @!p2 $0x0  }
0x1d: {  	s5 =	simm.s32 @p1 $0x1;
	p0 =	seq.s32 s7, s2  }
0x1e: {  	s7 =	smul.u32 @!p0 $0xF7A, s2;
	p2 =	seq.s32 @!p0 s5, $0x0  }
0x1f: {  	s9 =	smul.u32 $0xF7A, s1;
	s8 =	simm.s32 @!p0 $0x1BF5;
	p2 =	por !p2, p0  }
0x20: {  	[sflag:s8] =	ssyncset.s32 @!p0 $0xFFFFF086;
	s6 =	sadd.s32 @!p0 s3, s7;
	s7 =	simm.s32 @!p0 $0x108  }
0x21: {  	s3 =	sadd.s32 s3, s9;
	s6 =	sadd.s32 @!p0 $0x88, s6;
	s7 =	simm.s32 @p2 $0x1082  }
0x22: {  	[simem:s7], [sflag:s8] =	dma.local @!p0 [hbm:s6], $0xF7A  }
0x23: {  	s9 =	sor.u32 $0xD0000000, s2;
	s6 =	simm.s32 $0x108;
	_ =	swait.ge @!p0 [sflag:s8], $0x0  }
0x24: {  	s3 =	sadd.s32 $0x88, s3;
	s6 =	simm.s32 @!p1 $0x1082;
	[sflag:s4] =	ssyncset.s32 $0xFFFFF086  }
0x25: {  	[simem:s6], [sflag:s4] =	dma.local [hbm:s3], $0xF7A  }
0x26: {  	[smem:$0x3F9D] =	sst s1;
	(tag) =	ssettag s2;
	_ =	strace s9  }
0x27: {  	s1 =	sld [smem:$0x3FAD]  }
0x28: {  	s2 =	sld [smem:$0x3FAE]  }
0x29: {  	s4 =	sld [smem:$0x3FB0]  }
0x2a: {  	p0 =	seq.s32 s5, $0x0;
	s5 =	sld [smem:$0x3FB1]  }
0x2b: {  	s6 =	sld [smem:$0x3FB2]  }
0x2c: {  	s7 =	sld [smem:$0x3FB3]  }
0x2d: {  	s3 =	simm.s32 $0x108;
	s8 =	sld [smem:$0x3FB4]  }
0x2e: {  	s3 =	simm.s32 @!p0 $0x1082;
	s9 =	sld [smem:$0x3FB5]  }
0x2f: {  	lr =	sadd.s32 s0, s3;
	s0 =	sld [smem:$0x3FAC]  }
0x30: {  	s3 =	sld [smem:$0x3FAF]  }
0x31: {  	[smem:$0x3FB8] =	sst s10  }
0x32: {  	s10 =	sld [smem:$0x3FB6];
	_ =	sdelay $0x3  }
0x33: {  	p0 =	seq.s32 s10, $0x1;
	s10 =	sld [smem:$0x3FB8];
	_ =	sdelay $0x3  }
0x34: {  	[smem:$0x3FB8] =	sst s10  }
0x35: {  	s10 =	sld [smem:$0x3FB7];
	_ =	sdelay $0x3  }
0x36: {  	p1 =	seq.s32 s10, $0x1;
	s10 =	sld [smem:$0x3FB8];
	_ =	sdelay $0x3  }
0x37: {  	[smem:$0x3FB8] =	sst s10  }
0x38: {  	s10 =	sld [smem:$0x3FB9]  }
0x39: {  	_ = 	snop;
	(pc) =	sbr.ind lr, $3  }
0x3a: {  	_ = 	snop  }
0x3b: {  	_ = 	snop  }
0x3c: {  	p2 =	seq.s32 s10, $0x1;
	s10 =	sld [smem:$0x3FB8]  }
0x3d: {  	_ =	shalt  }
0x3e: {  	_ =	shalt  }
0x3f: {  	_ =	shalt  }
0x40: {  	_ =	shalt  }
0x41: {  	_ =	shalt  }
0x42: {  	_ =	shalt  }
0x43: {  	_ =	shalt  }
0x44: {  	_ =	shalt  }
0x45: {  	_ =	shalt  }
0x46: {  	_ =	shalt  }
0x47: {  	_ =	shalt  }
0x48: {  	_ =	shalt  }
0x49: {  	_ =	shalt  }
0x4a: {  	_ =	shalt  }
0x4b: {  	_ =	shalt  }
0x4c: {  	_ =	shalt  }
0x4d: {  	_ =	shalt  }
0x4e: {  	_ =	shalt  }
0x4f: {  	_ =	shalt  }
0x50: {  	_ =	shalt  }
0x51: {  	_ =	shalt  }
0x52: {  	_ =	shalt  }
0x53: {  	_ =	shalt  }
0x54: {  	_ =	shalt  }
0x55: {  	_ =	shalt  }
0x56: {  	_ =	shalt  }
0x57: {  	_ =	shalt  }
0x58: {  	_ =	shalt  }
0x59: {  	_ =	shalt  }
0x5a: {  	_ =	shalt  }
0x5b: {  	_ =	shalt  }
0x5c: {  	_ =	shalt  }
0x5d: {  	_ =	shalt  }
0x5e: {  	_ =	shalt  }
0x5f: {  	_ =	shalt  }
0x60: {  	_ =	shalt  }
0x61: {  	_ =	shalt  }
0x62: {  	_ =	shalt  }
0x63: {  	_ =	shalt  }
0x64: {  	_ =	shalt  }
0x65: {  	_ =	shalt  }
0x66: {  	_ =	shalt  }
0x67: {  	_ =	shalt  }
0x68: {  	_ =	shalt  }
0x69: {  	_ =	shalt  }
0x6a: {  	_ =	shalt  }
0x6b: {  	_ =	shalt  }
0x6c: {  	_ =	shalt  }
0x6d: {  	_ =	shalt  }
0x6e: {  	_ =	shalt  }
0x6f: {  	_ =	shalt  }
0x70: {  	_ =	shalt  }
0x71: {  	_ =	shalt  }
0x72: {  	_ =	shalt  }
0x73: {  	_ =	shalt  }
0x74: {  	_ =	shalt  }
0x75: {  	_ =	shalt  }
0x76: {  	_ =	shalt  }
0x77: {  	_ =	shalt  }
0x78: {  	_ =	shalt  }
0x79: {  	_ =	shalt  }
0x7a: {  	_ =	shalt  }
0x7b: {  	_ =	shalt  }
0x7c: {  	_ =	shalt  }
0x7d: {  	_ =	shalt  }
0x7e: {  	_ =	shalt  }
0x7f: {  	_ =	shalt  }
0x80: {  	_ =	shalt  }
0x81: {  	_ =	shalt  }
0x82: {  	_ =	shalt  }
0x83: {  	_ =	shalt  }
0x84: {  	_ =	shalt  }
0x85: {  	_ =	shalt  }
0x86: {  	_ =	shalt  }
0x87: {  	_ =	shalt  }
.Lfunc_end0:
.L_simem_size_0:
called_computation_lowered:
.L_overlay_start_0:
0x88: {  	s2 =	sld [smem:$0x3FD9]  }
0x89: {  	s3 =	sld [smem:$0x3FFE];
	_ =	sdelay $0x1  }
0x8a: {  	s1 =	srdreg.scid  }
0x8b: {  	s0 =	sand.u32 $0x1, s1  }
0x8c: {  	s17 =	sshll.u32 s0, $0xA;
	s2 =	sadd.s32 s3, s2  }
0x8d: {  	s2 =	sadd.s32 s2, s17  }
0x8e: {  	[smem:$0x3FC4] =	sst s2  }
0x8f: {  	_ = 	snop  }
0x90: {  	s2 =	sld [smem:$0x3FD0];
	(tm) =	ssettm $0x1  }
0x91: {  	s18 =	sld [smem:$0x3FFB];
	_ =	sdelay $0x3  }
0x92: {  	_ =	strace s18  }
0x93: {  	s3 =	sld [smem:$0x3FFC];
	_ =	sdelay $0x3  }
0x94: {  	_ =	strace s3  }
0x95: {  	s3 =	sld [smem:$0x3FFD];
	_ =	sdelay $0x3  }
0x96: {  	_ =	strace s3  }
0x97: {  	_ =	strace $0x8FFFFFFF  }
0x98: {  	s19 =	sld [smem:$0x3FDB];
	_ =	sdelay $0x1  }
0x99: {  	s4 =	simm.s32 $_scs_section_size  }
0x9a: {  	s5 =	simm.s32 $_size__tile_overlayer_lowered;
	s6 =	simm.s32 $_tile_overlayer_lowered  }
0x9b: {  	s22 =	simm.s32 $0x1BFF;
	s21 =	sshll.u32 s6, $0x1;
	s3 =	sadd.s32 s4, s19  }
0x9c: {  	s7 =	simm.s32 $0x0;
	s20 =	sshll.u32 s5, $0x1;
	s5 =	sadd.s32 s21, s3  }
0x9d: {  	[timem:s7], [sflag:s22] =	dma.local [hbm:s5], s20  }
0x9e: {  	_ =	swait.ge [sflag:s22], s20  }
0x9f: {  	s4 =	ssub.s32 $0x0, s20;
	[sflag:s22] =	ssyncset.done $0x0  }
0xa0: {  	[sflag:s22] =	ssyncadd.s32 s4;
	_ =	sdelay $0x1  }
0xa1: {  	s23 =	simm.s32 $0x1B8B  }
0xa2: {  	_ =	swait.ge [sflag:s23], $0x1  }
0xa3: {  	[sflag:s23] =	ssyncset.done $0x0  }
0xa4: {  	s25 =	simm.s32 $0x1B8E;
	s24 =	sld [smem:$0x3FFE];
	[sflag:s23] =	ssyncadd.s32 $0xFFFFFFFF  }
0xa5: {  	s26 =	simm.s32 $execute0_lowered;
	[smem:$0x3FD2] =	sst s25  }
0xa6: {  	s5 =	sshll.u32 s26, $0x1;
	_ =	strace $0x80000046;
	[dreg:$0x1] =	wrdreg $0xFFFFFFFF  }
0xa7: {  	s28 =	simm.s32 $_size_execute0_lowered;
	s3 =	sadd.s32 s3, s5;
	[dreg:$0x0] =	wrdreg $0x0  }
0xa8: {  	s5 =	sshll.u32 s28, $0x1;
	[dreg:$0x2] =	wrdreg s3  }
0xa9: {  	[dreg:$0x3] =	wrdreg s5  }
0xaa: {  	[dreg:$0x4] =	wrdreg $0xC0  }
0xab: {  	_ =	task [dreg:s7], $0x5FFFF  }
0xac: {  	[dreg:$0x1] =	wrdreg $0xFFFFFFFF  }
0xad: {  	[dreg:$0x0] =	wrdreg $0x60  }
0xae: {  	[dreg:$0x2] =	wrdreg s2  }
0xaf: {  	[dreg:$0x3] =	wrdreg s24  }
0xb0: {  	[dreg:$0x4] =	wrdreg $0x9  }
0xb1: {  	_ =	task.clear_ibuf [dreg:s7], $0x5FFFF;
	_ =	strace $0x90000046  }
0xb2: {  	s29 =	simm.s32 $0x9;
	_ =	strace $0x80000048  }
0xb3: {  	_ =	swait.ge [sflag:s29], $0x1  }
0xb4: {  	[sflag:s29] =	ssyncadd.s32 $0xFFFFFFFF  }
0xb5: {  	_ =	strace $0x90000048  }
0xb6: {  	_ =	sfence  }
0xb7: {  	s30 =	sld [smem:$0x0];
	_ =	sdelay $0x2  }
0xb8: {  	s31 =	sshll.u32 s1, $0xD;
	s1 =	sshrl.u32 s1, $0x2  }
0xb9: {  	s3 =	sand.u32 $0x4000, s31;
	s1 =	sadd.s32 s1, s30  }
0xba: {  	s0 =	sor.u32 s3, s0;
	s1 =	sshll.u32 s1, $0x11  }
0xbb: {  	s0 =	sor.u32 s1, s0  }
0xbc: {  	s0 =	sadd.s32 $0x8F2B, s0  }
0xbd: {  	[sflag:s0] =	ssyncadd.remote.s32 $0x1  }
0xbe: {  	_ =	sfence.sel $0xFFFF  }
0xbf: {  	[dreg:$0x0] =	wrdreg $0xFFFFFFFF;
	(pc) =	sbr.abs _section_cstart, $3  }
0xc0: {  	[dreg:$0x1] =	wrdreg $0xFFFFFFFF  }
0xc1: {  	_ =	task.clear_ibuf [dreg:s7], $0x2FFFF;
	_ =	strace $0x9FFFFFFF  }
0xc2: {  	(tm) =	ssettm $0x7FFFFFFF  }
0xc3: {  	_ =	shalt  }
tec
execute0_lowered:
.L_overlay_start_1:
0x0: {  	(tag) =	ssettag $0x1  }
0x1: {  	s4 =	rddreg [dreg:$0x0]  }
0x2: {  	s7 =	rddreg [dreg:$0x1]  }
0x3: {  	s2 =	srdreg.scid;
	s0 =	rddreg [dreg:$0x2]  }
0x4: {  	s1 =	stileid.u32;
	s11 =	simm.s32 $0x80;
	s12 =	simm.s32 $0x1  }
0x5: {  	s13 =	simm.s32 $0x900;
	s14 =	simm.s32 $0x1100;
	s15 =	simm.s32 $0x1900  }
0x6: {  	s16 =	simm.s32 $0x2100;
	s17 =	simm.s32 $0x2900;
	s18 =	simm.s32 $0x3100  }
0x7: {  	s19 =	simm.s32 $0x3900;
	s20 =	simm.s32 $0x4100;
	s21 =	simm.s32 $0x4900  }
0x8: {  	s22 =	simm.s32 $0x5100;
	s23 =	simm.s32 $0x5900;
	s24 =	simm.s32 $0x6100  }
0x9: {  	s25 =	simm.s32 $0x6900;
	s28 =	simm.s32 $0x7900;
	s29 =	simm.s32 $0x2  }
0xa: {  	s30 =	simm.s32 $0x3;
	s3 =	sand.u32 $0x1, s2;
	s2 =	simm.s32 $0x0  }
0xb: {  	s6 =	sshll.u32 s1, $0x6;
	s8 =	sshll.u32 s1, $0xD;
	s5 =	sshll.u32 s3, $0x3  }
0xc: {  	[smem:$0x7FF] =	sst s2;
	s26 =	ssub.s32 $0x2, s3;
	s9 =	sshll.u32 s3, $0xC  }
0xd: {  	s3 =	sadd.s32 $0x1600, s7;
	s5 =	sor.u32 s5, s6;
	_ =	strace $0x80000047  }
0xe: {  	s10 =	sshrl.u32 s26, $0x1;
	s8 =	sor.u32 s9, s8;
	s9 =	simm.s32 $0x100  }
0xf: {  	v2 =	vlaneseq.u32;
	s6 =	sadd.s32 s5, s7;
	s31 =	ssub.s32 s26, s10;
	s4 =	sadd.s32 s4, s8  }
0x10: {  	vm0 =	vmmov $0xffff;
	v1 =	vshrl.u32 v2, $0x3;
	s7 =	sadd.s32 $0x1700, s7;
	s10 =	simm.s32 $0x4;
	s26 =	simm.s32 $0x7100  }
0x11: {  	v0 =	vand.u32 $0x7, v2;
	v2 =	vor.u32 $0x8, v2;
	v1 =	vmul.u32 $0x8, v1;
	s5 =	sadd.s32 $0x1200, s6;
	s6 =	sadd.s32 $0x1210, s6;
	s8 =	smax.u32 s31, $0x1  }
.LBB2_1:
0x12: {  	[tilespmem:s9], [sflag:$0x1] =	stream.linear.gather [hbm4b:s4+s2], $0x8000, $0x38;
	[tilespmem:$0x8100] =	vst v63  }
0x13: {  	_ = 	snop  }
0x14: {  	[tilespmem:s2], [sflag:$0x4] =	stream.linear.gather [hbm4b:s5+s2], $0x40, $0x38;
	[tilespmem:$0x8100] =	vst v63  }
0x15: {  	_ =	swait.ge [sflag:s10], $0x40  }
0x16: {  	[sflag:s10] =	ssyncset.done $0x0  }
0x17: {  	[sflag:s10] =	ssyncadd.s32 $0xFFFFFFC0  }
0x18: {  	[tilespmem:s11], [sflag:$0x4] =	stream.linear.gather [hbm4b:s6+s2], $0x40, $0x38;
	[tilespmem:$0x8100] =	vst v63  }
0x19: {  	_ =	swait.ge [sflag:s10], $0x40  }
0x1a: {  	[sflag:s10] =	ssyncset.done $0x0  }
0x1b: {  	[sflag:s10] =	ssyncadd.s32 $0xFFFFFFC0  }
0x1c: {  	_ =	swait.ge [sflag:s12], $0x8000  }
0x1d: {  	[sflag:s12] =	ssyncset.done $0x0  }
0x1e: {  	[sflag:s12] =	ssyncadd.s32 $0xFFFF8000  }
0x1f: {  	v3 =	vld [tilespmem:$0x0];
	_ =	sdelay $0x4  }
0x20: {  	v4 =	vshll.u32 v3, $0x2  }
0x21: {  	v3 =	vand.u32 $0x7, v3;
	v4 =	vand.u32 $0xFFFFFFE0, v4  }
0x22: {  	v3 =	vor.u32 v3, v4  }
0x23: {  	v4 =	vperm.xlane v3, v0;
	_ =	sdelay $0x1  }
0x24: {  	v4 =	vadd.s32 v1, v4;
	_ =	sdelay $0x1  }
0x25: {  	v3 =	vperm.xlane v3, v2;
	_ =	sdelay $0x1  }
0x26: {  	v3 =	vadd.s32 v1, v3  }
0x27: {  	[hbm4b:s3+s2] =	stream.indirect_vreg.scatter [tilespmem:s9], [sflag:$0x2], $0x80, v4, vm0, $0xb8;
	[tilespmem:$0x8100] =	vst v63  }
0x28: {  	_ = 	snop  }
0x29: {  	[hbm4b:s7+s2] =	stream.indirect_vreg.scatter [tilespmem:s13], [sflag:$0x2], $0x80, v4, vm0, $0xb8;
	[tilespmem:$0x8100] =	vst v63  }
0x2a: {  	_ = 	snop  }
0x2b: {  	[hbm4b:s3+s2] =	stream.indirect_vreg.scatter [tilespmem:s14], [sflag:$0x2], $0x80, v3, vm0, $0xb8;
	[tilespmem:$0x8100] =	vst v63  }
0x2c: {  	_ = 	snop  }
0x2d: {  	[hbm4b:s7+s2] =	stream.indirect_vreg.scatter [tilespmem:s15], [sflag:$0x2], $0x80, v3, vm0, $0xb8;
	[tilespmem:$0x8100] =	vst v63  }
0x2e: {  	v3 =	vld [tilespmem:$0x10];
	_ =	sdelay $0x4  }
0x2f: {  	v57 =	vshll.u32 v3, $0x2  }
0x30: {  	v3 =	vand.u32 $0x7, v3;
	v4 =	vand.u32 $0xFFFFFFE0, v57  }
0x31: {  	v3 =	vor.u32 v3, v4  }
0x32: {  	v4 =	vperm.xlane v3, v0;
	_ =	sdelay $0x1  }
0x33: {  	v4 =	vadd.s32 v1, v4;
	_ =	sdelay $0x1  }
0x34: {  	v3 =	vperm.xlane v3, v2;
	_ =	sdelay $0x1  }
0x35: {  	v3 =	vadd.s32 v1, v3  }
0x36: {  	[hbm4b:s3+s2] =	stream.indirect_vreg.scatter [tilespmem:s16], [sflag:$0x2], $0x80, v4, vm0, $0xb8;
	[tilespmem:$0x8100] =	vst v63  }
0x37: {  	_ = 	snop  }
0x38: {  	[hbm4b:s7+s2] =	stream.indirect_vreg.scatter [tilespmem:s17], [sflag:$0x2], $0x80, v4, vm0, $0xb8;
	[tilespmem:$0x8100] =	vst v63  }
0x39: {  	_ = 	snop  }
0x3a: {  	[hbm4b:s3+s2] =	stream.indirect_vreg.scatter [tilespmem:s18], [sflag:$0x2], $0x80, v3, vm0, $0xb8;
	[tilespmem:$0x8100] =	vst v63  }
0x3b: {  	_ = 	snop  }
0x3c: {  	[hbm4b:s7+s2] =	stream.indirect_vreg.scatter [tilespmem:s19], [sflag:$0x2], $0x80, v3, vm0, $0xb8;
	[tilespmem:$0x8100] =	vst v63  }
0x3d: {  	v3 =	vld [tilespmem:$0x20];
	_ =	sdelay $0x4  }
0x3e: {  	v58 =	vshll.u32 v3, $0x2  }
0x3f: {  	v3 =	vand.u32 $0x7, v3;
	v4 =	vand.u32 $0xFFFFFFE0, v58  }
0x40: {  	v3 =	vor.u32 v3, v4  }
0x41: {  	v4 =	vperm.xlane v3, v0;
	_ =	sdelay $0x1  }
0x42: {  	v4 =	vadd.s32 v1, v4;
	_ =	sdelay $0x1  }
0x43: {  	v3 =	vperm.xlane v3, v2;
	_ =	sdelay $0x1  }
0x44: {  	v3 =	vadd.s32 v1, v3  }
0x45: {  	[hbm4b:s3+s2] =	stream.indirect_vreg.scatter [tilespmem:s20], [sflag:$0x2], $0x80, v4, vm0, $0xb8;
	[tilespmem:$0x8100] =	vst v63  }
0x46: {  	_ = 	snop  }
0x47: {  	[hbm4b:s7+s2] =	stream.indirect_vreg.scatter [tilespmem:s21], [sflag:$0x2], $0x80, v4, vm0, $0xb8;
	[tilespmem:$0x8100] =	vst v63  }
0x48: {  	_ = 	snop  }
0x49: {  	[hbm4b:s3+s2] =	stream.indirect_vreg.scatter [tilespmem:s22], [sflag:$0x2], $0x80, v3, vm0, $0xb8;
	[tilespmem:$0x8100] =	vst v63  }
0x4a: {  	_ = 	snop  }
0x4b: {  	[hbm4b:s7+s2] =	stream.indirect_vreg.scatter [tilespmem:s23], [sflag:$0x2], $0x80, v3, vm0, $0xb8;
	[tilespmem:$0x8100] =	vst v63  }
0x4c: {  	v3 =	vld [tilespmem:$0x30];
	_ =	sdelay $0x4  }
0x4d: {  	v59 =	vshll.u32 v3, $0x2  }
0x4e: {  	v3 =	vand.u32 $0x7, v3;
	v4 =	vand.u32 $0xFFFFFFE0, v59  }
0x4f: {  	v3 =	vor.u32 v3, v4  }
0x50: {  	v4 =	vperm.xlane v3, v0;
	_ =	sdelay $0x1  }
0x51: {  	v4 =	vadd.s32 v1, v4;
	_ =	sdelay $0x1  }
0x52: {  	v3 =	vperm.xlane v3, v2;
	_ =	sdelay $0x1  }
0x53: {  	v3 =	vadd.s32 v1, v3  }
0x54: {  	[hbm4b:s3+s2] =	stream.indirect_vreg.scatter [tilespmem:s24], [sflag:$0x2], $0x80, v4, vm0, $0xb8;
	[tilespmem:$0x8100] =	vst v63  }
0x55: {  	_ = 	snop  }
0x56: {  	[hbm4b:s7+s2] =	stream.indirect_vreg.scatter [tilespmem:s25], [sflag:$0x2], $0x80, v4, vm0, $0xb8;
	[tilespmem:$0x8100] =	vst v63  }
0x57: {  	_ = 	snop  }
0x58: {  	[hbm4b:s3+s2] =	stream.indirect_vreg.scatter [tilespmem:s26], [sflag:$0x2], $0x80, v3, vm0, $0xb8;
	[tilespmem:$0x8100] =	vst v63  }
0x59: {  	_ = 	snop  }
0x5a: {  	[hbm4b:s7+s2] =	stream.indirect_vreg.scatter [tilespmem:s28], [sflag:$0x2], $0x80, v3, vm0, $0xb8;
	[tilespmem:$0x8100] =	vst v63  }
0x5b: {  	v3 =	vld [tilespmem:$0x80];
	_ =	sdelay $0x4  }
0x5c: {  	v60 =	vshll.u32 v3, $0x2  }
0x5d: {  	v3 =	vand.u32 $0x7, v3;
	v4 =	vand.u32 $0xFFFFFFE0, v60  }
0x5e: {  	v3 =	vor.u32 v3, v4  }
0x5f: {  	v4 =	vperm.xlane v3, v0;
	_ =	sdelay $0x1  }
0x60: {  	v4 =	vadd.s32 v1, v4;
	_ =	sdelay $0x1  }
0x61: {  	v3 =	vperm.xlane v3, v2;
	_ =	sdelay $0x1  }
0x62: {  	v3 =	vadd.s32 v1, v3  }
0x63: {  	[hbm4b:s3+s2] =	stream.indirect_vreg.scatter [tilespmem:s9], [sflag:$0x3], $0x80, v4, vm0, $0xb8;
	[tilespmem:$0x8100] =	vst v63  }
0x64: {  	_ = 	snop  }
0x65: {  	[hbm4b:s7+s2] =	stream.indirect_vreg.scatter [tilespmem:s13], [sflag:$0x3], $0x80, v4, vm0, $0xb8;
	[tilespmem:$0x8100] =	vst v63  }
0x66: {  	_ = 	snop  }
0x67: {  	[hbm4b:s3+s2] =	stream.indirect_vreg.scatter [tilespmem:s14], [sflag:$0x3], $0x80, v3, vm0, $0xb8;
	[tilespmem:$0x8100] =	vst v63  }
0x68: {  	_ = 	snop  }
0x69: {  	[hbm4b:s7+s2] =	stream.indirect_vreg.scatter [tilespmem:s15], [sflag:$0x3], $0x80, v3, vm0, $0xb8;
	[tilespmem:$0x8100] =	vst v63  }
0x6a: {  	v3 =	vld [tilespmem:$0x90];
	_ =	sdelay $0x4  }
0x6b: {  	v61 =	vshll.u32 v3, $0x2  }
0x6c: {  	v3 =	vand.u32 $0x7, v3;
	v4 =	vand.u32 $0xFFFFFFE0, v61  }
0x6d: {  	v3 =	vor.u32 v3, v4  }
0x6e: {  	v4 =	vperm.xlane v3, v0;
	_ =	sdelay $0x1  }
0x6f: {  	v4 =	vadd.s32 v1, v4;
	_ =	sdelay $0x1  }
0x70: {  	v3 =	vperm.xlane v3, v2;
	_ =	sdelay $0x1  }
0x71: {  	v3 =	vadd.s32 v1, v3  }
0x72: {  	[hbm4b:s3+s2] =	stream.indirect_vreg.scatter [tilespmem:s16], [sflag:$0x3], $0x80, v4, vm0, $0xb8;
	[tilespmem:$0x8100] =	vst v63  }
0x73: {  	_ = 	snop  }
0x74: {  	[hbm4b:s7+s2] =	stream.indirect_vreg.scatter [tilespmem:s17], [sflag:$0x3], $0x80, v4, vm0, $0xb8;
	[tilespmem:$0x8100] =	vst v63  }
0x75: {  	_ = 	snop  }
0x76: {  	[hbm4b:s3+s2] =	stream.indirect_vreg.scatter [tilespmem:s18], [sflag:$0x3], $0x80, v3, vm0, $0xb8;
	[tilespmem:$0x8100] =	vst v63  }
0x77: {  	_ = 	snop  }
0x78: {  	[hbm4b:s7+s2] =	stream.indirect_vreg.scatter [tilespmem:s19], [sflag:$0x3], $0x80, v3, vm0, $0xb8;
	[tilespmem:$0x8100] =	vst v63  }
0x79: {  	v3 =	vld [tilespmem:$0xA0];
	_ =	sdelay $0x4  }
0x7a: {  	v62 =	vshll.u32 v3, $0x2  }
0x7b: {  	v3 =	vand.u32 $0x7, v3;
	v4 =	vand.u32 $0xFFFFFFE0, v62  }
0x7c: {  	v3 =	vor.u32 v3, v4  }
0x7d: {  	v4 =	vperm.xlane v3, v0;
	_ =	sdelay $0x1  }
0x7e: {  	v4 =	vadd.s32 v1, v4;
	_ =	sdelay $0x1  }
0x7f: {  	v3 =	vperm.xlane v3, v2;
	_ =	sdelay $0x1  }
0x80: {  	v3 =	vadd.s32 v1, v3  }
0x81: {  	[hbm4b:s3+s2] =	stream.indirect_vreg.scatter [tilespmem:s20], [sflag:$0x3], $0x80, v4, vm0, $0xb8;
	[tilespmem:$0x8100] =	vst v63  }
0x82: {  	_ = 	snop  }
0x83: {  	[hbm4b:s7+s2] =	stream.indirect_vreg.scatter [tilespmem:s21], [sflag:$0x3], $0x80, v4, vm0, $0xb8;
	[tilespmem:$0x8100] =	vst v63  }
0x84: {  	_ = 	snop  }
0x85: {  	[hbm4b:s3+s2] =	stream.indirect_vreg.scatter [tilespmem:s22], [sflag:$0x3], $0x80, v3, vm0, $0xb8;
	[tilespmem:$0x8100] =	vst v63  }
0x86: {  	_ = 	snop  }
0x87: {  	[hbm4b:s7+s2] =	stream.indirect_vreg.scatter [tilespmem:s23], [sflag:$0x3], $0x80, v3, vm0, $0xb8;
	[tilespmem:$0x8100] =	vst v63  }
0x88: {  	v3 =	vld [tilespmem:$0xB0];
	_ =	sdelay $0x4  }
0x89: {  	v63 =	vshll.u32 v3, $0x2  }
0x8a: {  	v3 =	vand.u32 $0x7, v3;
	v4 =	vand.u32 $0xFFFFFFE0, v63  }
0x8b: {  	v3 =	vor.u32 v3, v4  }
0x8c: {  	v4 =	vperm.xlane v3, v0;
	_ =	sdelay $0x1  }
0x8d: {  	v4 =	vadd.s32 v1, v4;
	_ =	sdelay $0x1  }
0x8e: {  	v3 =	vperm.xlane v3, v2;
	_ =	sdelay $0x1  }
0x8f: {  	v3 =	vadd.s32 v1, v3  }
0x90: {  	[hbm4b:s3+s2] =	stream.indirect_vreg.scatter [tilespmem:s24], [sflag:$0x3], $0x80, v4, vm0, $0xb8;
	[tilespmem:$0x8100] =	vst v63  }
0x91: {  	_ = 	snop  }
0x92: {  	[hbm4b:s7+s2] =	stream.indirect_vreg.scatter [tilespmem:s25], [sflag:$0x3], $0x80, v4, vm0, $0xb8;
	[tilespmem:$0x8100] =	vst v63  }
0x93: {  	_ = 	snop  }
0x94: {  	[hbm4b:s3+s2] =	stream.indirect_vreg.scatter [tilespmem:s26], [sflag:$0x3], $0x80, v3, vm0, $0xb8;
	[tilespmem:$0x8100] =	vst v63  }
0x95: {  	_ = 	snop  }
0x96: {  	[hbm4b:s7+s2] =	stream.indirect_vreg.scatter [tilespmem:s28], [sflag:$0x3], $0x80, v3, vm0, $0xb8;
	[tilespmem:$0x8100] =	vst v63  }
0x97: {  	p0 =	sne.s32 s8, $0x1;
	_ =	swait.ge [sflag:s29], $0x8000  }
.Ltmp0:
0x98: {  	[sflag:s29] =	ssyncset.done $0x0;
	(pc) =	sbr.rel @p0 .LBB2_1-.Ltmp0, $4  }
0x99: {  	[sflag:s29] =	ssyncadd.s32 $0xFFFF8000  }
0x9a: {  	_ =	swait.ge [sflag:s30], $0x8000  }
0x9b: {  	[sflag:s30] =	ssyncset.done $0x0  }
0x9c: {  	s8 =	sadd.s32 $0xFFFFFFFF, s8;
	[sflag:s30] =	ssyncadd.s32 $0xFFFF8000  }
0x9d: {  	_ =	sfence.sel $0x180000  }
0x9e: {  	[bflag:$0x0] =	sbarrier.arrive $0xFFFF  }
0x9f: {  	p0 =	sne.s32 s1, $0x0;
	_ =	strace $0x90000047  }
0xa0: {  	s0 =	sadd.s32 @!p0 $0x100000, s0;
	[bflag:$0x2] =	sbarrier.arrive $0xFFFF  }
0xa1: {  	[sflag:s0] =	ssyncadd.tile.s32 @!p0 $0x1;
	_ =	shalt  }
.Lfunc_end2:
_tile_overlayer_lowered:
.L_overlay_start_2:
0xa2: {  	(tag) =	ssettag $0x2  }
0xa3: {  	s0 =	rddreg [dreg:$0x0];
	s2 =	stileid.u32  }
0xa4: {  	s1 =	rddreg [dreg:$0x1];
	p0 =	sne.s32 s2, $0x0  }
0xa5: {  	s3 =	rddreg [dreg:$0x2];
	[bflag:$0x3] =	sbarrier.arrive $0xFFFF;
	s2 =	simm.s32 @!p0 $0x1C04  }
0xa6: {  	[timem:s3], [sflag:s2] =	dma.local @!p0 [hbm:s0], s1  }
0xa7: {  	s0 =	simm.s32 @!p0 $0x4  }
0xa8: {  	_ =	swait.ge @!p0 [sflag:s0], s1  }
0xa9: {  	s1 =	ssub.s32 @!p0 $0x0, s1;
	[sflag:s0] =	ssyncset.done @!p0 $0x0  }
0xaa: {  	[sflag:s0] =	ssyncadd.s32 @!p0 s1  }
0xab: {  	[bflag:$0x3] =	sbarrier.arrive $0xFFFF  }
0xac: {  	_ =	shalt  }

// kernel: kernel.9.cloned.1.call-start
scs
__scs_entry_jumppad:
0x0: {  	(pc) =	sbr.rel $0x88, $3  }
0x1: {  	(tag) =	ssettag $0x0;
	lr =	simm.s32 $0x1  }
0x2: {  	[smem:$0x3F9D] =	sst lr;
	_ =	strace $0xD0000000  }
0x3: {  	_ = 	snop  }
0x4: {  	_ = 	snop  }
0x5: {  	_ = 	snop  }
0x6: {  	_ = 	snop  }
0x7: {  	_ = 	snop  }
__scs_overlays_trampoline_lowered:
0x8: {  	[smem:$0x3FAC] =	sst s0  }
0x9: {  	[smem:$0x3FAD] =	sst s1  }
0xa: {  	[smem:$0x3FAE] =	sst s2  }
0xb: {  	[smem:$0x3FAF] =	sst s3  }
0xc: {  	[smem:$0x3FB0] =	sst s4  }
0xd: {  	[smem:$0x3FB1] =	sst s5  }
0xe: {  	[smem:$0x3FB2] =	sst s6  }
0xf: {  	[smem:$0x3FB3] =	sst s7  }
0x10: {  	[smem:$0x3FB4] =	sst s8  }
0x11: {  	[smem:$0x3FB5] =	sst s9;
	s0 =	simm.s32 @!p0 $0x0  }
0x12: {  	s1 =	sld [smem:$0x3F9B];
	s0 =	simm.s32 @p0 $0x1  }
0x13: {  	[smem:$0x3FB6] =	sst s0;
	s0 =	simm.s32 @!p1 $0x0  }
0x14: {  	s2 =	sld [smem:$0x3F9A];
	s0 =	simm.s32 @p1 $0x1  }
0x15: {  	[smem:$0x3FB7] =	sst s0;
	s0 =	simm.s32 @!p2 $0x0  }
0x16: {  	s3 =	sld [smem:$0x3FDB];
	s0 =	simm.s32 @p2 $0x1  }
0x17: {  	s4 =	simm.s32 $0x1BF5;
	[smem:$0x3FB9] =	sst s0  }
0x18: {  	s0 =	sld [smem:$0x3F9C];
	_ =	swait.ge [sflag:s4], $0x0  }
0x19: {  	s7 =	sld [smem:$0x3F9D]  }
0x1a: {  	s8 =	sadd.s32 $0xFFFFE003, lr  }
0x1b: {  	s9 =	sadd.s32 $0xFFFFFEF7, lr;
	s5 =	simm.s32 $0xFFFFFFFF;
	p2 =	slt.u32 s8, $0xFFFFF086  }
0x1c: {  	p1 =	slt.u32 s9, $0xF7A;
	s5 =	simm.s32 @!p2 $0x0  }
0x1d: {  	s5 =	simm.s32 @p1 $0x1;
	p0 =	seq.s32 s7, s2  }
0x1e: {  	s7 =	smul.u32 @!p0 $0xF7A, s2;
	p2 =	seq.s32 @!p0 s5, $0x0  }
0x1f: {  	s9 =	smul.u32 $0xF7A, s1;
	s8 =	simm.s32 @!p0 $0x1BF5;
	p2 =	por !p2, p0  }
0x20: {  	[sflag:s8] =	ssyncset.s32 @!p0 $0xFFFFF086;
	s6 =	sadd.s32 @!p0 s3, s7;
	s7 =	simm.s32 @!p0 $0x108  }
0x21: {  	s3 =	sadd.s32 s3, s9;
	s6 =	sadd.s32 @!p0 $0x88, s6;
	s7 =	simm.s32 @p2 $0x1082  }
0x22: {  	[simem:s7], [sflag:s8] =	dma.local @!p0 [hbm:s6], $0xF7A  }
0x23: {  	s9 =	sor.u32 $0xD0000000, s2;
	s6 =	simm.s32 $0x108;
	_ =	swait.ge @!p0 [sflag:s8], $0x0  }
0x24: {  	s3 =	sadd.s32 $0x88, s3;
	s6 =	simm.s32 @!p1 $0x1082;
	[sflag:s4] =	ssyncset.s32 $0xFFFFF086  }
0x25: {  	[simem:s6], [sflag:s4] =	dma.local [hbm:s3], $0xF7A  }
0x26: {  	[smem:$0x3F9D] =	sst s1;
	(tag) =	ssettag s2;
	_ =	strace s9  }
0x27: {  	s1 =	sld [smem:$0x3FAD]  }
0x28: {  	s2 =	sld [smem:$0x3FAE]  }
0x29: {  	s4 =	sld [smem:$0x3FB0]  }
0x2a: {  	p0 =	seq.s32 s5, $0x0;
	s5 =	sld [smem:$0x3FB1]  }
0x2b: {  	s6 =	sld [smem:$0x3FB2]  }
0x2c: {  	s7 =	sld [smem:$0x3FB3]  }
0x2d: {  	s3 =	simm.s32 $0x108;
	s8 =	sld [smem:$0x3FB4]  }
0x2e: {  	s3 =	simm.s32 @!p0 $0x1082;
	s9 =	sld [smem:$0x3FB5]  }
0x2f: {  	lr =	sadd.s32 s0, s3;
	s0 =	sld [smem:$0x3FAC]  }
0x30: {  	s3 =	sld [smem:$0x3FAF]  }
0x31: {  	[smem:$0x3FB8] =	sst s10  }
0x32: {  	s10 =	sld [smem:$0x3FB6];
	_ =	sdelay $0x3  }
0x33: {  	p0 =	seq.s32 s10, $0x1;
	s10 =	sld [smem:$0x3FB8];
	_ =	sdelay $0x3  }
0x34: {  	[smem:$0x3FB8] =	sst s10  }
0x35: {  	s10 =	sld [smem:$0x3FB7];
	_ =	sdelay $0x3  }
0x36: {  	p1 =	seq.s32 s10, $0x1;
	s10 =	sld [smem:$0x3FB8];
	_ =	sdelay $0x3  }
0x37: {  	[smem:$0x3FB8] =	sst s10  }
0x38: {  	s10 =	sld [smem:$0x3FB9]  }
0x39: {  	_ = 	snop;
	(pc) =	sbr.ind lr, $3  }
0x3a: {  	_ = 	snop  }
0x3b: {  	_ = 	snop  }
0x3c: {  	p2 =	seq.s32 s10, $0x1;
	s10 =	sld [smem:$0x3FB8]  }
0x3d: {  	_ =	shalt  }
0x3e: {  	_ =	shalt  }
0x3f: {  	_ =	shalt  }
0x40: {  	_ =	shalt  }
0x41: {  	_ =	shalt  }
0x42: {  	_ =	shalt  }
0x43: {  	_ =	shalt  }
0x44: {  	_ =	shalt  }
0x45: {  	_ =	shalt  }
0x46: {  	_ =	shalt  }
0x47: {  	_ =	shalt  }
0x48: {  	_ =	shalt  }
0x49: {  	_ =	shalt  }
0x4a: {  	_ =	shalt  }
0x4b: {  	_ =	shalt  }
0x4c: {  	_ =	shalt  }
0x4d: {  	_ =	shalt  }
0x4e: {  	_ =	shalt  }
0x4f: {  	_ =	shalt  }
0x50: {  	_ =	shalt  }
0x51: {  	_ =	shalt  }
0x52: {  	_ =	shalt  }
0x53: {  	_ =	shalt  }
0x54: {  	_ =	shalt  }
0x55: {  	_ =	shalt  }
0x56: {  	_ =	shalt  }
0x57: {  	_ =	shalt  }
0x58: {  	_ =	shalt  }
0x59: {  	_ =	shalt  }
0x5a: {  	_ =	shalt  }
0x5b: {  	_ =	shalt  }
0x5c: {  	_ =	shalt  }
0x5d: {  	_ =	shalt  }
0x5e: {  	_ =	shalt  }
0x5f: {  	_ =	shalt  }
0x60: {  	_ =	shalt  }
0x61: {  	_ =	shalt  }
0x62: {  	_ =	shalt  }
0x63: {  	_ =	shalt  }
0x64: {  	_ =	shalt  }
0x65: {  	_ =	shalt  }
0x66: {  	_ =	shalt  }
0x67: {  	_ =	shalt  }
0x68: {  	_ =	shalt  }
0x69: {  	_ =	shalt  }
0x6a: {  	_ =	shalt  }
0x6b: {  	_ =	shalt  }
0x6c: {  	_ =	shalt  }
0x6d: {  	_ =	shalt  }
0x6e: {  	_ =	shalt  }
0x6f: {  	_ =	shalt  }
0x70: {  	_ =	shalt  }
0x71: {  	_ =	shalt  }
0x72: {  	_ =	shalt  }
0x73: {  	_ =	shalt  }
0x74: {  	_ =	shalt  }
0x75: {  	_ =	shalt  }
0x76: {  	_ =	shalt  }
0x77: {  	_ =	shalt  }
0x78: {  	_ =	shalt  }
0x79: {  	_ =	shalt  }
0x7a: {  	_ =	shalt  }
0x7b: {  	_ =	shalt  }
0x7c: {  	_ =	shalt  }
0x7d: {  	_ =	shalt  }
0x7e: {  	_ =	shalt  }
0x7f: {  	_ =	shalt  }
0x80: {  	_ =	shalt  }
0x81: {  	_ =	shalt  }
0x82: {  	_ =	shalt  }
0x83: {  	_ =	shalt  }
0x84: {  	_ =	shalt  }
0x85: {  	_ =	shalt  }
0x86: {  	_ =	shalt  }
0x87: {  	_ =	shalt  }
.Lfunc_end0:
.L_simem_size_0:
called_computation.1_lowered:
.L_overlay_start_0:
0x88: {  	s2 =	sld [smem:$0x3FD9]  }
0x89: {  	s3 =	sld [smem:$0x3FFE];
	_ =	sdelay $0x1  }
0x8a: {  	s1 =	srdreg.scid  }
0x8b: {  	s0 =	sand.u32 $0x1, s1  }
0x8c: {  	s17 =	sshll.u32 s0, $0xA;
	s2 =	sadd.s32 s3, s2  }
0x8d: {  	s2 =	sadd.s32 s2, s17  }
0x8e: {  	[smem:$0x3FC4] =	sst s2  }
0x8f: {  	_ = 	snop  }
0x90: {  	s2 =	sld [smem:$0x3FD0];
	(tm) =	ssettm $0x1  }
0x91: {  	s18 =	sld [smem:$0x3FFB];
	_ =	sdelay $0x3  }
0x92: {  	_ =	strace s18  }
0x93: {  	s3 =	sld [smem:$0x3FFC];
	_ =	sdelay $0x3  }
0x94: {  	_ =	strace s3  }
0x95: {  	s3 =	sld [smem:$0x3FFD];
	_ =	sdelay $0x3  }
0x96: {  	_ =	strace s3  }
0x97: {  	_ =	strace $0x8FFFFFFF  }
0x98: {  	s19 =	sld [smem:$0x3FDB];
	_ =	sdelay $0x1  }
0x99: {  	s4 =	simm.s32 $_scs_section_size  }
0x9a: {  	s5 =	simm.s32 $_size__tile_overlayer_lowered;
	s6 =	simm.s32 $_tile_overlayer_lowered  }
0x9b: {  	s22 =	simm.s32 $0x1BFF;
	s21 =	sshll.u32 s6, $0x1;
	s3 =	sadd.s32 s4, s19  }
0x9c: {  	s7 =	simm.s32 $0x0;
	s20 =	sshll.u32 s5, $0x1;
	s5 =	sadd.s32 s21, s3  }
0x9d: {  	[timem:s7], [sflag:s22] =	dma.local [hbm:s5], s20  }
0x9e: {  	_ =	swait.ge [sflag:s22], s20  }
0x9f: {  	s4 =	ssub.s32 $0x0, s20;
	[sflag:s22] =	ssyncset.done $0x0  }
0xa0: {  	[sflag:s22] =	ssyncadd.s32 s4;
	_ =	sdelay $0x1  }
0xa1: {  	s23 =	simm.s32 $0x1B8B  }
0xa2: {  	_ =	swait.ge [sflag:s23], $0x1  }
0xa3: {  	[sflag:s23] =	ssyncset.done $0x0  }
0xa4: {  	s25 =	simm.s32 $0x1B8E;
	s24 =	sld [smem:$0x3FFE];
	[sflag:s23] =	ssyncadd.s32 $0xFFFFFFFF  }
0xa5: {  	s26 =	simm.s32 $execute0_lowered;
	[smem:$0x3FD2] =	sst s25  }
0xa6: {  	s5 =	sshll.u32 s26, $0x1;
	_ =	strace $0x80000049;
	[dreg:$0x1] =	wrdreg $0xFFFFFFFF  }
0xa7: {  	s28 =	simm.s32 $_size_execute0_lowered;
	s3 =	sadd.s32 s3, s5;
	[dreg:$0x0] =	wrdreg $0x0  }
0xa8: {  	s5 =	sshll.u32 s28, $0x1;
	[dreg:$0x2] =	wrdreg s3  }
0xa9: {  	[dreg:$0x3] =	wrdreg s5  }
0xaa: {  	[dreg:$0x4] =	wrdreg $0xC0  }
0xab: {  	_ =	task [dreg:s7], $0x5FFFF  }
0xac: {  	[dreg:$0x1] =	wrdreg $0xFFFFFFFF  }
0xad: {  	[dreg:$0x0] =	wrdreg $0x60  }
0xae: {  	[dreg:$0x2] =	wrdreg s24  }
0xaf: {  	[dreg:$0x3] =	wrdreg s2  }
0xb0: {  	[dreg:$0x4] =	wrdreg $0x9  }
0xb1: {  	_ =	task.clear_ibuf [dreg:s7], $0x5FFFF;
	_ =	strace $0x90000049  }
0xb2: {  	s29 =	simm.s32 $0x9;
	_ =	strace $0x8000004B  }
0xb3: {  	_ =	swait.ge [sflag:s29], $0x1  }
0xb4: {  	[sflag:s29] =	ssyncadd.s32 $0xFFFFFFFF  }
0xb5: {  	_ =	strace $0x9000004B  }
0xb6: {  	_ =	sfence  }
0xb7: {  	s30 =	sld [smem:$0x0];
	_ =	sdelay $0x2  }
0xb8: {  	s31 =	sshll.u32 s1, $0xD;
	s1 =	sshrl.u32 s1, $0x2  }
0xb9: {  	s3 =	sand.u32 $0x4000, s31;
	s1 =	sadd.s32 s1, s30  }
0xba: {  	s0 =	sor.u32 s3, s0;
	s1 =	sshll.u32 s1, $0x11  }
0xbb: {  	s0 =	sor.u32 s1, s0  }
0xbc: {  	s0 =	sadd.s32 $0x8F2B, s0  }
0xbd: {  	[sflag:s0] =	ssyncadd.remote.s32 $0x1  }
0xbe: {  	_ =	sfence.sel $0xFFFF  }
0xbf: {  	[dreg:$0x0] =	wrdreg $0xFFFFFFFF;
	(pc) =	sbr.abs _section_cstart, $3  }
0xc0: {  	[dreg:$0x1] =	wrdreg $0xFFFFFFFF  }
0xc1: {  	_ =	task.clear_ibuf [dreg:s7], $0x2FFFF;
	_ =	strace $0x9FFFFFFF  }
0xc2: {  	(tm) =	ssettm $0x7FFFFFFF  }
0xc3: {  	_ =	shalt  }
tec
execute0_lowered:
.L_overlay_start_1:
0x0: {  	(tag) =	ssettag $0x1  }
0x1: {  	s0 =	rddreg [dreg:$0x0]  }
0x2: {  	s1 =	rddreg [dreg:$0x1]  }
0x3: {  	s2 =	srdreg.scid;
	s3 =	stileid.u32  }
0x4: {  	s12 =	simm.s32 $0x4;
	s15 =	simm.s32 $0xA100;
	s16 =	simm.s32 $0xA900  }
0x5: {  	s17 =	simm.s32 $0xB100;
	s18 =	simm.s32 $0xB900;
	s19 =	simm.s32 $0xC100  }
0x6: {  	s20 =	simm.s32 $0xC900;
	s21 =	simm.s32 $0xD100;
	s22 =	simm.s32 $0xD900  }
0x7: {  	s28 =	simm.s32 $0x1;
	s29 =	simm.s32 $0x2;
	s30 =	simm.s32 $0x10100  }
0x8: {  	s14 =	simm.s32 $0x3;
	s4 =	sand.u32 $0x1, s2;
	s2 =	simm.s32 $0x0  }
0x9: {  	s3 =	sshll.u32 s3, $0x7;
	s23 =	sadd.s32 $0x1200, s0;
	s9 =	sadd.s32 $0x1900, s0  }
0xa: {  	s5 =	sshll.u32 s4, $0x6;
	[smem:$0x7FF] =	sst s2;
	s4 =	ssub.s32 $0x2, s4  }
0xb: {  	s6 =	sor.u32 s5, s3;
	_ =	strace $0x8000004A;
	s8 =	sshrl.u32 s4, $0x1  }
0xc: {  	s3 =	sadd.s32 $0x1600, s0;
	s7 =	sshll.u32 s6, $0x2;
	s4 =	ssub.s32 s4, s8  }
0xd: {  	s25 =	sshll.u32 s6, $0x7;
	s6 =	sadd.s32 $0x1700, s0;
	s5 =	sor.u32 s5, s7  }
0xe: {  	s7 =	sadd.s32 $0x1800, s0;
	s31 =	smax.u32 s4, $0x1;
	s5 =	sshrl.u32 s5, $0x3  }
0xf: {  	s4 =	simm.s32 $0x0;
	s24 =	sor.u32 $0x20, s5;
	s5 =	sor.u32 $0x30, s5  }
0x10: {  	[dreg:$0x6] =	wrdreg s31;
	s8 =	sadd.s32 s23, s24;
	s5 =	sadd.s32 s23, s5  }
0x11: {  	v2 =	vlaneseq.u32;
	s23 =	simm.s32 $0xE100;
	[dreg:$0x3] =	wrdreg s8;
	s8 =	sadd.s32 s1, s25  }
0x12: {  	vm0 =	vmmov $0xffff;
	v1 =	vshrl.u32 v2, $0x3;
	s24 =	simm.s32 $0xE900;
	[dreg:$0x4] =	wrdreg s5;
	s26 =	sadd.s32 $0x1000, s8  }
0x13: {  	v0 =	vand.u32 $0x7, v2;
	v2 =	vor.u32 $0x8, v2;
	v1 =	vmul.u32 $0x8, v1;
	s25 =	simm.s32 $0xF100;
	[dreg:$0x5] =	wrdreg s26;
	s26 =	simm.s32 $0xF900  }
.LBB2_1:
0x14: {  	s0 =	rddreg [dreg:$0x3]  }
0x15: {  	[tilespmem:s2], [sflag:$0x4] =	stream.linear.gather [hbm4b:s0+s2], $0x40, $0x38;
	[tilespmem:$0x18100] =	vst v63  }
0x16: {  	_ =	swait.ge [sflag:s12], $0x40  }
0x17: {  	[sflag:s12] =	ssyncset.done $0x0  }
0x18: {  	s1 =	simm.s32 $0x80;
	s13 =	rddreg [dreg:$0x4];
	[sflag:s12] =	ssyncadd.s32 $0xFFFFFFC0  }
0x19: {  	[tilespmem:s1], [sflag:$0x4] =	stream.linear.gather [hbm4b:s13+s2], $0x40, $0x38;
	[tilespmem:$0x18100] =	vst v63  }
0x1a: {  	_ =	swait.ge [sflag:s12], $0x40  }
0x1b: {  	[sflag:s12] =	ssyncset.done $0x0  }
0x1c: {  	[sflag:s12] =	ssyncadd.s32 $0xFFFFFFC0  }
0x1d: {  	v3 =	vld [tilespmem:$0x0];
	_ =	sdelay $0x4  }
0x1e: {  	v4 =	vshll.u32 v3, $0x3  }
0x1f: {  	v3 =	vand.u32 $0x7, v3;
	v4 =	vand.u32 $0xFFFFFFC0, v4  }
0x20: {  	v3 =	vor.u32 v3, v4  }
0x21: {  	v4 =	vperm.xlane v3, v0;
	_ =	sdelay $0x1  }
0x22: {  	v4 =	vadd.s32 v1, v4;
	_ =	sdelay $0x3  }
0x23: {  	s1 =	simm.s32 $0x100  }
0x24: {  	[tilespmem:s1], [sflag:$0x1] =	stream.indirect_vreg.gather [hbm4b:s3+s2], $0x80, v4, vm0, $0xb8;
	[tilespmem:$0x18100] =	vst v63  }
0x25: {  	s5 =	simm.s32 $0x900;
	v3 =	vperm.xlane v3, v2  }
0x26: {  	[tilespmem:s5], [sflag:$0x1] =	stream.indirect_vreg.gather [hbm4b:s6+s2], $0x80, v4, vm0, $0xb8;
	[tilespmem:$0x18100] =	vst v63  }
0x27: {  	s10 =	simm.s32 $0x1100;
	v3 =	vadd.s32 v1, v3  }
0x28: {  	[tilespmem:s10], [sflag:$0x1] =	stream.indirect_vreg.gather [hbm4b:s7+s2], $0x80, v4, vm0, $0xb8;
	[tilespmem:$0x18100] =	vst v63  }
0x29: {  	s11 =	simm.s32 $0x1900  }
0x2a: {  	[tilespmem:s11], [sflag:$0x1] =	stream.indirect_vreg.gather [hbm4b:s9+s2], $0x80, v4, vm0, $0xb8;
	[tilespmem:$0x18100] =	vst v63  }
0x2b: {  	s13 =	simm.s32 $0x2100  }
0x2c: {  	[tilespmem:s13], [sflag:$0x1] =	stream.indirect_vreg.gather [hbm4b:s3+s2], $0x80, v3, vm0, $0xb8;
	[tilespmem:$0x18100] =	vst v63  }
0x2d: {  	s1 =	simm.s32 $0x2900  }
0x2e: {  	[tilespmem:s1], [sflag:$0x1] =	stream.indirect_vreg.gather [hbm4b:s6+s2], $0x80, v3, vm0, $0xb8;
	[tilespmem:$0x18100] =	vst v63  }
0x2f: {  	s5 =	simm.s32 $0x3100  }
0x30: {  	[tilespmem:s5], [sflag:$0x1] =	stream.indirect_vreg.gather [hbm4b:s7+s2], $0x80, v3, vm0, $0xb8;
	[tilespmem:$0x18100] =	vst v63  }
0x31: {  	s10 =	simm.s32 $0x3900  }
0x32: {  	[tilespmem:s10], [sflag:$0x1] =	stream.indirect_vreg.gather [hbm4b:s9+s2], $0x80, v3, vm0, $0xb8;
	[tilespmem:$0x18100] =	vst v63  }
0x33: {  	v3 =	vld [tilespmem:$0x10];
	_ =	sdelay $0x4  }
0x34: {  	v61 =	vshll.u32 v3, $0x3  }
0x35: {  	v3 =	vand.u32 $0x7, v3;
	v4 =	vand.u32 $0xFFFFFFC0, v61  }
0x36: {  	v3 =	vor.u32 v3, v4  }
0x37: {  	v4 =	vperm.xlane v3, v0;
	_ =	sdelay $0x1  }
0x38: {  	v4 =	vadd.s32 v1, v4;
	_ =	sdelay $0x3  }
0x39: {  	s11 =	simm.s32 $0x4100  }
0x3a: {  	[tilespmem:s11], [sflag:$0x1] =	stream.indirect_vreg.gather [hbm4b:s3+s2], $0x80, v4, vm0, $0xb8;
	[tilespmem:$0x18100] =	vst v63  }
0x3b: {  	s13 =	simm.s32 $0x4900;
	v3 =	vperm.xlane v3, v2  }
0x3c: {  	[tilespmem:s13], [sflag:$0x1] =	stream.indirect_vreg.gather [hbm4b:s6+s2], $0x80, v4, vm0, $0xb8;
	[tilespmem:$0x18100] =	vst v63  }
0x3d: {  	s1 =	simm.s32 $0x5100;
	v3 =	vadd.s32 v1, v3  }
0x3e: {  	[tilespmem:s1], [sflag:$0x1] =	stream.indirect_vreg.gather [hbm4b:s7+s2], $0x80, v4, vm0, $0xb8;
	[tilespmem:$0x18100] =	vst v63  }
0x3f: {  	s5 =	simm.s32 $0x5900  }
0x40: {  	[tilespmem:s5], [sflag:$0x1] =	stream.indirect_vreg.gather [hbm4b:s9+s2], $0x80, v4, vm0, $0xb8;
	[tilespmem:$0x18100] =	vst v63  }
0x41: {  	s10 =	simm.s32 $0x6100  }
0x42: {  	[tilespmem:s10], [sflag:$0x1] =	stream.indirect_vreg.gather [hbm4b:s3+s2], $0x80, v3, vm0, $0xb8;
	[tilespmem:$0x18100] =	vst v63  }
0x43: {  	s11 =	simm.s32 $0x6900  }
0x44: {  	[tilespmem:s11], [sflag:$0x1] =	stream.indirect_vreg.gather [hbm4b:s6+s2], $0x80, v3, vm0, $0xb8;
	[tilespmem:$0x18100] =	vst v63  }
0x45: {  	s13 =	simm.s32 $0x7100  }
0x46: {  	[tilespmem:s13], [sflag:$0x1] =	stream.indirect_vreg.gather [hbm4b:s7+s2], $0x80, v3, vm0, $0xb8;
	[tilespmem:$0x18100] =	vst v63  }
0x47: {  	s1 =	simm.s32 $0x7900  }
0x48: {  	[tilespmem:s1], [sflag:$0x1] =	stream.indirect_vreg.gather [hbm4b:s9+s2], $0x80, v3, vm0, $0xb8;
	[tilespmem:$0x18100] =	vst v63  }
0x49: {  	v3 =	vld [tilespmem:$0x80];
	_ =	sdelay $0x4  }
0x4a: {  	v62 =	vshll.u32 v3, $0x3  }
0x4b: {  	v3 =	vand.u32 $0x7, v3;
	v4 =	vand.u32 $0xFFFFFFC0, v62  }
0x4c: {  	v3 =	vor.u32 v3, v4  }
0x4d: {  	v4 =	vperm.xlane v3, v0;
	_ =	sdelay $0x1  }
0x4e: {  	v4 =	vadd.s32 v1, v4;
	_ =	sdelay $0x3  }
0x4f: {  	s5 =	simm.s32 $0x8100  }
0x50: {  	[tilespmem:s5], [sflag:$0x2] =	stream.indirect_vreg.gather [hbm4b:s3+s2], $0x80, v4, vm0, $0xb8;
	[tilespmem:$0x18100] =	vst v63  }
0x51: {  	s10 =	simm.s32 $0x8900;
	v3 =	vperm.xlane v3, v2  }
0x52: {  	[tilespmem:s10], [sflag:$0x2] =	stream.indirect_vreg.gather [hbm4b:s6+s2], $0x80, v4, vm0, $0xb8;
	[tilespmem:$0x18100] =	vst v63  }
0x53: {  	s11 =	simm.s32 $0x9100;
	v3 =	vadd.s32 v1, v3  }
0x54: {  	[tilespmem:s11], [sflag:$0x2] =	stream.indirect_vreg.gather [hbm4b:s7+s2], $0x80, v4, vm0, $0xb8;
	[tilespmem:$0x18100] =	vst v63  }
0x55: {  	s13 =	simm.s32 $0x9900  }
0x56: {  	[tilespmem:s13], [sflag:$0x2] =	stream.indirect_vreg.gather [hbm4b:s9+s2], $0x80, v4, vm0, $0xb8;
	[tilespmem:$0x18100] =	vst v63  }
0x57: {  	_ = 	snop  }
0x58: {  	[tilespmem:s15], [sflag:$0x2] =	stream.indirect_vreg.gather [hbm4b:s3+s2], $0x80, v3, vm0, $0xb8;
	[tilespmem:$0x18100] =	vst v63  }
0x59: {  	_ = 	snop  }
0x5a: {  	[tilespmem:s16], [sflag:$0x2] =	stream.indirect_vreg.gather [hbm4b:s6+s2], $0x80, v3, vm0, $0xb8;
	[tilespmem:$0x18100] =	vst v63  }
0x5b: {  	_ = 	snop  }
0x5c: {  	[tilespmem:s17], [sflag:$0x2] =	stream.indirect_vreg.gather [hbm4b:s7+s2], $0x80, v3, vm0, $0xb8;
	[tilespmem:$0x18100] =	vst v63  }
0x5d: {  	_ = 	snop  }
0x5e: {  	[tilespmem:s18], [sflag:$0x2] =	stream.indirect_vreg.gather [hbm4b:s9+s2], $0x80, v3, vm0, $0xb8;
	[tilespmem:$0x18100] =	vst v63  }
0x5f: {  	v3 =	vld [tilespmem:$0x90];
	_ =	sdelay $0x4  }
0x60: {  	v63 =	vshll.u32 v3, $0x3  }
0x61: {  	v3 =	vand.u32 $0x7, v3;
	v4 =	vand.u32 $0xFFFFFFC0, v63  }
0x62: {  	v3 =	vor.u32 v3, v4  }
0x63: {  	v4 =	vperm.xlane v3, v0;
	_ =	sdelay $0x1  }
0x64: {  	v4 =	vadd.s32 v1, v4;
	_ =	sdelay $0x4  }
0x65: {  	[tilespmem:s19], [sflag:$0x2] =	stream.indirect_vreg.gather [hbm4b:s3+s2], $0x80, v4, vm0, $0xb8;
	[tilespmem:$0x18100] =	vst v63  }
0x66: {  	v3 =	vperm.xlane v3, v2  }
0x67: {  	[tilespmem:s20], [sflag:$0x2] =	stream.indirect_vreg.gather [hbm4b:s6+s2], $0x80, v4, vm0, $0xb8;
	[tilespmem:$0x18100] =	vst v63  }
0x68: {  	v3 =	vadd.s32 v1, v3  }
0x69: {  	[tilespmem:s21], [sflag:$0x2] =	stream.indirect_vreg.gather [hbm4b:s7+s2], $0x80, v4, vm0, $0xb8;
	[tilespmem:$0x18100] =	vst v63  }
0x6a: {  	_ = 	snop  }
0x6b: {  	[tilespmem:s22], [sflag:$0x2] =	stream.indirect_vreg.gather [hbm4b:s9+s2], $0x80, v4, vm0, $0xb8;
	[tilespmem:$0x18100] =	vst v63  }
0x6c: {  	_ = 	snop  }
0x6d: {  	[tilespmem:s23], [sflag:$0x2] =	stream.indirect_vreg.gather [hbm4b:s3+s2], $0x80, v3, vm0, $0xb8;
	[tilespmem:$0x18100] =	vst v63  }
0x6e: {  	_ = 	snop  }
0x6f: {  	[tilespmem:s24], [sflag:$0x2] =	stream.indirect_vreg.gather [hbm4b:s6+s2], $0x80, v3, vm0, $0xb8;
	[tilespmem:$0x18100] =	vst v63  }
0x70: {  	_ = 	snop  }
0x71: {  	[tilespmem:s25], [sflag:$0x2] =	stream.indirect_vreg.gather [hbm4b:s7+s2], $0x80, v3, vm0, $0xb8;
	[tilespmem:$0x18100] =	vst v63  }
0x72: {  	_ = 	snop  }
0x73: {  	[tilespmem:s26], [sflag:$0x2] =	stream.indirect_vreg.gather [hbm4b:s9+s2], $0x80, v3, vm0, $0xb8;
	[tilespmem:$0x18100] =	vst v63  }
0x74: {  	_ =	swait.ge [sflag:s28], $0x8000  }
0x75: {  	[sflag:s28] =	ssyncset.done $0x0  }
0x76: {  	[sflag:s28] =	ssyncadd.s32 $0xFFFF8000  }
0x77: {  	_ =	swait.ge [sflag:s29], $0x8000  }
0x78: {  	s31 =	simm.s32 $0x0;
	s5 =	simm.s32 $0xFFFF8000;
	[sflag:s29] =	ssyncset.done $0x0  }
0x79: {  	s10 =	simm.s32 $0x0;
	s11 =	simm.s32 $0x0;
	[sflag:s29] =	ssyncadd.s32 $0xFFFF8000  }
.LBB2_2:
0x7a: {  	s0 =	sadd.s32 $0x8000, s5  }
0x7b: {  	s1 =	sand.u32 $0x380, s31;
	s0 =	sand.u32 $0x6000, s0  }
0x7c: {  	s0 =	sor.u32 s1, s0  }
0x7d: {  	v3 =	vld [tilespmem:s0+$0x100]  }
0x7e: {  	v4 =	vld [tilespmem:s0+$0x8100]  }
0x7f: {  	v5 =	vld [tilespmem:s0+$0x110]  }
0x80: {  	v6 =	vld [tilespmem:s0+$0x8110]  }
0x81: {  	v7 =	vld [tilespmem:s0+$0x120]  }
0x82: {  	v8 =	vld [tilespmem:s0+$0x8120]  }
0x83: {  	v9 =	vld [tilespmem:s0+$0x130]  }
0x84: {  	v10 =	vld [tilespmem:s0+$0x8130]  }
0x85: {  	v11 =	vld [tilespmem:s0+$0x140]  }
0x86: {  	v12 =	vld [tilespmem:s0+$0x8140]  }
0x87: {  	v13 =	vld [tilespmem:s0+$0x150]  }
0x88: {  	v14 =	vld [tilespmem:s0+$0x8150]  }
0x89: {  	v15 =	vld [tilespmem:s0+$0x160]  }
0x8a: {  	v16 =	vld [tilespmem:s0+$0x8160]  }
0x8b: {  	v17 =	vld [tilespmem:s0+$0x170]  }
0x8c: {  	v18 =	vld [tilespmem:s0+$0x8170]  }
0x8d: {  	v19 =	vld [tilespmem:s0+$0x500]  }
0x8e: {  	v20 =	vld [tilespmem:s0+$0x8500]  }
0x8f: {  	v21 =	vld [tilespmem:s0+$0x510]  }
0x90: {  	v22 =	vld [tilespmem:s0+$0x8510]  }
0x91: {  	v23 =	vld [tilespmem:s0+$0x520]  }
0x92: {  	v24 =	vld [tilespmem:s0+$0x8520]  }
0x93: {  	v25 =	vld [tilespmem:s0+$0x530]  }
0x94: {  	v26 =	vld [tilespmem:s0+$0x8530]  }
0x95: {  	v27 =	vld [tilespmem:s0+$0x540]  }
0x96: {  	v28 =	vld [tilespmem:s0+$0x8540]  }
0x97: {  	v29 =	vld [tilespmem:s0+$0x550]  }
0x98: {  	v30 =	vld [tilespmem:s0+$0x8550]  }
0x99: {  	v31 =	vld [tilespmem:s0+$0x560]  }
0x9a: {  	v32 =	vld [tilespmem:s0+$0x8560]  }
0x9b: {  	v33 =	vld [tilespmem:s0+$0x570]  }
0x9c: {  	v34 =	vld [tilespmem:s0+$0x8570]  }
0x9d: {  	v35 =	vld [tilespmem:s0+$0x900]  }
0x9e: {  	v36 =	vld [tilespmem:s0+$0x8900]  }
0x9f: {  	v37 =	vld [tilespmem:s0+$0x910]  }
0xa0: {  	v38 =	vld [tilespmem:s0+$0x8910]  }
0xa1: {  	v39 =	vld [tilespmem:s0+$0x920]  }
0xa2: {  	v40 =	vld [tilespmem:s0+$0x8920]  }
0xa3: {  	v41 =	vld [tilespmem:s0+$0x930]  }
0xa4: {  	v42 =	vld [tilespmem:s0+$0x8930]  }
0xa5: {  	v43 =	vld [tilespmem:s0+$0x940]  }
0xa6: {  	v44 =	vld [tilespmem:s0+$0x8940]  }
0xa7: {  	v45 =	vld [tilespmem:s0+$0x950]  }
0xa8: {  	v46 =	vld [tilespmem:s0+$0x8950]  }
0xa9: {  	v47 =	vld [tilespmem:s0+$0x960]  }
0xaa: {  	v48 =	vld [tilespmem:s0+$0x8960]  }
0xab: {  	v49 =	vld [tilespmem:s0+$0x970]  }
0xac: {  	v50 =	vld [tilespmem:s0+$0x8970]  }
0xad: {  	v51 =	vld [tilespmem:s0+$0xD00]  }
0xae: {  	v52 =	vld [tilespmem:s0+$0x8D00]  }
0xaf: {  	v53 =	vld [tilespmem:s0+$0xD10]  }
0xb0: {  	v54 =	vld [tilespmem:s0+$0x8D10]  }
0xb1: {  	v55 =	vld [tilespmem:s0+$0xD20]  }
0xb2: {  	v56 =	vld [tilespmem:s0+$0x8D20]  }
0xb3: {  	v57 =	vld [tilespmem:s0+$0xD30]  }
0xb4: {  	v58 =	vld [tilespmem:s0+$0x8D30]  }
0xb5: {  	v59 =	vld [tilespmem:s0+$0xD40]  }
0xb6: {  	v60 =	vld [tilespmem:s0+$0x8D40]  }
0xb7: {  	v61 =	vld [tilespmem:s0+$0xD50]  }
0xb8: {  	v62 =	vld [tilespmem:s0+$0x8D50]  }
0xb9: {  	v63 =	vld [tilespmem:s0+$0xD60]  }
0xba: {  	v3 =	vadd.f32 v4, v3;
	v4 =	vld [tilespmem:s0+$0x8D60]  }
0xbb: {  	v5 =	vadd.f32 v6, v5;
	v6 =	vld [tilespmem:s0+$0xD70]  }
0xbc: {  	v14 =	vadd.f32 v14, v13;
	v13 =	vld [tilespmem:s0+$0x9120];
	[tilespmem:s0+$0x100] =	vst v3;
	v3 =	vadd.f32 v8, v7  }
0xbd: {  	v18 =	vadd.f32 v18, v17;
	v17 =	vld [tilespmem:s0+$0x9140];
	[tilespmem:s0+$0x110] =	vst v5  }
0xbe: {  	v22 =	vadd.f32 v22, v21;
	v21 =	vld [tilespmem:s0+$0x9160];
	[tilespmem:s0+$0x120] =	vst v3;
	v3 =	vadd.f32 v12, v11  }
0xbf: {  	v7 =	vld [tilespmem:s0+$0x8D70];
	[tilespmem:s0+$0x150] =	vst v14  }
0xc0: {  	v8 =	vld [tilespmem:s0+$0x1100];
	[tilespmem:s0+$0x140] =	vst v3;
	v3 =	vadd.f32 v16, v15  }
0xc1: {  	v5 =	vadd.f32 v10, v9;
	v9 =	vld [tilespmem:s0+$0x9100];
	[tilespmem:s0+$0x170] =	vst v18  }
0xc2: {  	v10 =	vld [tilespmem:s0+$0x1110];
	[tilespmem:s0+$0x160] =	vst v3;
	v3 =	vadd.f32 v20, v19  }
0xc3: {  	v26 =	vadd.f32 v26, v25;
	v14 =	vld [tilespmem:s0+$0x1130];
	[tilespmem:s0+$0x510] =	vst v22  }
0xc4: {  	v18 =	vld [tilespmem:s0+$0x1150];
	[tilespmem:s0+$0x500] =	vst v3;
	v3 =	vadd.f32 v24, v23  }
0xc5: {  	v30 =	vadd.f32 v30, v29;
	[tilespmem:s0+$0x530] =	vst v26;
	v22 =	vld [tilespmem:s0+$0x1170]  }
0xc6: {  	v19 =	vld [tilespmem:s0+$0x9150];
	[tilespmem:s0+$0x520] =	vst v3;
	v3 =	vadd.f32 v28, v27  }
0xc7: {  	v34 =	vadd.f32 v34, v33;
	[tilespmem:s0+$0x550] =	vst v30;
	v11 =	vld [tilespmem:s0+$0x9110]  }
0xc8: {  	v12 =	vld [tilespmem:s0+$0x1120];
	[tilespmem:s0+$0x540] =	vst v3;
	v3 =	vadd.f32 v32, v31  }
0xc9: {  	[tilespmem:s0+$0x570] =	vst v34;
	v15 =	vld [tilespmem:s0+$0x9130]  }
0xca: {  	v16 =	vld [tilespmem:s0+$0x1140];
	[tilespmem:s0+$0x560] =	vst v3;
	v3 =	vadd.f32 v36, v35  }
0xcb: {  	[tilespmem:s0+$0x130] =	vst v5;
	v20 =	vld [tilespmem:s0+$0x1160];
	v19 =	vadd.f32 v19, v18  }
0xcc: {  	v24 =	vld [tilespmem:s0+$0x1500];
	[tilespmem:s0+$0x900] =	vst v3;
	v3 =	vadd.f32 v40, v39  }
0xcd: {  	[tilespmem:s0+$0x1150] =	vst v19;
	v36 =	vadd.f32 v38, v37;
	v37 =	vld [tilespmem:s0+$0x9170]  }
0xce: {  	v38 =	vadd.f32 v42, v41;
	v41 =	vld [tilespmem:s0+$0x1510];
	[tilespmem:s0+$0x920] =	vst v3;
	v3 =	vadd.f32 v44, v43  }
0xcf: {  	v42 =	vld [tilespmem:s0+$0x9510];
	[tilespmem:s0+$0x910] =	vst v36  }
0xd0: {  	v35 =	vld [tilespmem:s0+$0x1910];
	[tilespmem:s0+$0x940] =	vst v3;
	v3 =	vadd.f32 v48, v47  }
0xd1: {  	v39 =	vld [tilespmem:s0+$0x9500];
	[tilespmem:s0+$0x930] =	vst v38;
	v40 =	vadd.f32 v46, v45  }
0xd2: {  	v45 =	vld [tilespmem:s0+$0x9520];
	[tilespmem:s0+$0x960] =	vst v3;
	v3 =	vadd.f32 v52, v51  }
0xd3: {  	v46 =	vadd.f32 v54, v53;
	v53 =	vld [tilespmem:s0+$0x1550];
	[tilespmem:s0+$0x950] =	vst v40  }
0xd4: {  	v54 =	vld [tilespmem:s0+$0x9550];
	[tilespmem:s0+$0xD00] =	vst v3;
	v3 =	vadd.f32 v56, v55  }
0xd5: {  	v36 =	vld [tilespmem:s0+$0x9910];
	v43 =	vadd.f32 v50, v49;
	[tilespmem:s0+$0xD10] =	vst v46  }
0xd6: {  	v38 =	vld [tilespmem:s0+$0x1920];
	[tilespmem:s0+$0xD20] =	vst v3;
	v3 =	vadd.f32 v60, v59  }
0xd7: {  	v44 =	vld [tilespmem:s0+$0x1520];
	v49 =	vadd.f32 v58, v57;
	[tilespmem:s0+$0x970] =	vst v43  }
0xd8: {  	v50 =	vld [tilespmem:s0+$0x1540];
	[tilespmem:s0+$0xD40] =	vst v3;
	v3 =	vadd.f32 v4, v63  }
0xd9: {  	v57 =	vld [tilespmem:s0+$0x9560];
	v58 =	vadd.f32 v11, v10;
	[tilespmem:s0+$0xD30] =	vst v49  }
0xda: {  	v46 =	vld [tilespmem:s0+$0x9950];
	[tilespmem:s0+$0xD60] =	vst v3;
	v3 =	vadd.f32 v9, v8  }
0xdb: {  	v37 =	vadd.f32 v37, v22;
	v40 =	vadd.f32 v42, v41;
	v41 =	vld [tilespmem:s0+$0x1930];
	[tilespmem:s0+$0x1110] =	vst v58  }
0xdc: {  	v42 =	vld [tilespmem:s0+$0x9930];
	[tilespmem:s0+$0x1100] =	vst v3;
	v3 =	vadd.f32 v13, v12  }
0xdd: {  	v47 =	vld [tilespmem:s0+$0x1530];
	[tilespmem:s0+$0x1170] =	vst v37  }
0xde: {  	v48 =	vld [tilespmem:s0+$0x9530];
	[tilespmem:s0+$0x1120] =	vst v3;
	v3 =	vadd.f32 v17, v16  }
0xdf: {  	v49 =	vld [tilespmem:s0+$0x9960];
	[tilespmem:s0+$0x1510] =	vst v40;
	v52 =	vadd.f32 v62, v61  }
0xe0: {  	v51 =	vld [tilespmem:s0+$0x9540];
	[tilespmem:s0+$0x1140] =	vst v3;
	v3 =	vadd.f32 v21, v20  }
0xe1: {  	v61 =	vadd.f32 v15, v14;
	v62 =	vld [tilespmem:s0+$0x1900];
	[tilespmem:s0+$0xD50] =	vst v52  }
0xe2: {  	v56 =	vld [tilespmem:s0+$0x1560];
	[tilespmem:s0+$0x1160] =	vst v3;
	v3 =	vadd.f32 v39, v24  }
0xe3: {  	v55 =	vadd.f32 v7, v6;
	[tilespmem:s0+$0x1130] =	vst v61;
	v52 =	vld [tilespmem:s0+$0x9970]  }
0xe4: {  	v43 =	vadd.f32 v48, v47;
	v47 =	vld [tilespmem:s0+$0x1960];
	[tilespmem:s0+$0x1500] =	vst v3;
	v3 =	vadd.f32 v45, v44  }
0xe5: {  	[tilespmem:s0+$0xD70] =	vst v55;
	v63 =	vld [tilespmem:s0+$0x9900]  }
0xe6: {  	v59 =	vld [tilespmem:s0+$0x1570];
	[tilespmem:s0+$0x1520] =	vst v3;
	v3 =	vadd.f32 v51, v50  }
0xe7: {  	[tilespmem:s0+$0x1530] =	vst v43;
	v4 =	vadd.f32 v54, v53;
	v39 =	vld [tilespmem:s0+$0x9920]  }
0xe8: {  	v60 =	vld [tilespmem:s0+$0x9570];
	[tilespmem:s0+$0x1540] =	vst v3;
	v3 =	vadd.f32 v57, v56  }
0xe9: {  	v54 =	vadd.f32 v42, v41;
	[tilespmem:s0+$0x1550] =	vst v4;
	v45 =	vld [tilespmem:s0+$0x1950]  }
0xea: {  	v53 =	vld [tilespmem:s0+$0x9940];
	[tilespmem:s0+$0x1560] =	vst v3;
	v3 =	vadd.f32 v63, v62  }
0xeb: {  	[tilespmem:s0+$0x1930] =	vst v54;
	v55 =	vadd.f32 v49, v47;
	v50 =	vld [tilespmem:s0+$0x1970]  }
0xec: {  	v44 =	vld [tilespmem:s0+$0x1940];
	[tilespmem:s0+$0x1900] =	vst v3;
	v3 =	vadd.f32 v39, v38  }
0xed: {  	v48 =	vadd.f32 v60, v59;
	[tilespmem:s0+$0x1960] =	vst v55  }
0xee: {  	[tilespmem:s0+$0x1920] =	vst v3;
	v3 =	vadd.f32 v46, v45  }
0xef: {  	s13 =	sand.u32 $0x7, s10;
	[tilespmem:s0+$0x1570] =	vst v48;
	v51 =	vadd.f32 v36, v35  }
0xf0: {  	s1 =	sshll.u32 s13, $0x7;
	[tilespmem:s0+$0x1950] =	vst v3;
	v3 =	vadd.f32 v52, v50  }
0xf1: {  	s1 =	sadd.s32 s1, s11;
	[tilespmem:s0+$0x1910] =	vst v51;
	v56 =	vadd.f32 v53, v44  }
0xf2: {  	s13 =	sor.u32 $0x1C00, s1;
	[tilespmem:s0+$0x1970] =	vst v3  }
0xf3: {  	[tilespmem:s0+$0x1940] =	vst v56;
	v3 =	vld [tilespmem:s13+$0x100]  }
0xf4: {  	v4 =	vld [tilespmem:s13+$0x8100];
	_ =	sdelay $0x4  }
0xf5: {  	v3 =	vadd.f32 v4, v3;
	_ =	sdelay $0x1  }
0xf6: {  	[tilespmem:s13+$0x100] =	vst v3;
	s13 =	sor.u32 $0x1C10, s1  }
0xf7: {  	v3 =	vld [tilespmem:s13+$0x100]  }
0xf8: {  	v57 =	vld [tilespmem:s13+$0x8100];
	_ =	sdelay $0x4  }
0xf9: {  	v3 =	vadd.f32 v57, v3;
	_ =	sdelay $0x1  }
0xfa: {  	[tilespmem:s13+$0x100] =	vst v3;
	s13 =	sor.u32 $0x1C20, s1  }
0xfb: {  	v3 =	vld [tilespmem:s13+$0x100]  }
0xfc: {  	v58 =	vld [tilespmem:s13+$0x8100];
	_ =	sdelay $0x4  }
0xfd: {  	v3 =	vadd.f32 v58, v3;
	_ =	sdelay $0x1  }
0xfe: {  	[tilespmem:s13+$0x100] =	vst v3;
	s13 =	sor.u32 $0x1C30, s1  }
0xff: {  	v3 =	vld [tilespmem:s13+$0x100]  }
0x100: {  	v59 =	vld [tilespmem:s13+$0x8100];
	_ =	sdelay $0x4  }
0x101: {  	v3 =	vadd.f32 v59, v3;
	_ =	sdelay $0x1  }
0x102: {  	[tilespmem:s13+$0x100] =	vst v3;
	s13 =	sor.u32 $0x1C40, s1  }
0x103: {  	v3 =	vld [tilespmem:s13+$0x100]  }
0x104: {  	v60 =	vld [tilespmem:s13+$0x8100];
	_ =	sdelay $0x4  }
0x105: {  	v3 =	vadd.f32 v60, v3;
	_ =	sdelay $0x1  }
0x106: {  	[tilespmem:s13+$0x100] =	vst v3;
	s13 =	sor.u32 $0x1C50, s1  }
0x107: {  	v3 =	vld [tilespmem:s13+$0x100]  }
0x108: {  	v61 =	vld [tilespmem:s13+$0x8100];
	_ =	sdelay $0x4  }
0x109: {  	v3 =	vadd.f32 v61, v3;
	_ =	sdelay $0x1  }
0x10a: {  	[tilespmem:s13+$0x100] =	vst v3;
	s13 =	sor.u32 $0x1C60, s1  }
0x10b: {  	v3 =	vld [tilespmem:s13+$0x100]  }
0x10c: {  	v62 =	vld [tilespmem:s13+$0x8100];
	_ =	sdelay $0x4  }
0x10d: {  	v3 =	vadd.f32 v62, v3;
	_ =	sdelay $0x1  }
0x10e: {  	[tilespmem:s13+$0x100] =	vst v3;
	s13 =	sor.u32 $0x1C70, s1  }
0x10f: {  	v3 =	vld [tilespmem:s13+$0x100]  }
0x110: {  	v63 =	vld [tilespmem:s13+$0x8100];
	_ =	sdelay $0x1  }
0x111: {  	p0 =	sne.s32 s31, $0xF80  }
.Ltmp0:
0x112: {  	_ = 	snop;
	(pc) =	sbr.rel @p0 .LBB2_2-.Ltmp0, $4  }
0x113: {  	_ = 	snop  }
0x114: {  	v3 =	vadd.f32 v63, v3  }
0x115: {  	s10 =	sadd.s32 $0x1, s10  }
0x116: {  	s5 =	sadd.s32 $0x400, s5;
	s31 =	sadd.s32 $0x80, s31;
	s11 =	sadd.s32 $0x400, s11;
	[tilespmem:s13+$0x100] =	vst v3  }
0x117: {  	s5 =	simm.s32 $0x0;
	s0 =	simm.s32 $0x100  }
0x118: {  	[hbm4b:s8+s5] =	stream.linear.scatter [tilespmem:s0], [sflag:$0x3], $0x8000, $0x38;
	[tilespmem:$0x18100] =	vst v63  }
0x119: {  	v3 =	vld [tilespmem:$0x20];
	_ =	sdelay $0x4  }
0x11a: {  	v4 =	vshll.u32 v3, $0x3  }
0x11b: {  	v3 =	vand.u32 $0x7, v3;
	v4 =	vand.u32 $0xFFFFFFC0, v4  }
0x11c: {  	v3 =	vor.u32 v3, v4  }
0x11d: {  	v4 =	vperm.xlane v3, v0;
	_ =	sdelay $0x1  }
0x11e: {  	v4 =	vadd.s32 v1, v4;
	_ =	sdelay $0x4  }
0x11f: {  	[tilespmem:s30], [sflag:$0x1] =	stream.indirect_vreg.gather [hbm4b:s3+s5], $0x80, v4, vm0, $0xb8;
	[tilespmem:$0x18100] =	vst v63  }
0x120: {  	s10 =	simm.s32 $0x10900;
	v3 =	vperm.xlane v3, v2  }
0x121: {  	[tilespmem:s10], [sflag:$0x1] =	stream.indirect_vreg.gather [hbm4b:s6+s5], $0x80, v4, vm0, $0xb8;
	[tilespmem:$0x18100] =	vst v63  }
0x122: {  	s11 =	simm.s32 $0x11100;
	v3 =	vadd.s32 v1, v3  }
0x123: {  	[tilespmem:s11], [sflag:$0x1] =	stream.indirect_vreg.gather [hbm4b:s7+s5], $0x80, v4, vm0, $0xb8;
	[tilespmem:$0x18100] =	vst v63  }
0x124: {  	s13 =	simm.s32 $0x11900  }
0x125: {  	[tilespmem:s13], [sflag:$0x1] =	stream.indirect_vreg.gather [hbm4b:s9+s5], $0x80, v4, vm0, $0xb8;
	[tilespmem:$0x18100] =	vst v63  }
0x126: {  	s1 =	simm.s32 $0x12100  }
0x127: {  	[tilespmem:s1], [sflag:$0x1] =	stream.indirect_vreg.gather [hbm4b:s3+s5], $0x80, v3, vm0, $0xb8;
	[tilespmem:$0x18100] =	vst v63  }
0x128: {  	s10 =	simm.s32 $0x12900  }
0x129: {  	[tilespmem:s10], [sflag:$0x1] =	stream.indirect_vreg.gather [hbm4b:s6+s5], $0x80, v3, vm0, $0xb8;
	[tilespmem:$0x18100] =	vst v63  }
0x12a: {  	s11 =	simm.s32 $0x13100  }
0x12b: {  	[tilespmem:s11], [sflag:$0x1] =	stream.indirect_vreg.gather [hbm4b:s7+s5], $0x80, v3, vm0, $0xb8;
	[tilespmem:$0x18100] =	vst v63  }
0x12c: {  	s13 =	simm.s32 $0x13900  }
0x12d: {  	[tilespmem:s13], [sflag:$0x1] =	stream.indirect_vreg.gather [hbm4b:s9+s5], $0x80, v3, vm0, $0xb8;
	[tilespmem:$0x18100] =	vst v63  }
0x12e: {  	v3 =	vld [tilespmem:$0x30];
	_ =	sdelay $0x4  }
0x12f: {  	v61 =	vshll.u32 v3, $0x3  }
0x130: {  	v3 =	vand.u32 $0x7, v3;
	v4 =	vand.u32 $0xFFFFFFC0, v61  }
0x131: {  	v3 =	vor.u32 v3, v4  }
0x132: {  	v4 =	vperm.xlane v3, v0;
	_ =	sdelay $0x1  }
0x133: {  	v4 =	vadd.s32 v1, v4;
	_ =	sdelay $0x3  }
0x134: {  	s1 =	simm.s32 $0x14100  }
0x135: {  	[tilespmem:s1], [sflag:$0x1] =	stream.indirect_vreg.gather [hbm4b:s3+s5], $0x80, v4, vm0, $0xb8;
	[tilespmem:$0x18100] =	vst v63  }
0x136: {  	s10 =	simm.s32 $0x14900;
	v3 =	vperm.xlane v3, v2  }
0x137: {  	[tilespmem:s10], [sflag:$0x1] =	stream.indirect_vreg.gather [hbm4b:s6+s5], $0x80, v4, vm0, $0xb8;
	[tilespmem:$0x18100] =	vst v63  }
0x138: {  	s11 =	simm.s32 $0x15100;
	v3 =	vadd.s32 v1, v3  }
0x139: {  	[tilespmem:s11], [sflag:$0x1] =	stream.indirect_vreg.gather [hbm4b:s7+s5], $0x80, v4, vm0, $0xb8;
	[tilespmem:$0x18100] =	vst v63  }
0x13a: {  	s13 =	simm.s32 $0x15900  }
0x13b: {  	[tilespmem:s13], [sflag:$0x1] =	stream.indirect_vreg.gather [hbm4b:s9+s5], $0x80, v4, vm0, $0xb8;
	[tilespmem:$0x18100] =	vst v63  }
0x13c: {  	s1 =	simm.s32 $0x16100  }
0x13d: {  	[tilespmem:s1], [sflag:$0x1] =	stream.indirect_vreg.gather [hbm4b:s3+s5], $0x80, v3, vm0, $0xb8;
	[tilespmem:$0x18100] =	vst v63  }
0x13e: {  	s10 =	simm.s32 $0x16900  }
0x13f: {  	[tilespmem:s10], [sflag:$0x1] =	stream.indirect_vreg.gather [hbm4b:s6+s5], $0x80, v3, vm0, $0xb8;
	[tilespmem:$0x18100] =	vst v63  }
0x140: {  	s11 =	simm.s32 $0x17100  }
0x141: {  	[tilespmem:s11], [sflag:$0x1] =	stream.indirect_vreg.gather [hbm4b:s7+s5], $0x80, v3, vm0, $0xb8;
	[tilespmem:$0x18100] =	vst v63  }
0x142: {  	s13 =	simm.s32 $0x17900  }
0x143: {  	[tilespmem:s13], [sflag:$0x1] =	stream.indirect_vreg.gather [hbm4b:s9+s5], $0x80, v3, vm0, $0xb8;
	[tilespmem:$0x18100] =	vst v63  }
0x144: {  	v3 =	vld [tilespmem:$0xA0];
	_ =	sdelay $0x4  }
0x145: {  	v62 =	vshll.u32 v3, $0x3  }
0x146: {  	v3 =	vand.u32 $0x7, v3;
	v4 =	vand.u32 $0xFFFFFFC0, v62  }
0x147: {  	v3 =	vor.u32 v3, v4  }
0x148: {  	v4 =	vperm.xlane v3, v0;
	_ =	sdelay $0x1  }
0x149: {  	v4 =	vadd.s32 v1, v4;
	_ =	sdelay $0x3  }
0x14a: {  	s1 =	simm.s32 $0x8100  }
0x14b: {  	[tilespmem:s1], [sflag:$0x2] =	stream.indirect_vreg.gather [hbm4b:s3+s5], $0x80, v4, vm0, $0xb8;
	[tilespmem:$0x18100] =	vst v63  }
0x14c: {  	s10 =	simm.s32 $0x8900;
	v3 =	vperm.xlane v3, v2  }
0x14d: {  	[tilespmem:s10], [sflag:$0x2] =	stream.indirect_vreg.gather [hbm4b:s6+s5], $0x80, v4, vm0, $0xb8;
	[tilespmem:$0x18100] =	vst v63  }
0x14e: {  	s11 =	simm.s32 $0x9100;
	v3 =	vadd.s32 v1, v3  }
0x14f: {  	[tilespmem:s11], [sflag:$0x2] =	stream.indirect_vreg.gather [hbm4b:s7+s5], $0x80, v4, vm0, $0xb8;
	[tilespmem:$0x18100] =	vst v63  }
0x150: {  	s13 =	simm.s32 $0x9900  }
0x151: {  	[tilespmem:s13], [sflag:$0x2] =	stream.indirect_vreg.gather [hbm4b:s9+s5], $0x80, v4, vm0, $0xb8;
	[tilespmem:$0x18100] =	vst v63  }
0x152: {  	_ = 	snop  }
0x153: {  	[tilespmem:s15], [sflag:$0x2] =	stream.indirect_vreg.gather [hbm4b:s3+s5], $0x80, v3, vm0, $0xb8;
	[tilespmem:$0x18100] =	vst v63  }
0x154: {  	_ = 	snop  }
0x155: {  	[tilespmem:s16], [sflag:$0x2] =	stream.indirect_vreg.gather [hbm4b:s6+s5], $0x80, v3, vm0, $0xb8;
	[tilespmem:$0x18100] =	vst v63  }
0x156: {  	_ = 	snop  }
0x157: {  	[tilespmem:s17], [sflag:$0x2] =	stream.indirect_vreg.gather [hbm4b:s7+s5], $0x80, v3, vm0, $0xb8;
	[tilespmem:$0x18100] =	vst v63  }
0x158: {  	_ = 	snop  }
0x159: {  	[tilespmem:s18], [sflag:$0x2] =	stream.indirect_vreg.gather [hbm4b:s9+s5], $0x80, v3, vm0, $0xb8;
	[tilespmem:$0x18100] =	vst v63  }
0x15a: {  	v3 =	vld [tilespmem:$0xB0];
	_ =	sdelay $0x4  }
0x15b: {  	v63 =	vshll.u32 v3, $0x3  }
0x15c: {  	v3 =	vand.u32 $0x7, v3;
	v4 =	vand.u32 $0xFFFFFFC0, v63  }
0x15d: {  	v3 =	vor.u32 v3, v4  }
0x15e: {  	v4 =	vperm.xlane v3, v0;
	_ =	sdelay $0x1  }
0x15f: {  	v4 =	vadd.s32 v1, v4;
	_ =	sdelay $0x4  }
0x160: {  	[tilespmem:s19], [sflag:$0x2] =	stream.indirect_vreg.gather [hbm4b:s3+s5], $0x80, v4, vm0, $0xb8;
	[tilespmem:$0x18100] =	vst v63  }
0x161: {  	v3 =	vperm.xlane v3, v2  }
0x162: {  	[tilespmem:s20], [sflag:$0x2] =	stream.indirect_vreg.gather [hbm4b:s6+s5], $0x80, v4, vm0, $0xb8;
	[tilespmem:$0x18100] =	vst v63  }
0x163: {  	v3 =	vadd.s32 v1, v3  }
0x164: {  	[tilespmem:s21], [sflag:$0x2] =	stream.indirect_vreg.gather [hbm4b:s7+s5], $0x80, v4, vm0, $0xb8;
	[tilespmem:$0x18100] =	vst v63  }
0x165: {  	_ = 	snop  }
0x166: {  	[tilespmem:s22], [sflag:$0x2] =	stream.indirect_vreg.gather [hbm4b:s9+s5], $0x80, v4, vm0, $0xb8;
	[tilespmem:$0x18100] =	vst v63  }
0x167: {  	_ = 	snop  }
0x168: {  	[tilespmem:s23], [sflag:$0x2] =	stream.indirect_vreg.gather [hbm4b:s3+s5], $0x80, v3, vm0, $0xb8;
	[tilespmem:$0x18100] =	vst v63  }
0x169: {  	_ = 	snop  }
0x16a: {  	[tilespmem:s24], [sflag:$0x2] =	stream.indirect_vreg.gather [hbm4b:s6+s5], $0x80, v3, vm0, $0xb8;
	[tilespmem:$0x18100] =	vst v63  }
0x16b: {  	_ = 	snop  }
0x16c: {  	[tilespmem:s25], [sflag:$0x2] =	stream.indirect_vreg.gather [hbm4b:s7+s5], $0x80, v3, vm0, $0xb8;
	[tilespmem:$0x18100] =	vst v63  }
0x16d: {  	_ = 	snop  }
0x16e: {  	[tilespmem:s26], [sflag:$0x2] =	stream.indirect_vreg.gather [hbm4b:s9+s5], $0x80, v3, vm0, $0xb8;
	[tilespmem:$0x18100] =	vst v63  }
0x16f: {  	_ =	swait.ge [sflag:s28], $0x8000  }
0x170: {  	[sflag:s28] =	ssyncset.done $0x0  }
0x171: {  	[sflag:s28] =	ssyncadd.s32 $0xFFFF8000  }
0x172: {  	_ =	swait.ge [sflag:s29], $0x8000  }
0x173: {  	s31 =	simm.s32 $0x0;
	[sflag:s29] =	ssyncset.done $0x0  }
0x174: {  	s10 =	simm.s32 $0xFFFF8000;
	s11 =	simm.s32 $0x0;
	[sflag:s29] =	ssyncadd.s32 $0xFFFF8000  }
.LBB2_4:
0x175: {  	s0 =	sadd.s32 $0x8000, s10  }
0x176: {  	s1 =	sand.u32 $0x380, s31;
	s0 =	sand.u32 $0x6000, s0  }
0x177: {  	s0 =	sor.u32 s1, s0  }
0x178: {  	v3 =	vld [tilespmem:s0+$0x10100]  }
0x179: {  	v4 =	vld [tilespmem:s0+$0x8100]  }
0x17a: {  	v5 =	vld [tilespmem:s0+$0x10110]  }
0x17b: {  	v6 =	vld [tilespmem:s0+$0x8110]  }
0x17c: {  	v7 =	vld [tilespmem:s0+$0x10120]  }
0x17d: {  	v8 =	vld [tilespmem:s0+$0x8120]  }
0x17e: {  	v9 =	vld [tilespmem:s0+$0x10130]  }
0x17f: {  	v10 =	vld [tilespmem:s0+$0x8130]  }
0x180: {  	v11 =	vld [tilespmem:s0+$0x10140]  }
0x181: {  	v12 =	vld [tilespmem:s0+$0x8140]  }
0x182: {  	v13 =	vld [tilespmem:s0+$0x10150]  }
0x183: {  	v14 =	vld [tilespmem:s0+$0x8150]  }
0x184: {  	v15 =	vld [tilespmem:s0+$0x10160]  }
0x185: {  	v16 =	vld [tilespmem:s0+$0x8160]  }
0x186: {  	v17 =	vld [tilespmem:s0+$0x10170]  }
0x187: {  	v18 =	vld [tilespmem:s0+$0x8170]  }
0x188: {  	v19 =	vld [tilespmem:s0+$0x10500]  }
0x189: {  	v20 =	vld [tilespmem:s0+$0x8500]  }
0x18a: {  	v21 =	vld [tilespmem:s0+$0x10510]  }
0x18b: {  	v22 =	vld [tilespmem:s0+$0x8510]  }
0x18c: {  	v23 =	vld [tilespmem:s0+$0x10520]  }
0x18d: {  	v24 =	vld [tilespmem:s0+$0x8520]  }
0x18e: {  	v25 =	vld [tilespmem:s0+$0x10530]  }
0x18f: {  	v26 =	vld [tilespmem:s0+$0x8530]  }
0x190: {  	v27 =	vld [tilespmem:s0+$0x10540]  }
0x191: {  	v28 =	vld [tilespmem:s0+$0x8540]  }
0x192: {  	v29 =	vld [tilespmem:s0+$0x10550]  }
0x193: {  	v30 =	vld [tilespmem:s0+$0x8550]  }
0x194: {  	v31 =	vld [tilespmem:s0+$0x10560]  }
0x195: {  	v32 =	vld [tilespmem:s0+$0x8560]  }
0x196: {  	v33 =	vld [tilespmem:s0+$0x10570]  }
0x197: {  	v34 =	vld [tilespmem:s0+$0x8570]  }
0x198: {  	v35 =	vld [tilespmem:s0+$0x10900]  }
0x199: {  	v36 =	vld [tilespmem:s0+$0x8900]  }
0x19a: {  	v37 =	vld [tilespmem:s0+$0x10910]  }
0x19b: {  	v38 =	vld [tilespmem:s0+$0x8910]  }
0x19c: {  	v39 =	vld [tilespmem:s0+$0x10920]  }
0x19d: {  	v40 =	vld [tilespmem:s0+$0x8920]  }
0x19e: {  	v41 =	vld [tilespmem:s0+$0x10930]  }
0x19f: {  	v42 =	vld [tilespmem:s0+$0x8930]  }
0x1a0: {  	v43 =	vld [tilespmem:s0+$0x10940]  }
0x1a1: {  	v44 =	vld [tilespmem:s0+$0x8940]  }
0x1a2: {  	v45 =	vld [tilespmem:s0+$0x10950]  }
0x1a3: {  	v46 =	vld [tilespmem:s0+$0x8950]  }
0x1a4: {  	v47 =	vld [tilespmem:s0+$0x10960]  }
0x1a5: {  	v48 =	vld [tilespmem:s0+$0x8960]  }
0x1a6: {  	v49 =	vld [tilespmem:s0+$0x10970]  }
0x1a7: {  	v50 =	vld [tilespmem:s0+$0x8970]  }
0x1a8: {  	v51 =	vld [tilespmem:s0+$0x10D00]  }
0x1a9: {  	v52 =	vld [tilespmem:s0+$0x8D00]  }
0x1aa: {  	v53 =	vld [tilespmem:s0+$0x10D10]  }
0x1ab: {  	v54 =	vld [tilespmem:s0+$0x8D10]  }
0x1ac: {  	v55 =	vld [tilespmem:s0+$0x10D20]  }
0x1ad: {  	v56 =	vld [tilespmem:s0+$0x8D20]  }
0x1ae: {  	v57 =	vld [tilespmem:s0+$0x10D30]  }
0x1af: {  	v58 =	vld [tilespmem:s0+$0x8D30]  }
0x1b0: {  	v59 =	vld [tilespmem:s0+$0x10D40]  }
0x1b1: {  	v60 =	vld [tilespmem:s0+$0x8D40]  }
0x1b2: {  	v61 =	vld [tilespmem:s0+$0x10D50]  }
0x1b3: {  	v62 =	vld [tilespmem:s0+$0x8D50]  }
0x1b4: {  	v63 =	vld [tilespmem:s0+$0x10D60]  }
0x1b5: {  	v3 =	vadd.f32 v4, v3;
	v4 =	vld [tilespmem:s0+$0x8D60]  }
0x1b6: {  	v5 =	vadd.f32 v6, v5;
	v6 =	vld [tilespmem:s0+$0x10D70]  }
0x1b7: {  	v14 =	vadd.f32 v14, v13;
	v13 =	vld [tilespmem:s0+$0x9120];
	[tilespmem:s0+$0x10100] =	vst v3;
	v3 =	vadd.f32 v8, v7  }
0x1b8: {  	v18 =	vadd.f32 v18, v17;
	v17 =	vld [tilespmem:s0+$0x9140];
	[tilespmem:s0+$0x10110] =	vst v5  }
0x1b9: {  	v22 =	vadd.f32 v22, v21;
	v21 =	vld [tilespmem:s0+$0x9160];
	[tilespmem:s0+$0x10120] =	vst v3;
	v3 =	vadd.f32 v12, v11  }
0x1ba: {  	v7 =	vld [tilespmem:s0+$0x8D70];
	[tilespmem:s0+$0x10150] =	vst v14  }
0x1bb: {  	v8 =	vld [tilespmem:s0+$0x11100];
	[tilespmem:s0+$0x10140] =	vst v3;
	v3 =	vadd.f32 v16, v15  }
0x1bc: {  	v5 =	vadd.f32 v10, v9;
	v9 =	vld [tilespmem:s0+$0x9100];
	[tilespmem:s0+$0x10170] =	vst v18  }
0x1bd: {  	v10 =	vld [tilespmem:s0+$0x11110];
	[tilespmem:s0+$0x10160] =	vst v3;
	v3 =	vadd.f32 v20, v19  }
0x1be: {  	v26 =	vadd.f32 v26, v25;
	v14 =	vld [tilespmem:s0+$0x11130];
	[tilespmem:s0+$0x10510] =	vst v22  }
0x1bf: {  	v18 =	vld [tilespmem:s0+$0x11150];
	[tilespmem:s0+$0x10500] =	vst v3;
	v3 =	vadd.f32 v24, v23  }
0x1c0: {  	v30 =	vadd.f32 v30, v29;
	[tilespmem:s0+$0x10530] =	vst v26;
	v22 =	vld [tilespmem:s0+$0x11170]  }
0x1c1: {  	v19 =	vld [tilespmem:s0+$0x9150];
	[tilespmem:s0+$0x10520] =	vst v3;
	v3 =	vadd.f32 v28, v27  }
0x1c2: {  	v34 =	vadd.f32 v34, v33;
	[tilespmem:s0+$0x10550] =	vst v30;
	v11 =	vld [tilespmem:s0+$0x9110]  }
0x1c3: {  	v12 =	vld [tilespmem:s0+$0x11120];
	[tilespmem:s0+$0x10540] =	vst v3;
	v3 =	vadd.f32 v32, v31  }
0x1c4: {  	[tilespmem:s0+$0x10570] =	vst v34;
	v15 =	vld [tilespmem:s0+$0x9130]  }
0x1c5: {  	v16 =	vld [tilespmem:s0+$0x11140];
	[tilespmem:s0+$0x10560] =	vst v3;
	v3 =	vadd.f32 v36, v35  }
0x1c6: {  	[tilespmem:s0+$0x10130] =	vst v5;
	v20 =	vld [tilespmem:s0+$0x11160];
	v19 =	vadd.f32 v19, v18  }
0x1c7: {  	v24 =	vld [tilespmem:s0+$0x11500];
	[tilespmem:s0+$0x10900] =	vst v3;
	v3 =	vadd.f32 v40, v39  }
0x1c8: {  	[tilespmem:s0+$0x11150] =	vst v19;
	v36 =	vadd.f32 v38, v37;
	v37 =	vld [tilespmem:s0+$0x9170]  }
0x1c9: {  	v38 =	vadd.f32 v42, v41;
	v41 =	vld [tilespmem:s0+$0x11510];
	[tilespmem:s0+$0x10920] =	vst v3;
	v3 =	vadd.f32 v44, v43  }
0x1ca: {  	v42 =	vld [tilespmem:s0+$0x9510];
	[tilespmem:s0+$0x10910] =	vst v36  }
0x1cb: {  	v35 =	vld [tilespmem:s0+$0x11910];
	[tilespmem:s0+$0x10940] =	vst v3;
	v3 =	vadd.f32 v48, v47  }
0x1cc: {  	v39 =	vld [tilespmem:s0+$0x9500];
	[tilespmem:s0+$0x10930] =	vst v38;
	v40 =	vadd.f32 v46, v45  }
0x1cd: {  	v45 =	vld [tilespmem:s0+$0x9520];
	[tilespmem:s0+$0x10960] =	vst v3;
	v3 =	vadd.f32 v52, v51  }
0x1ce: {  	v46 =	vadd.f32 v54, v53;
	v53 =	vld [tilespmem:s0+$0x11550];
	[tilespmem:s0+$0x10950] =	vst v40  }
0x1cf: {  	v54 =	vld [tilespmem:s0+$0x9550];
	[tilespmem:s0+$0x10D00] =	vst v3;
	v3 =	vadd.f32 v56, v55  }
0x1d0: {  	v36 =	vld [tilespmem:s0+$0x9910];
	v43 =	vadd.f32 v50, v49;
	[tilespmem:s0+$0x10D10] =	vst v46  }
0x1d1: {  	v38 =	vld [tilespmem:s0+$0x11920];
	[tilespmem:s0+$0x10D20] =	vst v3;
	v3 =	vadd.f32 v60, v59  }
0x1d2: {  	v44 =	vld [tilespmem:s0+$0x11520];
	v49 =	vadd.f32 v58, v57;
	[tilespmem:s0+$0x10970] =	vst v43  }
0x1d3: {  	v50 =	vld [tilespmem:s0+$0x11540];
	[tilespmem:s0+$0x10D40] =	vst v3;
	v3 =	vadd.f32 v4, v63  }
0x1d4: {  	v57 =	vld [tilespmem:s0+$0x9560];
	v58 =	vadd.f32 v11, v10;
	[tilespmem:s0+$0x10D30] =	vst v49  }
0x1d5: {  	v46 =	vld [tilespmem:s0+$0x9950];
	[tilespmem:s0+$0x10D60] =	vst v3;
	v3 =	vadd.f32 v9, v8  }
0x1d6: {  	v37 =	vadd.f32 v37, v22;
	v40 =	vadd.f32 v42, v41;
	v41 =	vld [tilespmem:s0+$0x11930];
	[tilespmem:s0+$0x11110] =	vst v58  }
0x1d7: {  	v42 =	vld [tilespmem:s0+$0x9930];
	[tilespmem:s0+$0x11100] =	vst v3;
	v3 =	vadd.f32 v13, v12  }
0x1d8: {  	v47 =	vld [tilespmem:s0+$0x11530];
	[tilespmem:s0+$0x11170] =	vst v37  }
0x1d9: {  	v48 =	vld [tilespmem:s0+$0x9530];
	[tilespmem:s0+$0x11120] =	vst v3;
	v3 =	vadd.f32 v17, v16  }
0x1da: {  	v49 =	vld [tilespmem:s0+$0x9960];
	[tilespmem:s0+$0x11510] =	vst v40;
	v52 =	vadd.f32 v62, v61  }
0x1db: {  	v51 =	vld [tilespmem:s0+$0x9540];
	[tilespmem:s0+$0x11140] =	vst v3;
	v3 =	vadd.f32 v21, v20  }
0x1dc: {  	v61 =	vadd.f32 v15, v14;
	v62 =	vld [tilespmem:s0+$0x11900];
	[tilespmem:s0+$0x10D50] =	vst v52  }
0x1dd: {  	v56 =	vld [tilespmem:s0+$0x11560];
	[tilespmem:s0+$0x11160] =	vst v3;
	v3 =	vadd.f32 v39, v24  }
0x1de: {  	v55 =	vadd.f32 v7, v6;
	[tilespmem:s0+$0x11130] =	vst v61;
	v52 =	vld [tilespmem:s0+$0x9970]  }
0x1df: {  	v43 =	vadd.f32 v48, v47;
	v47 =	vld [tilespmem:s0+$0x11960];
	[tilespmem:s0+$0x11500] =	vst v3;
	v3 =	vadd.f32 v45, v44  }
0x1e0: {  	[tilespmem:s0+$0x10D70] =	vst v55;
	v63 =	vld [tilespmem:s0+$0x9900]  }
0x1e1: {  	v59 =	vld [tilespmem:s0+$0x11570];
	[tilespmem:s0+$0x11520] =	vst v3;
	v3 =	vadd.f32 v51, v50  }
0x1e2: {  	[tilespmem:s0+$0x11530] =	vst v43;
	v4 =	vadd.f32 v54, v53;
	v39 =	vld [tilespmem:s0+$0x9920]  }
0x1e3: {  	v60 =	vld [tilespmem:s0+$0x9570];
	[tilespmem:s0+$0x11540] =	vst v3;
	v3 =	vadd.f32 v57, v56  }
0x1e4: {  	v54 =	vadd.f32 v42, v41;
	[tilespmem:s0+$0x11550] =	vst v4;
	v45 =	vld [tilespmem:s0+$0x11950]  }
0x1e5: {  	v53 =	vld [tilespmem:s0+$0x9940];
	[tilespmem:s0+$0x11560] =	vst v3;
	v3 =	vadd.f32 v63, v62  }
0x1e6: {  	[tilespmem:s0+$0x11930] =	vst v54;
	v55 =	vadd.f32 v49, v47;
	v50 =	vld [tilespmem:s0+$0x11970]  }
0x1e7: {  	v44 =	vld [tilespmem:s0+$0x11940];
	[tilespmem:s0+$0x11900] =	vst v3;
	v3 =	vadd.f32 v39, v38  }
0x1e8: {  	v48 =	vadd.f32 v60, v59;
	[tilespmem:s0+$0x11960] =	vst v55  }
0x1e9: {  	[tilespmem:s0+$0x11920] =	vst v3;
	v3 =	vadd.f32 v46, v45  }
0x1ea: {  	s13 =	sand.u32 $0x7, s5;
	[tilespmem:s0+$0x11570] =	vst v48;
	v51 =	vadd.f32 v36, v35  }
0x1eb: {  	s1 =	sshll.u32 s13, $0x7;
	[tilespmem:s0+$0x11950] =	vst v3;
	v3 =	vadd.f32 v52, v50  }
0x1ec: {  	s1 =	sadd.s32 s1, s11;
	[tilespmem:s0+$0x11910] =	vst v51;
	v56 =	vadd.f32 v53, v44  }
0x1ed: {  	s13 =	sor.u32 $0x1C00, s1;
	[tilespmem:s0+$0x11970] =	vst v3  }
0x1ee: {  	[tilespmem:s0+$0x11940] =	vst v56;
	v3 =	vld [tilespmem:s13+$0x10100]  }
0x1ef: {  	v4 =	vld [tilespmem:s13+$0x8100];
	_ =	sdelay $0x4  }
0x1f0: {  	v3 =	vadd.f32 v4, v3;
	_ =	sdelay $0x1  }
0x1f1: {  	[tilespmem:s13+$0x10100] =	vst v3;
	s13 =	sor.u32 $0x1C10, s1  }
0x1f2: {  	v3 =	vld [tilespmem:s13+$0x10100]  }
0x1f3: {  	v57 =	vld [tilespmem:s13+$0x8100];
	_ =	sdelay $0x4  }
0x1f4: {  	v3 =	vadd.f32 v57, v3;
	_ =	sdelay $0x1  }
0x1f5: {  	[tilespmem:s13+$0x10100] =	vst v3;
	s13 =	sor.u32 $0x1C20, s1  }
0x1f6: {  	v3 =	vld [tilespmem:s13+$0x10100]  }
0x1f7: {  	v58 =	vld [tilespmem:s13+$0x8100];
	_ =	sdelay $0x4  }
0x1f8: {  	v3 =	vadd.f32 v58, v3;
	_ =	sdelay $0x1  }
0x1f9: {  	[tilespmem:s13+$0x10100] =	vst v3;
	s13 =	sor.u32 $0x1C30, s1  }
0x1fa: {  	v3 =	vld [tilespmem:s13+$0x10100]  }
0x1fb: {  	v59 =	vld [tilespmem:s13+$0x8100];
	_ =	sdelay $0x4  }
0x1fc: {  	v3 =	vadd.f32 v59, v3;
	_ =	sdelay $0x1  }
0x1fd: {  	[tilespmem:s13+$0x10100] =	vst v3;
	s13 =	sor.u32 $0x1C40, s1  }
0x1fe: {  	v3 =	vld [tilespmem:s13+$0x10100]  }
0x1ff: {  	v60 =	vld [tilespmem:s13+$0x8100];
	_ =	sdelay $0x4  }
0x200: {  	v3 =	vadd.f32 v60, v3;
	_ =	sdelay $0x1  }
0x201: {  	[tilespmem:s13+$0x10100] =	vst v3;
	s13 =	sor.u32 $0x1C50, s1  }
0x202: {  	v3 =	vld [tilespmem:s13+$0x10100]  }
0x203: {  	v61 =	vld [tilespmem:s13+$0x8100];
	_ =	sdelay $0x4  }
0x204: {  	v3 =	vadd.f32 v61, v3;
	_ =	sdelay $0x1  }
0x205: {  	[tilespmem:s13+$0x10100] =	vst v3;
	s13 =	sor.u32 $0x1C60, s1  }
0x206: {  	v3 =	vld [tilespmem:s13+$0x10100]  }
0x207: {  	v62 =	vld [tilespmem:s13+$0x8100];
	_ =	sdelay $0x4  }
0x208: {  	v3 =	vadd.f32 v62, v3;
	_ =	sdelay $0x1  }
0x209: {  	[tilespmem:s13+$0x10100] =	vst v3;
	s13 =	sor.u32 $0x1C70, s1  }
0x20a: {  	v3 =	vld [tilespmem:s13+$0x10100]  }
0x20b: {  	v63 =	vld [tilespmem:s13+$0x8100];
	_ =	sdelay $0x1  }
0x20c: {  	p0 =	sne.s32 s31, $0xF80  }
.Ltmp1:
0x20d: {  	_ = 	snop;
	(pc) =	sbr.rel @p0 .LBB2_4-.Ltmp1, $4  }
0x20e: {  	_ = 	snop  }
0x20f: {  	v3 =	vadd.f32 v63, v3  }
0x210: {  	s5 =	sadd.s32 $0x1, s5  }
0x211: {  	s10 =	sadd.s32 $0x400, s10;
	s31 =	sadd.s32 $0x80, s31;
	s11 =	sadd.s32 $0x400, s11;
	[tilespmem:s13+$0x10100] =	vst v3  }
0x212: {  	s0 =	rddreg [dreg:$0x5]  }
0x213: {  	[hbm4b:s0+s2] =	stream.linear.scatter [tilespmem:s30], [sflag:$0x3], $0x8000, $0x38;
	[tilespmem:$0x18100] =	vst v63  }
0x214: {  	_ =	swait.ge [sflag:s14], $0x8000  }
0x215: {  	[sflag:s14] =	ssyncset.done $0x0  }
0x216: {  	[sflag:s14] =	ssyncadd.s32 $0xFFFF8000  }
0x217: {  	_ =	swait.ge [sflag:s14], $0x8000  }
0x218: {  	s4 =	sadd.s32 $0x1, s4;
	s31 =	rddreg [dreg:$0x6]  }
0x219: {  	p0 =	sne.s32 s4, s31  }
.Ltmp2:
0x21a: {  	_ = 	snop;
	(pc) =	sbr.rel @p0 .LBB2_1-.Ltmp2, $3  }
0x21b: {  	_ =	sdelay $0x1  }
0x21c: {  	[sflag:s14] =	ssyncset.done $0x0  }
0x21d: {  	[sflag:s14] =	ssyncadd.s32 $0xFFFF8000  }
0x21e: {  	_ =	sfence.sel $0x180000  }
0x21f: {  	[bflag:$0x0] =	sbarrier.arrive $0xFFFF  }
0x220: {  	_ =	strace $0x9000004A  }
0x221: {  	s0 =	stileid.u32;
	[bflag:$0x2] =	sbarrier.arrive $0xFFFF  }
0x222: {  	p0 =	sne.s32 s0, $0x0;
	s0 =	rddreg [dreg:$0x2]  }
0x223: {  	s0 =	sadd.s32 @!p0 $0x100000, s0  }
0x224: {  	[sflag:s0] =	ssyncadd.tile.s32 @!p0 $0x1;
	_ =	shalt  }
.Lfunc_end2:
_tile_overlayer_lowered:
.L_overlay_start_2:
0x225: {  	(tag) =	ssettag $0x2  }
0x226: {  	s0 =	rddreg [dreg:$0x0];
	s2 =	stileid.u32  }
0x227: {  	s1 =	rddreg [dreg:$0x1];
	p0 =	sne.s32 s2, $0x0  }
0x228: {  	s3 =	rddreg [dreg:$0x2];
	[bflag:$0x3] =	sbarrier.arrive $0xFFFF;
	s2 =	simm.s32 @!p0 $0x1C04  }
0x229: {  	[timem:s3], [sflag:s2] =	dma.local @!p0 [hbm:s0], s1  }
0x22a: {  	s0 =	simm.s32 @!p0 $0x4  }
0x22b: {  	_ =	swait.ge @!p0 [sflag:s0], s1  }
0x22c: {  	s1 =	ssub.s32 @!p0 $0x0, s1;
	[sflag:s0] =	ssyncset.done @!p0 $0x0  }
0x22d: {  	[sflag:s0] =	ssyncadd.s32 @!p0 s1  }
0x22e: {  	[bflag:$0x3] =	sbarrier.arrive $0xFFFF  }
0x22f: {  	_ =	shalt  }

</sc_bundles>
